<compile_context>
chip_gen: v7x
topology: tpu7x:2x2x1
jax: 0.10.2.dev20260603
libtpu: 0.0.44.dev20260713+nightly
codegen_flags: <defaults>
</compile_context>

<pallas_src>
import functools

import jax
import jax.numpy as jnp
import numpy as np
from jax import lax
from jax.experimental import pallas as pl
from jax.experimental.pallas import tpu as pltpu
from jax.experimental.pallas import tpu_sc as plsc

N = 10000
E = 320000
D = 128
NCLS = 40

NC = 2
NS = 16
NW = NC * NS
CHUNK = 128
K0 = 40
K1 = 120
GRP = 40
SUB = 2
HS = CHUNK // SUB
EPAD = NS * (K0 + K1) * CHUNK
E0 = NS * K0 * CHUNK
RDUM = 240
R = N + RDUM
RPT = R // NS
RB = 1000


def _zero_buf(buf, rows, width):
    @pl.loop(0, rows)
    def _(r):
        @pl.loop(0, width, step=16)
        def _(w):
            buf.at[pl.ds(r, 1), pl.ds(w, 16)][...] = jnp.zeros((1, 16), jnp.float32)


def _fill_ones(buf, rows, width):
    @pl.loop(0, rows)
    def _(r):
        @pl.loop(0, width, step=16)
        def _(w):
            buf.at[pl.ds(r, 1), pl.ds(w, 16)][...] = jnp.ones((1, 16), jnp.float32)


def _sc_readout(acc, out_h, c, s, width):
    nfull = (N // RPT)
    @pl.when(s < nfull)
    def _():
        pltpu.sync_copy(acc.at[pl.ds(s * RPT, RPT)],
                        out_h.at[c, pl.ds(s * RPT, RPT)])
    @pl.when(s == nfull)
    def _():
        pltpu.sync_copy(acc.at[pl.ds(nfull * RPT, N - nfull * RPT)],
                        out_h.at[c, pl.ds(nfull * RPT, N - nfull * RPT)])


def _sc_degree(ones_hbm, dstp):
    kch = EPAD // (NW * CHUNK)
    mesh = plsc.VectorSubcoreMesh(core_axis_name="c", subcore_axis_name="s")

    @functools.partial(
        pl.kernel,
        out_type=jax.ShapeDtypeStruct((NC, N, D), jnp.float32),
        mesh=mesh,
        scratch_types=[
            pltpu.VMEM((kch, CHUNK), jnp.int32),
            pltpu.VMEM((CHUNK, D), jnp.float32),
            pltpu.VMEM_SHARED((R, D), jnp.float32),
        ],
    )
    def k(ones_h, dst_h, out_h, dst_v, ones_v, acc):
        c = lax.axis_index("c")
        s = lax.axis_index("s")
        g = c * NS + s
        pltpu.sync_copy(dst_h.at[g], dst_v)
        _zero_buf(ones_v, CHUNK, D)
        @pl.loop(0, RPT, step=CHUNK)
        def _(r0):
            pltpu.sync_copy(ones_v, acc.at[pl.ds(s * RPT + r0, CHUNK)])
        pltpu.sync_copy(ones_h, ones_v)
        plsc.subcore_barrier()
        @pl.loop(0, kch)
        def _(j):
            pltpu.sync_copy(ones_v, acc.at[dst_v.at[j]], add=True)
        plsc.subcore_barrier()
        _sc_readout(acc, out_h, c, s, D)

    return k(ones_hbm, dstp)


def _sc_aggregate(table, src0, dst0, src1, dst1):
    mesh = plsc.VectorSubcoreMesh(core_axis_name="c", subcore_axis_name="s")

    @functools.partial(
        pl.kernel,
        out_type=jax.ShapeDtypeStruct((NC, N, D), jnp.float32),
        mesh=mesh,
        scratch_types=[
            pltpu.VMEM((GRP, CHUNK), jnp.int32),
            pltpu.VMEM((GRP, CHUNK), jnp.int32),
            pltpu.VMEM((CHUNK, D), jnp.float32),
            pltpu.VMEM((CHUNK, D), jnp.float32),
            pltpu.VMEM_SHARED((R, D), jnp.float32),
            pltpu.SemaphoreType.DMA,
            pltpu.SemaphoreType.DMA,
        ],
    )
    def k(tab_h, src0_h, dst0_h, src1_h, dst1_h, out_h,
          src_v, dst_v, bufa, bufb, acc, sga, sgb):
        c = lax.axis_index("c")
        s = lax.axis_index("s")
        _zero_buf(bufa, CHUNK, D)
        @pl.loop(0, RPT, step=CHUNK)
        def _(r0):
            pltpu.sync_copy(bufa, acc.at[pl.ds(s * RPT + r0, CHUNK)])
        plsc.subcore_barrier()

        def gissue(j, buf, sem):
            for h in range(SUB):
                pltpu.async_copy(tab_h.at[src_v.at[j, pl.ds(h * HS, HS)]],
                                 buf.at[pl.ds(h * HS, HS)], sem)

        def gwait(j, buf, sem):
            for h in range(SUB):
                pltpu.make_async_copy(
                    tab_h.at[src_v.at[j, pl.ds(h * HS, HS)]],
                    buf.at[pl.ds(h * HS, HS)], sem).wait()

        def agg_edges(src_h, dst_h, kch):
            @pl.loop(0, kch // GRP)
            def _(grp):
                pltpu.sync_copy(src_h.at[s, pl.ds(grp * GRP, GRP)], src_v)
                pltpu.sync_copy(dst_h.at[s, pl.ds(grp * GRP, GRP)], dst_v)
                gissue(0, bufa, sga)
                @pl.loop(0, GRP, step=2)
                def _(j):
                    gwait(j, bufa, sga)
                    gissue(j + 1, bufb, sgb)
                    pltpu.sync_copy(bufa, acc.at[dst_v.at[j]], add=True)
                    gwait(j + 1, bufb, sgb)
                    @pl.when(j + 2 < GRP)
                    def _():
                        gissue(j + 2, bufa, sga)
                    pltpu.sync_copy(bufb, acc.at[dst_v.at[j + 1]], add=True)

        @pl.when(c == 0)
        def _():
            agg_edges(src0_h, dst0_h, K0)
        @pl.when(c == 1)
        def _():
            agg_edges(src1_h, dst1_h, K1)
        plsc.subcore_barrier()
        _sc_readout(acc, out_h, c, s, D)

    return k(table, src0, dst0, src1, dst1)


def _dis_block(dacc):
    deg = dacc[0, :, 0:1] + dacc[1, :, 0:1]
    return lax.rsqrt(deg + 1.0)


def _tc_matmul_kernel(x_ref, w_ref, b_ref, o_ref):
    o_ref[...] = jnp.dot(x_ref[...], w_ref[...],
                         preferred_element_type=jnp.float32) + b_ref[...]


def _tc_scale_kernel(h_ref, dacc_ref, o_ref):
    o_ref[...] = h_ref[...] * _dis_block(dacc_ref[...])


def _tc_layer_kernel(p_ref, hs_ref, dacc_ref, w_ref, b_ref, o_ref):
    dis = _dis_block(dacc_ref[...])
    agg = dis * (p_ref[0].astype(jnp.float32) + p_ref[1].astype(jnp.float32)
                 + hs_ref[...])
    h = jnp.where(agg >= 0.0, agg, 0.01 * agg)
    o_ref[...] = (jnp.dot(h, w_ref[...],
                          preferred_element_type=jnp.float32) + b_ref[...]) * dis


def _tc_loss_kernel(p_ref, hs_ref, dacc_ref, w_ref, b_ref, lab_ref, o_ref):
    i = pl.program_id(0)
    dis = _dis_block(dacc_ref[...])
    agg = dis * (p_ref[0].astype(jnp.float32) + p_ref[1].astype(jnp.float32)
                 + hs_ref[...])
    h = jnp.where(agg >= 0.0, agg, 0.01 * agg)
    logits = jnp.dot(h, w_ref[...], preferred_element_type=jnp.float32) + b_ref[...]
    m = jnp.max(logits, axis=1, keepdims=True)
    lse = m + jnp.log(jnp.sum(jnp.exp(logits - m), axis=1, keepdims=True))
    col = lax.broadcasted_iota(jnp.int32, logits.shape, 1)
    sel = jnp.sum(jnp.where(col == lab_ref[...], logits, 0.0), axis=1,
                  keepdims=True)
    part = jnp.sum(lse - sel)

    @pl.when(i == 0)
    def _():
        o_ref[0, 0] = 0.0

    o_ref[0, 0] += part / N


def kernel(x, edge_index, labels, W1, b1, W2, b2, Wfc, bfc):
    src = edge_index[0]
    dst = edge_index[1]
    npad = EPAD - E
    pad_dst = jnp.asarray(N + (np.arange(npad) % RDUM), jnp.int32)
    srcp = jnp.concatenate([src, jnp.zeros((npad,), jnp.int32)])
    dstp = jnp.concatenate([dst, pad_dst])
    src0 = srcp[:E0].reshape(NS, K0, CHUNK)
    dst0 = dstp[:E0].reshape(NS, K0, CHUNK)
    src1 = srcp[E0:].reshape(NS, K1, CHUNK)
    dst1 = dstp[E0:].reshape(NS, K1, CHUNK)

    grid = (N // RB,)
    row_spec = pl.BlockSpec((RB, D), lambda i: (i, 0))
    p_spec = pl.BlockSpec((NC, RB, D), lambda i: (0, i, 0))
    dacc_spec = pl.BlockSpec((NC, RB, D), lambda i: (0, i, 0))
    w_spec = pl.BlockSpec((D, D), lambda i: (0, 0))
    b_spec = pl.BlockSpec((1, D), lambda i: (0, 0))
    hD = jax.ShapeDtypeStruct((N, D), jnp.float32)

    dacc = _sc_degree(jnp.ones((CHUNK, D), jnp.float32),
                      dstp.reshape(NW, EPAD // (NW * CHUNK), CHUNK))

    h1_pre = pl.pallas_call(
        _tc_matmul_kernel, grid=grid,
        in_specs=[row_spec, w_spec, b_spec], out_specs=row_spec,
        out_shape=hD,
    )(x, W1, b1.reshape(1, D))

    hs1 = pl.pallas_call(
        _tc_scale_kernel, grid=grid,
        in_specs=[row_spec, dacc_spec], out_specs=row_spec,
        out_shape=hD,
    )(h1_pre, dacc)

    P1 = _sc_aggregate(hs1, src0, dst0, src1, dst1)

    hs2 = pl.pallas_call(
        _tc_layer_kernel, grid=grid,
        in_specs=[p_spec, row_spec, dacc_spec, w_spec, b_spec],
        out_specs=row_spec, out_shape=hD,
    )(P1, hs1, dacc, W2, b2.reshape(1, D))

    P2 = _sc_aggregate(hs2, src0, dst0, src1, dst1)

    wfc_p = jnp.zeros((D, D), jnp.float32).at[:, :NCLS].set(Wfc)
    bfc_p = jnp.full((1, D), -1e30, jnp.float32).at[0, :NCLS].set(bfc)

    loss = pl.pallas_call(
        _tc_loss_kernel, grid=grid,
        in_specs=[p_spec, row_spec, dacc_spec, w_spec, b_spec,
                  pl.BlockSpec((RB, 1), lambda i: (i, 0))],
        out_specs=pl.BlockSpec(memory_space=pltpu.SMEM),
        out_shape=jax.ShapeDtypeStruct((1, 1), jnp.float32),
    )(P2, hs2, dacc, wfc_p, bfc_p, labels.reshape(N, 1))

    return loss[0, 0]

# --- scband reference (transcript-rebuilt; emitter-appended) ---
"""Pipeline reference for scband-base-gnn-63874753626442 (READ-ONLY COPY).

The authoritative reference and input builder live on the scoring server;
editing this copy changes nothing except your own understanding.
"""

import jax, jax.numpy as jnp
import numpy as np

N = 10000
E = 320000
D_IN = 128
D_H = 128
N_CLASSES = 40


def setup_inputs(seed: int = 0) -> dict:
    key = jax.random.key(seed)
    ks = jax.random.split(key, 10)
    x = jax.random.normal(ks[0], (N, D_IN), dtype=jnp.float32)
    edge_index = jax.random.randint(ks[1], (2, E), 0, N, dtype=jnp.int32)
    labels = jax.random.randint(ks[2], (N,), 0, N_CLASSES, dtype=jnp.int32)
    # learned parameters (kaiming-ish init)
    W1 = jax.random.normal(ks[3], (D_IN, D_H), dtype=jnp.float32) * (1.0 / np.sqrt(D_IN))
    b1 = jnp.zeros((D_H,), dtype=jnp.float32)
    W2 = jax.random.normal(ks[4], (D_H, D_H), dtype=jnp.float32) * (1.0 / np.sqrt(D_H))
    b2 = jnp.zeros((D_H,), dtype=jnp.float32)
    Wfc = jax.random.normal(ks[5], (D_H, N_CLASSES), dtype=jnp.float32) * (1.0 / np.sqrt(D_H))
    bfc = jnp.zeros((N_CLASSES,), dtype=jnp.float32)
    return {"x": x, "edge_index": edge_index, "labels": labels,
            "W1": W1, "b1": b1, "W2": W2, "b2": b2, "Wfc": Wfc, "bfc": bfc}


def reference(x, edge_index, labels, W1, b1, W2, b2, Wfc, bfc):
    # BaseGNN with model_name='GCN', n_hidden=1 -> two GCN layers + fc + log_softmax + nll_loss
    src = edge_index[0]
    dst = edge_index[1]
    # symmetric normalization with implicit self-loops
    deg = jnp.bincount(dst, length=N).astype(jnp.float32) + 1.0
    dis = jax.lax.rsqrt(deg)
    norm = (dis[src] * dis[dst])[:, None]
    self_norm = (dis * dis)[:, None]

    def gcn_layer(h, W, b):
        h = h @ W + b
        msgs = jnp.take(h, src, axis=0) * norm
        agg = jnp.zeros((N, h.shape[1]), dtype=h.dtype).at[dst].add(msgs)
        agg = agg + h * self_norm  # self-loop contribution
        return jax.nn.leaky_relu(agg, negative_slope=0.01)

    h = gcn_layer(x, W1, b1)
    h = gcn_layer(h, W2, b2)
    logits = h @ Wfc + bfc
    logp = jax.nn.log_softmax(logits, axis=-1)
    # F.nll_loss with default reduction='mean' (weight=None, ent=None path)
    picked = jnp.take_along_axis(logp, labels[:, None].astype(jnp.int32), axis=1)[:, 0]
    loss = -jnp.mean(picked)
    return loss

if __name__ == "__main__":
    import jax
    _d = setup_inputs()
    print(jax.jit(kernel)(*tuple(_d.values())))

</pallas_src>

<mosaic_0001>
#map = affine_map<(d0, d1) -> (0, 0)>
#map1 = affine_map<(d0, d1) -> (0, 0, 0)>
module attributes {stable_mosaic.version = 14 : i64} {
  func.func @k(%arg0: i32, %arg1: i32, %arg2: memref<128x128xf32, #tpu.memory_space<hbm>>, %arg3: memref<32x80x128xi32, #tpu.memory_space<hbm>>, %arg4: memref<2x10000x128xf32, #tpu.memory_space<hbm>>, %arg5: memref<80x128xi32, #tpu.memory_space<vmem>>, %arg6: memref<128x128xf32, #tpu.memory_space<vmem>>, %arg7: memref<10240x128xf32, #tpu.memory_space<vmem_shared>>) attributes {dimension_semantics = [#tpu.dimension_semantics<core_parallel>, #tpu.dimension_semantics<subcore_parallel>], iteration_bounds = array<i64: 2, 16>, scalar_prefetch = 0 : i64, scratch_operands = 3 : i64, tpu.core_type = #tpu.core_type<sc_vector_subcore>, window_params = [{transform_indices = #map}, {transform_indices = #map1}, {transform_indices = #map1}]} {
    %mul3A = arith.constant 16 : i32
    %mul3A_0 = arith.muli %arg0, %mul3A : i32
    %add3A = arith.addi %mul3A_0, %arg1 : i32
    "tpu.region"() ({
      %run_scoped3A = tpu.sem_alloc : memref<!tpu.dma_semaphore, #tpu.memory_space<semaphore_mem>>
      %dma_start3A = arith.constant 0 : i32
      %dma_start3A_22 = arith.constant 0 : i32
      %dma_start3A_23 = tpu.memref_slice %arg3[%add3A, %dma_start3A, %dma_start3A_22] : memref<32x80x128xi32, #tpu.memory_space<hbm>> -> memref<1x80x128xi32, #tpu.memory_space<hbm>>
      %dma_start3A_24 = tpu.memref_squeeze %dma_start3A_23 : memref<1x80x128xi32, #tpu.memory_space<hbm>> -> memref<80x128xi32, #tpu.memory_space<hbm>>
      %dma_start3A_25 = arith.constant 0 : i32
      %dma_start3A_26 = arith.constant 0 : i32
      %dma_start3A_27 = tpu.memref_slice %arg3[%add3A, %dma_start3A_25, %dma_start3A_26] : memref<32x80x128xi32, #tpu.memory_space<hbm>> -> memref<1x80x128xi32, #tpu.memory_space<hbm>>
      %dma_start3A_28 = tpu.memref_squeeze %dma_start3A_27 : memref<1x80x128xi32, #tpu.memory_space<hbm>> -> memref<80x128xi32, #tpu.memory_space<hbm>>
      tpu.enqueue_dma source(%dma_start3A_28 : memref<80x128xi32, #tpu.memory_space<hbm>>) target(%arg5 : memref<80x128xi32, #tpu.memory_space<vmem>>) target_semaphore(%run_scoped3A : memref<!tpu.dma_semaphore, #tpu.memory_space<semaphore_mem>>)
      %dma_wait3A = arith.constant 0 : i32
      %dma_wait3A_29 = arith.constant 0 : i32
      %dma_wait3A_30 = tpu.memref_slice %arg3[%add3A, %dma_wait3A, %dma_wait3A_29] : memref<32x80x128xi32, #tpu.memory_space<hbm>> -> memref<1x80x128xi32, #tpu.memory_space<hbm>>
      %dma_wait3A_31 = tpu.memref_squeeze %dma_wait3A_30 : memref<1x80x128xi32, #tpu.memory_space<hbm>> -> memref<80x128xi32, #tpu.memory_space<hbm>>
      %dma_wait3A_32 = arith.constant 0 : i32
      %dma_wait3A_33 = arith.constant 0 : i32
      %dma_wait3A_34 = tpu.memref_slice %arg3[%add3A, %dma_wait3A_32, %dma_wait3A_33] : memref<32x80x128xi32, #tpu.memory_space<hbm>> -> memref<1x80x128xi32, #tpu.memory_space<hbm>>
      %dma_wait3A_35 = tpu.memref_squeeze %dma_wait3A_34 : memref<1x80x128xi32, #tpu.memory_space<hbm>> -> memref<80x128xi32, #tpu.memory_space<hbm>>
      tpu.wait_dma2 semaphore(%run_scoped3A : memref<!tpu.dma_semaphore, #tpu.memory_space<semaphore_mem>>) src(%dma_wait3A_35 : memref<80x128xi32, #tpu.memory_space<hbm>>) dst(%arg5 : memref<80x128xi32, #tpu.memory_space<vmem>>)
      tpu.yield
    }) : () -> ()
    %scan3A = arith.constant 0 : i32
    %scan3A_1 = arith.constant 128 : i32
    %scan3A_2 = arith.addi %scan3A, %scan3A_1 : i32
    %scan3A_3 = arith.constant 1 : i32
    scf.for %scan3A_22 = %scan3A to %scan3A_2 step %scan3A_3  : i32 {
      %mul3A_23 = arith.constant 1 : i32
      %mul3A_24 = arith.muli %scan3A_22, %mul3A_23 : i32
      %add3A_25 = arith.constant 0 : i32
      %add3A_26 = arith.addi %add3A_25, %mul3A_24 : i32
      %scan3A_27 = arith.constant 0 : i32
      %scan3A_28 = arith.constant 8 : i32
      %scan3A_29 = arith.addi %scan3A_27, %scan3A_28 : i32
      %scan3A_30 = arith.constant 1 : i32
      scf.for %scan3A_32 = %scan3A_27 to %scan3A_29 step %scan3A_30  : i32 {
        %mul3A_33 = arith.constant 16 : i32
        %mul3A_34 = arith.muli %scan3A_32, %mul3A_33 : i32
        %add3A_35 = arith.constant 0 : i32
        %add3A_36 = arith.addi %add3A_35, %mul3A_34 : i32
        %broadcast_in_dim3A = arith.constant 0.000000e+00 : f32
        %broadcast_in_dim3A_37 = vector.broadcast %broadcast_in_dim3A : f32 to vector<1x16xf32>
        %swap3A = arith.index_cast %add3A_26 : i32 to index
        %swap3A_38 = arith.index_cast %add3A_36 : i32 to index
        %swap3A_39 = tpu.vector_load %arg6[%swap3A, %swap3A_38] {strides = array<i32>} : memref<128x128xf32, #tpu.memory_space<vmem>>, vector<1x16xf32>,
        %swap3A_40 = vector.shape_cast %swap3A_39 : vector<1x16xf32> to vector<1x16xf32>
        %swap3A_41 = vector.shape_cast %broadcast_in_dim3A_37 : vector<1x16xf32> to vector<1x16xf32>
        tpu.vector_store %arg6[%swap3A, %swap3A_38], %swap3A_41 {strides = array<i32>} : memref<128x128xf32, #tpu.memory_space<vmem>>, vector<1x16xf32>,
      }
      %scan3A_31 = arith.constant 8 : i32
    }
    %scan3A_4 = arith.constant 128 : i32
    %scan3A_5 = arith.constant 0 : i32
    %scan3A_6 = arith.constant 5 : i32
    %scan3A_7 = arith.addi %scan3A_5, %scan3A_6 : i32
    %scan3A_8 = arith.constant 1 : i32
    scf.for %scan3A_22 = %scan3A_5 to %scan3A_7 step %scan3A_8  : i32 {
      %mul3A_23 = arith.constant 128 : i32
      %mul3A_24 = arith.muli %scan3A_22, %mul3A_23 : i32
      %add3A_25 = arith.constant 0 : i32
      %add3A_26 = arith.addi %add3A_25, %mul3A_24 : i32
      %mul3A_27 = arith.constant 640 : i32
      %mul3A_28 = arith.muli %arg1, %mul3A_27 : i32
      %add3A_29 = arith.addi %mul3A_28, %add3A_26 : i32
      "tpu.region"() ({
        %run_scoped3A = tpu.sem_alloc : memref<!tpu.dma_semaphore, #tpu.memory_space<semaphore_mem>>
        %dma_start3A = arith.constant 0 : i32
        %dma_start3A_30 = tpu.memref_slice %arg7[%add3A_29, %dma_start3A] : memref<10240x128xf32, #tpu.memory_space<vmem_shared>> -> memref<128x128xf32, #tpu.memory_space<vmem_shared>>
        %dma_start3A_31 = arith.constant 0 : i32
        %dma_start3A_32 = tpu.memref_slice %arg7[%add3A_29, %dma_start3A_31] : memref<10240x128xf32, #tpu.memory_space<vmem_shared>> -> memref<128x128xf32, #tpu.memory_space<vmem_shared>>
        tpu.enqueue_dma source(%arg6 : memref<128x128xf32, #tpu.memory_space<vmem>>) target(%dma_start3A_32 : memref<128x128xf32, #tpu.memory_space<vmem_shared>>) target_semaphore(%run_scoped3A : memref<!tpu.dma_semaphore, #tpu.memory_space<semaphore_mem>>)
        %dma_wait3A = arith.constant 0 : i32
        %dma_wait3A_33 = tpu.memref_slice %arg7[%add3A_29, %dma_wait3A] : memref<10240x128xf32, #tpu.memory_space<vmem_shared>> -> memref<128x128xf32, #tpu.memory_space<vmem_shared>>
        %dma_wait3A_34 = arith.constant 0 : i32
        %dma_wait3A_35 = tpu.memref_slice %arg7[%add3A_29, %dma_wait3A_34] : memref<10240x128xf32, #tpu.memory_space<vmem_shared>> -> memref<128x128xf32, #tpu.memory_space<vmem_shared>>
        tpu.wait_dma2 semaphore(%run_scoped3A : memref<!tpu.dma_semaphore, #tpu.memory_space<semaphore_mem>>) src(%arg6 : memref<128x128xf32, #tpu.memory_space<vmem>>) dst(%dma_wait3A_35 : memref<128x128xf32, #tpu.memory_space<vmem_shared>>)
        tpu.yield
      }) : () -> ()
    }
    %scan3A_9 = arith.constant 5 : i32
    "tpu.region"() ({
      %run_scoped3A = tpu.sem_alloc : memref<!tpu.dma_semaphore, #tpu.memory_space<semaphore_mem>>
      tpu.enqueue_dma source(%arg2 : memref<128x128xf32, #tpu.memory_space<hbm>>) target(%arg6 : memref<128x128xf32, #tpu.memory_space<vmem>>) target_semaphore(%run_scoped3A : memref<!tpu.dma_semaphore, #tpu.memory_space<semaphore_mem>>)
      tpu.wait_dma2 semaphore(%run_scoped3A : memref<!tpu.dma_semaphore, #tpu.memory_space<semaphore_mem>>) src(%arg2 : memref<128x128xf32, #tpu.memory_space<hbm>>) dst(%arg6 : memref<128x128xf32, #tpu.memory_space<vmem>>)
      tpu.yield
    }) : () -> ()
    %barrier3A = arith.constant 0 : index
    tpu.barrier barrier_id(%barrier3A)
    %scan3A_10 = arith.constant 0 : i32
    %scan3A_11 = arith.constant 80 : i32
    %scan3A_12 = arith.addi %scan3A_10, %scan3A_11 : i32
    %scan3A_13 = arith.constant 1 : i32
    scf.for %scan3A_22 = %scan3A_10 to %scan3A_12 step %scan3A_13  : i32 {
      %mul3A_23 = arith.constant 1 : i32
      %mul3A_24 = arith.muli %scan3A_22, %mul3A_23 : i32
      %add3A_25 = arith.constant 0 : i32
      %add3A_26 = arith.addi %add3A_25, %mul3A_24 : i32
      "tpu.region"() ({
        %run_scoped3A = tpu.sem_alloc : memref<!tpu.dma_semaphore, #tpu.memory_space<semaphore_mem>>
        %dma_start3A = arith.constant 0 : i32
        %dma_start3A_27 = tpu.memref_slice %arg5[%add3A_26, %dma_start3A] : memref<80x128xi32, #tpu.memory_space<vmem>> -> memref<1x128xi32, #tpu.memory_space<vmem>>
        %dma_start3A_28 = tpu.memref_squeeze %dma_start3A_27 : memref<1x128xi32, #tpu.memory_space<vmem>> -> memref<128xi32, #tpu.memory_space<vmem>>
        %dma_start3A_29 = arith.constant 0 : i32
        %dma_start3A_30 = arith.constant 0 : i32
        %dma_start3A_31 = tpu.memref_slice %arg7[%dma_start3A_29, %dma_start3A_30] : memref<10240x128xf32, #tpu.memory_space<vmem_shared>> -> memref<10240x128xf32, #tpu.memory_space<vmem_shared>>
        tpu.enqueue_indirect_dma source(%arg6 : memref<128x128xf32, #tpu.memory_space<vmem>>) target(%dma_start3A_31 : memref<10240x128xf32, #tpu.memory_space<vmem_shared>>) offsets(%dma_start3A_28 : memref<128xi32, #tpu.memory_space<vmem>>) semaphore(%run_scoped3A : memref<!tpu.dma_semaphore, #tpu.memory_space<semaphore_mem>>) {add = true}
        %dma_wait3A = arith.constant 0 : i32
        %dma_wait3A_32 = tpu.memref_slice %arg5[%add3A_26, %dma_wait3A] : memref<80x128xi32, #tpu.memory_space<vmem>> -> memref<1x128xi32, #tpu.memory_space<vmem>>
        %dma_wait3A_33 = tpu.memref_squeeze %dma_wait3A_32 : memref<1x128xi32, #tpu.memory_space<vmem>> -> memref<128xi32, #tpu.memory_space<vmem>>
        %dma_wait3A_34 = arith.constant 0 : i32
        %dma_wait3A_35 = arith.constant 0 : i32
        %dma_wait3A_36 = tpu.memref_slice %arg7[%dma_wait3A_34, %dma_wait3A_35] : memref<10240x128xf32, #tpu.memory_space<vmem_shared>> -> memref<10240x128xf32, #tpu.memory_space<vmem_shared>>
        tpu.wait_indirect_dma semaphore(%run_scoped3A : memref<!tpu.dma_semaphore, #tpu.memory_space<semaphore_mem>>) src(%arg6 : memref<128x128xf32, #tpu.memory_space<vmem>>) dst(%dma_wait3A_36 : memref<10240x128xf32, #tpu.memory_space<vmem_shared>>)
        tpu.yield
      }) : () -> ()
    }
    %scan3A_14 = arith.constant 80 : i32
    %barrier3A_15 = arith.constant 0 : index
    tpu.barrier barrier_id(%barrier3A_15)
    %lt3A = arith.constant 15 : i32
    %lt3A_16 = arith.cmpi slt, %arg1, %lt3A : i32
    %convert_element_type3A = arith.extui %lt3A_16 : i1 to i32
    %cond3A = arith.constant 0 : i32
    %cond3A_17 = arith.cmpi ne, %convert_element_type3A, %cond3A : i32
    scf.if %cond3A_17 {
      %mul3A_22 = arith.constant 640 : i32
      %mul3A_23 = arith.muli %arg1, %mul3A_22 : i32
      %mul3A_24 = arith.constant 640 : i32
      %mul3A_25 = arith.muli %arg1, %mul3A_24 : i32
      "tpu.region"() ({
        %run_scoped3A = tpu.sem_alloc : memref<!tpu.dma_semaphore, #tpu.memory_space<semaphore_mem>>
        %dma_start3A = arith.constant 0 : i32
        %dma_start3A_26 = tpu.memref_slice %arg4[%arg0, %mul3A_25, %dma_start3A] : memref<2x10000x128xf32, #tpu.memory_space<hbm>> -> memref<1x640x128xf32, #tpu.memory_space<hbm>>
        %dma_start3A_27 = tpu.memref_squeeze %dma_start3A_26 : memref<1x640x128xf32, #tpu.memory_space<hbm>> -> memref<640x128xf32, #tpu.memory_space<hbm>>
        %dma_start3A_28 = arith.constant 0 : i32
        %dma_start3A_29 = tpu.memref_slice %arg7[%mul3A_23, %dma_start3A_28] : memref<10240x128xf32, #tpu.memory_space<vmem_shared>> -> memref<640x128xf32, #tpu.memory_space<vmem_shared>>
        tpu.enqueue_dma source(%dma_start3A_29 : memref<640x128xf32, #tpu.memory_space<vmem_shared>>) target(%dma_start3A_27 : memref<640x128xf32, #tpu.memory_space<hbm>>) target_semaphore(%run_scoped3A : memref<!tpu.dma_semaphore, #tpu.memory_space<semaphore_mem>>)
        %dma_wait3A = arith.constant 0 : i32
        %dma_wait3A_30 = tpu.memref_slice %arg4[%arg0, %mul3A_25, %dma_wait3A] : memref<2x10000x128xf32, #tpu.memory_space<hbm>> -> memref<1x640x128xf32, #tpu.memory_space<hbm>>
        %dma_wait3A_31 = tpu.memref_squeeze %dma_wait3A_30 : memref<1x640x128xf32, #tpu.memory_space<hbm>> -> memref<640x128xf32, #tpu.memory_space<hbm>>
        %dma_wait3A_32 = arith.constant 0 : i32
        %dma_wait3A_33 = tpu.memref_slice %arg7[%mul3A_23, %dma_wait3A_32] : memref<10240x128xf32, #tpu.memory_space<vmem_shared>> -> memref<640x128xf32, #tpu.memory_space<vmem_shared>>
        tpu.wait_dma2 semaphore(%run_scoped3A : memref<!tpu.dma_semaphore, #tpu.memory_space<semaphore_mem>>) src(%dma_wait3A_33 : memref<640x128xf32, #tpu.memory_space<vmem_shared>>) dst(%dma_wait3A_31 : memref<640x128xf32, #tpu.memory_space<hbm>>)
        tpu.yield
      }) : () -> ()
    } else {
    }
    %eq3A = arith.constant 15 : i32
    %eq3A_18 = arith.cmpi eq, %arg1, %eq3A : i32
    %convert_element_type3A_19 = arith.extui %eq3A_18 : i1 to i32
    %cond3A_20 = arith.constant 0 : i32
    %cond3A_21 = arith.cmpi ne, %convert_element_type3A_19, %cond3A_20 : i32
    scf.if %cond3A_21 {
      "tpu.region"() ({
        %run_scoped3A = tpu.sem_alloc : memref<!tpu.dma_semaphore, #tpu.memory_space<semaphore_mem>>
        %dma_start3A = arith.constant 9600 : i32
        %dma_start3A_22 = arith.constant 0 : i32
        %dma_start3A_23 = tpu.memref_slice %arg4[%arg0, %dma_start3A, %dma_start3A_22] : memref<2x10000x128xf32, #tpu.memory_space<hbm>> -> memref<1x400x128xf32, #tpu.memory_space<hbm>>
        %dma_start3A_24 = tpu.memref_squeeze %dma_start3A_23 : memref<1x400x128xf32, #tpu.memory_space<hbm>> -> memref<400x128xf32, #tpu.memory_space<hbm>>
        %dma_start3A_25 = arith.constant 9600 : i32
        %dma_start3A_26 = arith.constant 0 : i32
        %dma_start3A_27 = tpu.memref_slice %arg7[%dma_start3A_25, %dma_start3A_26] : memref<10240x128xf32, #tpu.memory_space<vmem_shared>> -> memref<400x128xf32, #tpu.memory_space<vmem_shared>>
        tpu.enqueue_dma source(%dma_start3A_27 : memref<400x128xf32, #tpu.memory_space<vmem_shared>>) target(%dma_start3A_24 : memref<400x128xf32, #tpu.memory_space<hbm>>) target_semaphore(%run_scoped3A : memref<!tpu.dma_semaphore, #tpu.memory_space<semaphore_mem>>)
        %dma_wait3A = arith.constant 9600 : i32
        %dma_wait3A_28 = arith.constant 0 : i32
        %dma_wait3A_29 = tpu.memref_slice %arg4[%arg0, %dma_wait3A, %dma_wait3A_28] : memref<2x10000x128xf32, #tpu.memory_space<hbm>> -> memref<1x400x128xf32, #tpu.memory_space<hbm>>
        %dma_wait3A_30 = tpu.memref_squeeze %dma_wait3A_29 : memref<1x400x128xf32, #tpu.memory_space<hbm>> -> memref<400x128xf32, #tpu.memory_space<hbm>>
        %dma_wait3A_31 = arith.constant 9600 : i32
        %dma_wait3A_32 = arith.constant 0 : i32
        %dma_wait3A_33 = tpu.memref_slice %arg7[%dma_wait3A_31, %dma_wait3A_32] : memref<10240x128xf32, #tpu.memory_space<vmem_shared>> -> memref<400x128xf32, #tpu.memory_space<vmem_shared>>
        tpu.wait_dma2 semaphore(%run_scoped3A : memref<!tpu.dma_semaphore, #tpu.memory_space<semaphore_mem>>) src(%dma_wait3A_33 : memref<400x128xf32, #tpu.memory_space<vmem_shared>>) dst(%dma_wait3A_30 : memref<400x128xf32, #tpu.memory_space<hbm>>)
        tpu.yield
      }) : () -> ()
    } else {
    }
    return
  }
}

#map = affine_map<(d0, d1) -> (0, 0)>
#map1 = affine_map<(d0, d1) -> (0, 0, 0)>
module attributes {stable_mosaic.version = 14 : i64} {
  func.func @k(%arg0: i32, %arg1: i32, %arg2: memref<10000x128xf32, #tpu.memory_space<hbm>>, %arg3: memref<16x40x128xi32, #tpu.memory_space<hbm>>, %arg4: memref<16x40x128xi32, #tpu.memory_space<hbm>>, %arg5: memref<16x120x128xi32, #tpu.memory_space<hbm>>, %arg6: memref<16x120x128xi32, #tpu.memory_space<hbm>>, %arg7: memref<2x10000x128xf32, #tpu.memory_space<hbm>>, %arg8: memref<40x128xi32, #tpu.memory_space<vmem>>, %arg9: memref<40x128xi32, #tpu.memory_space<vmem>>, %arg10: memref<128x128xf32, #tpu.memory_space<vmem>>, %arg11: memref<128x128xf32, #tpu.memory_space<vmem>>, %arg12: memref<10240x128xf32, #tpu.memory_space<vmem_shared>>, %arg13: memref<!tpu.dma_semaphore, #tpu.memory_space<semaphore_mem>>, %arg14: memref<!tpu.dma_semaphore, #tpu.memory_space<semaphore_mem>>) attributes {dimension_semantics = [#tpu.dimension_semantics<core_parallel>, #tpu.dimension_semantics<subcore_parallel>], iteration_bounds = array<i64: 2, 16>, scalar_prefetch = 0 : i64, scratch_operands = 7 : i64, tpu.core_type = #tpu.core_type<sc_vector_subcore>, window_params = [{transform_indices = #map}, {transform_indices = #map1}, {transform_indices = #map1}, {transform_indices = #map1}, {transform_indices = #map1}, {transform_indices = #map1}]} {
    %scan3A = arith.constant 0 : i32
    %scan3A_0 = arith.constant 128 : i32
    %scan3A_1 = arith.addi %scan3A, %scan3A_0 : i32
    %scan3A_2 = arith.constant 1 : i32
    scf.for %scan3A_26 = %scan3A to %scan3A_1 step %scan3A_2  : i32 {
      %mul3A = arith.constant 1 : i32
      %mul3A_27 = arith.muli %scan3A_26, %mul3A : i32
      %add3A = arith.constant 0 : i32
      %add3A_28 = arith.addi %add3A, %mul3A_27 : i32
      %scan3A_29 = arith.constant 0 : i32
      %scan3A_30 = arith.constant 8 : i32
      %scan3A_31 = arith.addi %scan3A_29, %scan3A_30 : i32
      %scan3A_32 = arith.constant 1 : i32
      scf.for %scan3A_34 = %scan3A_29 to %scan3A_31 step %scan3A_32  : i32 {
        %mul3A_35 = arith.constant 16 : i32
        %mul3A_36 = arith.muli %scan3A_34, %mul3A_35 : i32
        %add3A_37 = arith.constant 0 : i32
        %add3A_38 = arith.addi %add3A_37, %mul3A_36 : i32
        %broadcast_in_dim3A = arith.constant 0.000000e+00 : f32
        %broadcast_in_dim3A_39 = vector.broadcast %broadcast_in_dim3A : f32 to vector<1x16xf32>
        %swap3A = arith.index_cast %add3A_28 : i32 to index
        %swap3A_40 = arith.index_cast %add3A_38 : i32 to index
        %swap3A_41 = tpu.vector_load %arg10[%swap3A, %swap3A_40] {strides = array<i32>} : memref<128x128xf32, #tpu.memory_space<vmem>>, vector<1x16xf32>,
        %swap3A_42 = vector.shape_cast %swap3A_41 : vector<1x16xf32> to vector<1x16xf32>
        %swap3A_43 = vector.shape_cast %broadcast_in_dim3A_39 : vector<1x16xf32> to vector<1x16xf32>
        tpu.vector_store %arg10[%swap3A, %swap3A_40], %swap3A_43 {strides = array<i32>} : memref<128x128xf32, #tpu.memory_space<vmem>>, vector<1x16xf32>,
      }
      %scan3A_33 = arith.constant 8 : i32
    }
    %scan3A_3 = arith.constant 128 : i32
    %scan3A_4 = arith.constant 0 : i32
    %scan3A_5 = arith.constant 5 : i32
    %scan3A_6 = arith.addi %scan3A_4, %scan3A_5 : i32
    %scan3A_7 = arith.constant 1 : i32
    scf.for %scan3A_26 = %scan3A_4 to %scan3A_6 step %scan3A_7  : i32 {
      %mul3A = arith.constant 128 : i32
      %mul3A_27 = arith.muli %scan3A_26, %mul3A : i32
      %add3A = arith.constant 0 : i32
      %add3A_28 = arith.addi %add3A, %mul3A_27 : i32
      %mul3A_29 = arith.constant 640 : i32
      %mul3A_30 = arith.muli %arg1, %mul3A_29 : i32
      %add3A_31 = arith.addi %mul3A_30, %add3A_28 : i32
      "tpu.region"() ({
        %run_scoped3A = tpu.sem_alloc : memref<!tpu.dma_semaphore, #tpu.memory_space<semaphore_mem>>
        %dma_start3A = arith.constant 0 : i32
        %dma_start3A_32 = tpu.memref_slice %arg12[%add3A_31, %dma_start3A] : memref<10240x128xf32, #tpu.memory_space<vmem_shared>> -> memref<128x128xf32, #tpu.memory_space<vmem_shared>>
        %dma_start3A_33 = arith.constant 0 : i32
        %dma_start3A_34 = tpu.memref_slice %arg12[%add3A_31, %dma_start3A_33] : memref<10240x128xf32, #tpu.memory_space<vmem_shared>> -> memref<128x128xf32, #tpu.memory_space<vmem_shared>>
        tpu.enqueue_dma source(%arg10 : memref<128x128xf32, #tpu.memory_space<vmem>>) target(%dma_start3A_34 : memref<128x128xf32, #tpu.memory_space<vmem_shared>>) target_semaphore(%run_scoped3A : memref<!tpu.dma_semaphore, #tpu.memory_space<semaphore_mem>>)
        %dma_wait3A = arith.constant 0 : i32
        %dma_wait3A_35 = tpu.memref_slice %arg12[%add3A_31, %dma_wait3A] : memref<10240x128xf32, #tpu.memory_space<vmem_shared>> -> memref<128x128xf32, #tpu.memory_space<vmem_shared>>
        %dma_wait3A_36 = arith.constant 0 : i32
        %dma_wait3A_37 = tpu.memref_slice %arg12[%add3A_31, %dma_wait3A_36] : memref<10240x128xf32, #tpu.memory_space<vmem_shared>> -> memref<128x128xf32, #tpu.memory_space<vmem_shared>>
        tpu.wait_dma2 semaphore(%run_scoped3A : memref<!tpu.dma_semaphore, #tpu.memory_space<semaphore_mem>>) src(%arg10 : memref<128x128xf32, #tpu.memory_space<vmem>>) dst(%dma_wait3A_37 : memref<128x128xf32, #tpu.memory_space<vmem_shared>>)
        tpu.yield
      }) : () -> ()
    }
    %scan3A_8 = arith.constant 5 : i32
    %barrier3A = arith.constant 0 : index
    tpu.barrier barrier_id(%barrier3A)
    %eq3A = arith.constant 0 : i32
    %eq3A_9 = arith.cmpi eq, %arg0, %eq3A : i32
    %convert_element_type3A = arith.extui %eq3A_9 : i1 to i32
    %cond3A = arith.constant 0 : i32
    %cond3A_10 = arith.cmpi ne, %convert_element_type3A, %cond3A : i32
    scf.if %cond3A_10 {
      %scan3A_26 = arith.constant 0 : i32
      %mul3A = arith.constant 1 : i32
      %mul3A_27 = arith.muli %scan3A_26, %mul3A : i32
      %add3A = arith.constant 0 : i32
      %add3A_28 = arith.addi %add3A, %mul3A_27 : i32
      %mul3A_29 = arith.constant 40 : i32
      %mul3A_30 = arith.muli %add3A_28, %mul3A_29 : i32
      "tpu.region"() ({
        %run_scoped3A = tpu.sem_alloc : memref<!tpu.dma_semaphore, #tpu.memory_space<semaphore_mem>>
        %dma_start3A_58 = arith.constant 0 : i32
        %dma_start3A_59 = tpu.memref_slice %arg3[%arg1, %mul3A_30, %dma_start3A_58] : memref<16x40x128xi32, #tpu.memory_space<hbm>> -> memref<1x40x128xi32, #tpu.memory_space<hbm>>
        %dma_start3A_60 = tpu.memref_squeeze %dma_start3A_59 : memref<1x40x128xi32, #tpu.memory_space<hbm>> -> memref<40x128xi32, #tpu.memory_space<hbm>>
        %dma_start3A_61 = arith.constant 0 : i32
        %dma_start3A_62 = tpu.memref_slice %arg3[%arg1, %mul3A_30, %dma_start3A_61] : memref<16x40x128xi32, #tpu.memory_space<hbm>> -> memref<1x40x128xi32, #tpu.memory_space<hbm>>
        %dma_start3A_63 = tpu.memref_squeeze %dma_start3A_62 : memref<1x40x128xi32, #tpu.memory_space<hbm>> -> memref<40x128xi32, #tpu.memory_space<hbm>>
        tpu.enqueue_dma source(%dma_start3A_63 : memref<40x128xi32, #tpu.memory_space<hbm>>) target(%arg8 : memref<40x128xi32, #tpu.memory_space<vmem>>) target_semaphore(%run_scoped3A : memref<!tpu.dma_semaphore, #tpu.memory_space<semaphore_mem>>)
        %dma_wait3A = arith.constant 0 : i32
        %dma_wait3A_64 = tpu.memref_slice %arg3[%arg1, %mul3A_30, %dma_wait3A] : memref<16x40x128xi32, #tpu.memory_space<hbm>> -> memref<1x40x128xi32, #tpu.memory_space<hbm>>
        %dma_wait3A_65 = tpu.memref_squeeze %dma_wait3A_64 : memref<1x40x128xi32, #tpu.memory_space<hbm>> -> memref<40x128xi32, #tpu.memory_space<hbm>>
        %dma_wait3A_66 = arith.constant 0 : i32
        %dma_wait3A_67 = tpu.memref_slice %arg3[%arg1, %mul3A_30, %dma_wait3A_66] : memref<16x40x128xi32, #tpu.memory_space<hbm>> -> memref<1x40x128xi32, #tpu.memory_space<hbm>>
        %dma_wait3A_68 = tpu.memref_squeeze %dma_wait3A_67 : memref<1x40x128xi32, #tpu.memory_space<hbm>> -> memref<40x128xi32, #tpu.memory_space<hbm>>
        tpu.wait_dma2 semaphore(%run_scoped3A : memref<!tpu.dma_semaphore, #tpu.memory_space<semaphore_mem>>) src(%dma_wait3A_68 : memref<40x128xi32, #tpu.memory_space<hbm>>) dst(%arg8 : memref<40x128xi32, #tpu.memory_space<vmem>>)
        tpu.yield
      }) : () -> ()
      %mul3A_31 = arith.constant 40 : i32
      %mul3A_32 = arith.muli %add3A_28, %mul3A_31 : i32
      "tpu.region"() ({
        %run_scoped3A = tpu.sem_alloc : memref<!tpu.dma_semaphore, #tpu.memory_space<semaphore_mem>>
        %dma_start3A_58 = arith.constant 0 : i32
        %dma_start3A_59 = tpu.memref_slice %arg4[%arg1, %mul3A_32, %dma_start3A_58] : memref<16x40x128xi32, #tpu.memory_space<hbm>> -> memref<1x40x128xi32, #tpu.memory_space<hbm>>
        %dma_start3A_60 = tpu.memref_squeeze %dma_start3A_59 : memref<1x40x128xi32, #tpu.memory_space<hbm>> -> memref<40x128xi32, #tpu.memory_space<hbm>>
        %dma_start3A_61 = arith.constant 0 : i32
        %dma_start3A_62 = tpu.memref_slice %arg4[%arg1, %mul3A_32, %dma_start3A_61] : memref<16x40x128xi32, #tpu.memory_space<hbm>> -> memref<1x40x128xi32, #tpu.memory_space<hbm>>
        %dma_start3A_63 = tpu.memref_squeeze %dma_start3A_62 : memref<1x40x128xi32, #tpu.memory_space<hbm>> -> memref<40x128xi32, #tpu.memory_space<hbm>>
        tpu.enqueue_dma source(%dma_start3A_63 : memref<40x128xi32, #tpu.memory_space<hbm>>) target(%arg9 : memref<40x128xi32, #tpu.memory_space<vmem>>) target_semaphore(%run_scoped3A : memref<!tpu.dma_semaphore, #tpu.memory_space<semaphore_mem>>)
        %dma_wait3A = arith.constant 0 : i32
        %dma_wait3A_64 = tpu.memref_slice %arg4[%arg1, %mul3A_32, %dma_wait3A] : memref<16x40x128xi32, #tpu.memory_space<hbm>> -> memref<1x40x128xi32, #tpu.memory_space<hbm>>
        %dma_wait3A_65 = tpu.memref_squeeze %dma_wait3A_64 : memref<1x40x128xi32, #tpu.memory_space<hbm>> -> memref<40x128xi32, #tpu.memory_space<hbm>>
        %dma_wait3A_66 = arith.constant 0 : i32
        %dma_wait3A_67 = tpu.memref_slice %arg4[%arg1, %mul3A_32, %dma_wait3A_66] : memref<16x40x128xi32, #tpu.memory_space<hbm>> -> memref<1x40x128xi32, #tpu.memory_space<hbm>>
        %dma_wait3A_68 = tpu.memref_squeeze %dma_wait3A_67 : memref<1x40x128xi32, #tpu.memory_space<hbm>> -> memref<40x128xi32, #tpu.memory_space<hbm>>
        tpu.wait_dma2 semaphore(%run_scoped3A : memref<!tpu.dma_semaphore, #tpu.memory_space<semaphore_mem>>) src(%dma_wait3A_68 : memref<40x128xi32, #tpu.memory_space<hbm>>) dst(%arg9 : memref<40x128xi32, #tpu.memory_space<vmem>>)
        tpu.yield
      }) : () -> ()
      %dma_start3A = arith.constant 0 : i32
      %dma_start3A_33 = arith.constant 0 : i32
      %dma_start3A_34 = arith.constant 0 : i32
      %dma_start3A_35 = tpu.memref_slice %arg10[%dma_start3A_33, %dma_start3A_34] : memref<128x128xf32, #tpu.memory_space<vmem>> -> memref<64x128xf32, #tpu.memory_space<vmem>>
      %dma_start3A_36 = arith.constant 0 : i32
      %dma_start3A_37 = tpu.memref_slice %arg8[%dma_start3A, %dma_start3A_36] : memref<40x128xi32, #tpu.memory_space<vmem>> -> memref<1x64xi32, #tpu.memory_space<vmem>>
      %dma_start3A_38 = tpu.memref_squeeze %dma_start3A_37 : memref<1x64xi32, #tpu.memory_space<vmem>> -> memref<64xi32, #tpu.memory_space<vmem>>
      %dma_start3A_39 = arith.constant 0 : i32
      %dma_start3A_40 = arith.constant 0 : i32
      %dma_start3A_41 = tpu.memref_slice %arg2[%dma_start3A_39, %dma_start3A_40] : memref<10000x128xf32, #tpu.memory_space<hbm>> -> memref<10000x128xf32, #tpu.memory_space<hbm>>
      tpu.enqueue_indirect_dma source(%dma_start3A_41 : memref<10000x128xf32, #tpu.memory_space<hbm>>) target(%dma_start3A_35 : memref<64x128xf32, #tpu.memory_space<vmem>>) offsets(%dma_start3A_38 : memref<64xi32, #tpu.memory_space<vmem>>) semaphore(%arg13 : memref<!tpu.dma_semaphore, #tpu.memory_space<semaphore_mem>>)
      %dma_start3A_42 = arith.constant 0 : i32
      %dma_start3A_43 = arith.constant 64 : i32
      %dma_start3A_44 = arith.constant 0 : i32
      %dma_start3A_45 = tpu.memref_slice %arg10[%dma_start3A_43, %dma_start3A_44] : memref<128x128xf32, #tpu.memory_space<vmem>> -> memref<64x128xf32, #tpu.memory_space<vmem>>
      %dma_start3A_46 = arith.constant 64 : i32
      %dma_start3A_47 = tpu.memref_slice %arg8[%dma_start3A_42, %dma_start3A_46] : memref<40x128xi32, #tpu.memory_space<vmem>> -> memref<1x64xi32, #tpu.memory_space<vmem>>
      %dma_start3A_48 = tpu.memref_squeeze %dma_start3A_47 : memref<1x64xi32, #tpu.memory_space<vmem>> -> memref<64xi32, #tpu.memory_space<vmem>>
      %dma_start3A_49 = arith.constant 0 : i32
      %dma_start3A_50 = arith.constant 0 : i32
      %dma_start3A_51 = tpu.memref_slice %arg2[%dma_start3A_49, %dma_start3A_50] : memref<10000x128xf32, #tpu.memory_space<hbm>> -> memref<10000x128xf32, #tpu.memory_space<hbm>>
      tpu.enqueue_indirect_dma source(%dma_start3A_51 : memref<10000x128xf32, #tpu.memory_space<hbm>>) target(%dma_start3A_45 : memref<64x128xf32, #tpu.memory_space<vmem>>) offsets(%dma_start3A_48 : memref<64xi32, #tpu.memory_space<vmem>>) semaphore(%arg13 : memref<!tpu.dma_semaphore, #tpu.memory_space<semaphore_mem>>)
      %scan3A_52 = arith.constant 0 : i32
      %scan3A_53 = arith.constant 20 : i32
      %scan3A_54 = arith.addi %scan3A_52, %scan3A_53 : i32
      %scan3A_55 = arith.constant 1 : i32
      scf.for %scan3A_58 = %scan3A_52 to %scan3A_54 step %scan3A_55  : i32 {
        %mul3A_59 = arith.constant 2 : i32
        %mul3A_60 = arith.muli %scan3A_58, %mul3A_59 : i32
        %add3A_61 = arith.constant 0 : i32
        %add3A_62 = arith.addi %add3A_61, %mul3A_60 : i32
        %dma_wait3A = arith.constant 0 : i32
        %dma_wait3A_63 = arith.constant 0 : i32
        %dma_wait3A_64 = tpu.memref_slice %arg10[%dma_wait3A, %dma_wait3A_63] : memref<128x128xf32, #tpu.memory_space<vmem>> -> memref<64x128xf32, #tpu.memory_space<vmem>>
        %dma_wait3A_65 = arith.constant 0 : i32
        %dma_wait3A_66 = tpu.memref_slice %arg8[%add3A_62, %dma_wait3A_65] : memref<40x128xi32, #tpu.memory_space<vmem>> -> memref<1x64xi32, #tpu.memory_space<vmem>>
        %dma_wait3A_67 = tpu.memref_squeeze %dma_wait3A_66 : memref<1x64xi32, #tpu.memory_space<vmem>> -> memref<64xi32, #tpu.memory_space<vmem>>
        %dma_wait3A_68 = arith.constant 0 : i32
        %dma_wait3A_69 = arith.constant 0 : i32
        %dma_wait3A_70 = tpu.memref_slice %arg2[%dma_wait3A_68, %dma_wait3A_69] : memref<10000x128xf32, #tpu.memory_space<hbm>> -> memref<10000x128xf32, #tpu.memory_space<hbm>>
        tpu.wait_indirect_dma semaphore(%arg13 : memref<!tpu.dma_semaphore, #tpu.memory_space<semaphore_mem>>) src(%dma_wait3A_70 : memref<10000x128xf32, #tpu.memory_space<hbm>>) dst(%dma_wait3A_64 : memref<64x128xf32, #tpu.memory_space<vmem>>)
        %dma_wait3A_71 = arith.constant 64 : i32
        %dma_wait3A_72 = arith.constant 0 : i32
        %dma_wait3A_73 = tpu.memref_slice %arg10[%dma_wait3A_71, %dma_wait3A_72] : memref<128x128xf32, #tpu.memory_space<vmem>> -> memref<64x128xf32, #tpu.memory_space<vmem>>
        %dma_wait3A_74 = arith.constant 64 : i32
        %dma_wait3A_75 = tpu.memref_slice %arg8[%add3A_62, %dma_wait3A_74] : memref<40x128xi32, #tpu.memory_space<vmem>> -> memref<1x64xi32, #tpu.memory_space<vmem>>
        %dma_wait3A_76 = tpu.memref_squeeze %dma_wait3A_75 : memref<1x64xi32, #tpu.memory_space<vmem>> -> memref<64xi32, #tpu.memory_space<vmem>>
        %dma_wait3A_77 = arith.constant 0 : i32
        %dma_wait3A_78 = arith.constant 0 : i32
        %dma_wait3A_79 = tpu.memref_slice %arg2[%dma_wait3A_77, %dma_wait3A_78] : memref<10000x128xf32, #tpu.memory_space<hbm>> -> memref<10000x128xf32, #tpu.memory_space<hbm>>
        tpu.wait_indirect_dma semaphore(%arg13 : memref<!tpu.dma_semaphore, #tpu.memory_space<semaphore_mem>>) src(%dma_wait3A_79 : memref<10000x128xf32, #tpu.memory_space<hbm>>) dst(%dma_wait3A_73 : memref<64x128xf32, #tpu.memory_space<vmem>>)
        %add3A_80 = arith.constant 1 : i32
        %add3A_81 = arith.addi %add3A_62, %add3A_80 : i32
        %dma_start3A_82 = arith.constant 0 : i32
        %dma_start3A_83 = arith.constant 0 : i32
        %dma_start3A_84 = tpu.memref_slice %arg11[%dma_start3A_82, %dma_start3A_83] : memref<128x128xf32, #tpu.memory_space<vmem>> -> memref<64x128xf32, #tpu.memory_space<vmem>>
        %dma_start3A_85 = arith.constant 0 : i32
        %dma_start3A_86 = tpu.memref_slice %arg8[%add3A_81, %dma_start3A_85] : memref<40x128xi32, #tpu.memory_space<vmem>> -> memref<1x64xi32, #tpu.memory_space<vmem>>
        %dma_start3A_87 = tpu.memref_squeeze %dma_start3A_86 : memref<1x64xi32, #tpu.memory_space<vmem>> -> memref<64xi32, #tpu.memory_space<vmem>>
        %dma_start3A_88 = arith.constant 0 : i32
        %dma_start3A_89 = arith.constant 0 : i32
        %dma_start3A_90 = tpu.memref_slice %arg2[%dma_start3A_88, %dma_start3A_89] : memref<10000x128xf32, #tpu.memory_space<hbm>> -> memref<10000x128xf32, #tpu.memory_space<hbm>>
        tpu.enqueue_indirect_dma source(%dma_start3A_90 : memref<10000x128xf32, #tpu.memory_space<hbm>>) target(%dma_start3A_84 : memref<64x128xf32, #tpu.memory_space<vmem>>) offsets(%dma_start3A_87 : memref<64xi32, #tpu.memory_space<vmem>>) semaphore(%arg14 : memref<!tpu.dma_semaphore, #tpu.memory_space<semaphore_mem>>)
        %dma_start3A_91 = arith.constant 64 : i32
        %dma_start3A_92 = arith.constant 0 : i32
        %dma_start3A_93 = tpu.memref_slice %arg11[%dma_start3A_91, %dma_start3A_92] : memref<128x128xf32, #tpu.memory_space<vmem>> -> memref<64x128xf32, #tpu.memory_space<vmem>>
        %dma_start3A_94 = arith.constant 64 : i32
        %dma_start3A_95 = tpu.memref_slice %arg8[%add3A_81, %dma_start3A_94] : memref<40x128xi32, #tpu.memory_space<vmem>> -> memref<1x64xi32, #tpu.memory_space<vmem>>
        %dma_start3A_96 = tpu.memref_squeeze %dma_start3A_95 : memref<1x64xi32, #tpu.memory_space<vmem>> -> memref<64xi32, #tpu.memory_space<vmem>>
        %dma_start3A_97 = arith.constant 0 : i32
        %dma_start3A_98 = arith.constant 0 : i32
        %dma_start3A_99 = tpu.memref_slice %arg2[%dma_start3A_97, %dma_start3A_98] : memref<10000x128xf32, #tpu.memory_space<hbm>> -> memref<10000x128xf32, #tpu.memory_space<hbm>>
        tpu.enqueue_indirect_dma source(%dma_start3A_99 : memref<10000x128xf32, #tpu.memory_space<hbm>>) target(%dma_start3A_93 : memref<64x128xf32, #tpu.memory_space<vmem>>) offsets(%dma_start3A_96 : memref<64xi32, #tpu.memory_space<vmem>>) semaphore(%arg14 : memref<!tpu.dma_semaphore, #tpu.memory_space<semaphore_mem>>)
        "tpu.region"() ({
          %run_scoped3A = tpu.sem_alloc : memref<!tpu.dma_semaphore, #tpu.memory_space<semaphore_mem>>
          %dma_start3A_129 = arith.constant 0 : i32
          %dma_start3A_130 = tpu.memref_slice %arg9[%add3A_62, %dma_start3A_129] : memref<40x128xi32, #tpu.memory_space<vmem>> -> memref<1x128xi32, #tpu.memory_space<vmem>>
          %dma_start3A_131 = tpu.memref_squeeze %dma_start3A_130 : memref<1x128xi32, #tpu.memory_space<vmem>> -> memref<128xi32, #tpu.memory_space<vmem>>
          %dma_start3A_132 = arith.constant 0 : i32
          %dma_start3A_133 = arith.constant 0 : i32
          %dma_start3A_134 = tpu.memref_slice %arg12[%dma_start3A_132, %dma_start3A_133] : memref<10240x128xf32, #tpu.memory_space<vmem_shared>> -> memref<10240x128xf32, #tpu.memory_space<vmem_shared>>
          tpu.enqueue_indirect_dma source(%arg10 : memref<128x128xf32, #tpu.memory_space<vmem>>) target(%dma_start3A_134 : memref<10240x128xf32, #tpu.memory_space<vmem_shared>>) offsets(%dma_start3A_131 : memref<128xi32, #tpu.memory_space<vmem>>) semaphore(%run_scoped3A : memref<!tpu.dma_semaphore, #tpu.memory_space<semaphore_mem>>) {add = true}
          %dma_wait3A_135 = arith.constant 0 : i32
          %dma_wait3A_136 = tpu.memref_slice %arg9[%add3A_62, %dma_wait3A_135] : memref<40x128xi32, #tpu.memory_space<vmem>> -> memref<1x128xi32, #tpu.memory_space<vmem>>
          %dma_wait3A_137 = tpu.memref_squeeze %dma_wait3A_136 : memref<1x128xi32, #tpu.memory_space<vmem>> -> memref<128xi32, #tpu.memory_space<vmem>>
          %dma_wait3A_138 = arith.constant 0 : i32
          %dma_wait3A_139 = arith.constant 0 : i32
          %dma_wait3A_140 = tpu.memref_slice %arg12[%dma_wait3A_138, %dma_wait3A_139] : memref<10240x128xf32, #tpu.memory_space<vmem_shared>> -> memref<10240x128xf32, #tpu.memory_space<vmem_shared>>
          tpu.wait_indirect_dma semaphore(%run_scoped3A : memref<!tpu.dma_semaphore, #tpu.memory_space<semaphore_mem>>) src(%arg10 : memref<128x128xf32, #tpu.memory_space<vmem>>) dst(%dma_wait3A_140 : memref<10240x128xf32, #tpu.memory_space<vmem_shared>>)
          tpu.yield
        }) : () -> ()
        %add3A_100 = arith.constant 1 : i32
        %add3A_101 = arith.addi %add3A_62, %add3A_100 : i32
        %dma_wait3A_102 = arith.constant 0 : i32
        %dma_wait3A_103 = arith.constant 0 : i32
        %dma_wait3A_104 = tpu.memref_slice %arg11[%dma_wait3A_102, %dma_wait3A_103] : memref<128x128xf32, #tpu.memory_space<vmem>> -> memref<64x128xf32, #tpu.memory_space<vmem>>
        %dma_wait3A_105 = arith.constant 0 : i32
        %dma_wait3A_106 = tpu.memref_slice %arg8[%add3A_101, %dma_wait3A_105] : memref<40x128xi32, #tpu.memory_space<vmem>> -> memref<1x64xi32, #tpu.memory_space<vmem>>
        %dma_wait3A_107 = tpu.memref_squeeze %dma_wait3A_106 : memref<1x64xi32, #tpu.memory_space<vmem>> -> memref<64xi32, #tpu.memory_space<vmem>>
        %dma_wait3A_108 = arith.constant 0 : i32
        %dma_wait3A_109 = arith.constant 0 : i32
        %dma_wait3A_110 = tpu.memref_slice %arg2[%dma_wait3A_108, %dma_wait3A_109] : memref<10000x128xf32, #tpu.memory_space<hbm>> -> memref<10000x128xf32, #tpu.memory_space<hbm>>
        tpu.wait_indirect_dma semaphore(%arg14 : memref<!tpu.dma_semaphore, #tpu.memory_space<semaphore_mem>>) src(%dma_wait3A_110 : memref<10000x128xf32, #tpu.memory_space<hbm>>) dst(%dma_wait3A_104 : memref<64x128xf32, #tpu.memory_space<vmem>>)
        %dma_wait3A_111 = arith.constant 64 : i32
        %dma_wait3A_112 = arith.constant 0 : i32
        %dma_wait3A_113 = tpu.memref_slice %arg11[%dma_wait3A_111, %dma_wait3A_112] : memref<128x128xf32, #tpu.memory_space<vmem>> -> memref<64x128xf32, #tpu.memory_space<vmem>>
        %dma_wait3A_114 = arith.constant 64 : i32
        %dma_wait3A_115 = tpu.memref_slice %arg8[%add3A_101, %dma_wait3A_114] : memref<40x128xi32, #tpu.memory_space<vmem>> -> memref<1x64xi32, #tpu.memory_space<vmem>>
        %dma_wait3A_116 = tpu.memref_squeeze %dma_wait3A_115 : memref<1x64xi32, #tpu.memory_space<vmem>> -> memref<64xi32, #tpu.memory_space<vmem>>
        %dma_wait3A_117 = arith.constant 0 : i32
        %dma_wait3A_118 = arith.constant 0 : i32
        %dma_wait3A_119 = tpu.memref_slice %arg2[%dma_wait3A_117, %dma_wait3A_118] : memref<10000x128xf32, #tpu.memory_space<hbm>> -> memref<10000x128xf32, #tpu.memory_space<hbm>>
        tpu.wait_indirect_dma semaphore(%arg14 : memref<!tpu.dma_semaphore, #tpu.memory_space<semaphore_mem>>) src(%dma_wait3A_119 : memref<10000x128xf32, #tpu.memory_space<hbm>>) dst(%dma_wait3A_113 : memref<64x128xf32, #tpu.memory_space<vmem>>)
        %add3A_120 = arith.constant 2 : i32
        %add3A_121 = arith.addi %add3A_62, %add3A_120 : i32
        %lt3A_122 = arith.constant 40 : i32
        %lt3A_123 = arith.cmpi slt, %add3A_121, %lt3A_122 : i32
        %convert_element_type3A_124 = arith.extui %lt3A_123 : i1 to i32
        %cond3A_125 = arith.constant 0 : i32
        %cond3A_126 = arith.cmpi ne, %convert_element_type3A_124, %cond3A_125 : i32
        scf.if %cond3A_126 {
          %add3A_129 = arith.constant 2 : i32
          %add3A_130 = arith.addi %add3A_62, %add3A_129 : i32
          %dma_start3A_131 = arith.constant 0 : i32
          %dma_start3A_132 = arith.constant 0 : i32
          %dma_start3A_133 = tpu.memref_slice %arg10[%dma_start3A_131, %dma_start3A_132] : memref<128x128xf32, #tpu.memory_space<vmem>> -> memref<64x128xf32, #tpu.memory_space<vmem>>
          %dma_start3A_134 = arith.constant 0 : i32
          %dma_start3A_135 = tpu.memref_slice %arg8[%add3A_130, %dma_start3A_134] : memref<40x128xi32, #tpu.memory_space<vmem>> -> memref<1x64xi32, #tpu.memory_space<vmem>>
          %dma_start3A_136 = tpu.memref_squeeze %dma_start3A_135 : memref<1x64xi32, #tpu.memory_space<vmem>> -> memref<64xi32, #tpu.memory_space<vmem>>
          %dma_start3A_137 = arith.constant 0 : i32
          %dma_start3A_138 = arith.constant 0 : i32
          %dma_start3A_139 = tpu.memref_slice %arg2[%dma_start3A_137, %dma_start3A_138] : memref<10000x128xf32, #tpu.memory_space<hbm>> -> memref<10000x128xf32, #tpu.memory_space<hbm>>
          tpu.enqueue_indirect_dma source(%dma_start3A_139 : memref<10000x128xf32, #tpu.memory_space<hbm>>) target(%dma_start3A_133 : memref<64x128xf32, #tpu.memory_space<vmem>>) offsets(%dma_start3A_136 : memref<64xi32, #tpu.memory_space<vmem>>) semaphore(%arg13 : memref<!tpu.dma_semaphore, #tpu.memory_space<semaphore_mem>>)
          %dma_start3A_140 = arith.constant 64 : i32
          %dma_start3A_141 = arith.constant 0 : i32
          %dma_start3A_142 = tpu.memref_slice %arg10[%dma_start3A_140, %dma_start3A_141] : memref<128x128xf32, #tpu.memory_space<vmem>> -> memref<64x128xf32, #tpu.memory_space<vmem>>
          %dma_start3A_143 = arith.constant 64 : i32
          %dma_start3A_144 = tpu.memref_slice %arg8[%add3A_130, %dma_start3A_143] : memref<40x128xi32, #tpu.memory_space<vmem>> -> memref<1x64xi32, #tpu.memory_space<vmem>>
          %dma_start3A_145 = tpu.memref_squeeze %dma_start3A_144 : memref<1x64xi32, #tpu.memory_space<vmem>> -> memref<64xi32, #tpu.memory_space<vmem>>
          %dma_start3A_146 = arith.constant 0 : i32
          %dma_start3A_147 = arith.constant 0 : i32
          %dma_start3A_148 = tpu.memref_slice %arg2[%dma_start3A_146, %dma_start3A_147] : memref<10000x128xf32, #tpu.memory_space<hbm>> -> memref<10000x128xf32, #tpu.memory_space<hbm>>
          tpu.enqueue_indirect_dma source(%dma_start3A_148 : memref<10000x128xf32, #tpu.memory_space<hbm>>) target(%dma_start3A_142 : memref<64x128xf32, #tpu.memory_space<vmem>>) offsets(%dma_start3A_145 : memref<64xi32, #tpu.memory_space<vmem>>) semaphore(%arg13 : memref<!tpu.dma_semaphore, #tpu.memory_space<semaphore_mem>>)
        } else {
        }
        %add3A_127 = arith.constant 1 : i32
        %add3A_128 = arith.addi %add3A_62, %add3A_127 : i32
        "tpu.region"() ({
          %run_scoped3A = tpu.sem_alloc : memref<!tpu.dma_semaphore, #tpu.memory_space<semaphore_mem>>
          %dma_start3A_129 = arith.constant 0 : i32
          %dma_start3A_130 = tpu.memref_slice %arg9[%add3A_128, %dma_start3A_129] : memref<40x128xi32, #tpu.memory_space<vmem>> -> memref<1x128xi32, #tpu.memory_space<vmem>>
          %dma_start3A_131 = tpu.memref_squeeze %dma_start3A_130 : memref<1x128xi32, #tpu.memory_space<vmem>> -> memref<128xi32, #tpu.memory_space<vmem>>
          %dma_start3A_132 = arith.constant 0 : i32
          %dma_start3A_133 = arith.constant 0 : i32
          %dma_start3A_134 = tpu.memref_slice %arg12[%dma_start3A_132, %dma_start3A_133] : memref<10240x128xf32, #tpu.memory_space<vmem_shared>> -> memref<10240x128xf32, #tpu.memory_space<vmem_shared>>
          tpu.enqueue_indirect_dma source(%arg11 : memref<128x128xf32, #tpu.memory_space<vmem>>) target(%dma_start3A_134 : memref<10240x128xf32, #tpu.memory_space<vmem_shared>>) offsets(%dma_start3A_131 : memref<128xi32, #tpu.memory_space<vmem>>) semaphore(%run_scoped3A : memref<!tpu.dma_semaphore, #tpu.memory_space<semaphore_mem>>) {add = true}
          %dma_wait3A_135 = arith.constant 0 : i32
          %dma_wait3A_136 = tpu.memref_slice %arg9[%add3A_128, %dma_wait3A_135] : memref<40x128xi32, #tpu.memory_space<vmem>> -> memref<1x128xi32, #tpu.memory_space<vmem>>
          %dma_wait3A_137 = tpu.memref_squeeze %dma_wait3A_136 : memref<1x128xi32, #tpu.memory_space<vmem>> -> memref<128xi32, #tpu.memory_space<vmem>>
          %dma_wait3A_138 = arith.constant 0 : i32
          %dma_wait3A_139 = arith.constant 0 : i32
          %dma_wait3A_140 = tpu.memref_slice %arg12[%dma_wait3A_138, %dma_wait3A_139] : memref<10240x128xf32, #tpu.memory_space<vmem_shared>> -> memref<10240x128xf32, #tpu.memory_space<vmem_shared>>
          tpu.wait_indirect_dma semaphore(%run_scoped3A : memref<!tpu.dma_semaphore, #tpu.memory_space<semaphore_mem>>) src(%arg11 : memref<128x128xf32, #tpu.memory_space<vmem>>) dst(%dma_wait3A_140 : memref<10240x128xf32, #tpu.memory_space<vmem_shared>>)
          tpu.yield
        }) : () -> ()
      }
      %scan3A_56 = arith.constant 20 : i32
      %scan3A_57 = arith.constant 1 : i32
    } else {
    }
    %eq3A_11 = arith.constant 1 : i32
    %eq3A_12 = arith.cmpi eq, %arg0, %eq3A_11 : i32
    %convert_element_type3A_13 = arith.extui %eq3A_12 : i1 to i32
    %cond3A_14 = arith.constant 0 : i32
    %cond3A_15 = arith.cmpi ne, %convert_element_type3A_13, %cond3A_14 : i32
    scf.if %cond3A_15 {
      %scan3A_26 = arith.constant 0 : i32
      %scan3A_27 = arith.constant 3 : i32
      %scan3A_28 = arith.addi %scan3A_26, %scan3A_27 : i32
      %scan3A_29 = arith.constant 1 : i32
      scf.for %scan3A_31 = %scan3A_26 to %scan3A_28 step %scan3A_29  : i32 {
        %mul3A = arith.constant 1 : i32
        %mul3A_32 = arith.muli %scan3A_31, %mul3A : i32
        %add3A = arith.constant 0 : i32
        %add3A_33 = arith.addi %add3A, %mul3A_32 : i32
        %mul3A_34 = arith.constant 40 : i32
        %mul3A_35 = arith.muli %add3A_33, %mul3A_34 : i32
        "tpu.region"() ({
          %run_scoped3A = tpu.sem_alloc : memref<!tpu.dma_semaphore, #tpu.memory_space<semaphore_mem>>
          %dma_start3A_62 = arith.constant 0 : i32
          %dma_start3A_63 = tpu.memref_slice %arg5[%arg1, %mul3A_35, %dma_start3A_62] : memref<16x120x128xi32, #tpu.memory_space<hbm>> -> memref<1x40x128xi32, #tpu.memory_space<hbm>>
          %dma_start3A_64 = tpu.memref_squeeze %dma_start3A_63 : memref<1x40x128xi32, #tpu.memory_space<hbm>> -> memref<40x128xi32, #tpu.memory_space<hbm>>
          %dma_start3A_65 = arith.constant 0 : i32
          %dma_start3A_66 = tpu.memref_slice %arg5[%arg1, %mul3A_35, %dma_start3A_65] : memref<16x120x128xi32, #tpu.memory_space<hbm>> -> memref<1x40x128xi32, #tpu.memory_space<hbm>>
          %dma_start3A_67 = tpu.memref_squeeze %dma_start3A_66 : memref<1x40x128xi32, #tpu.memory_space<hbm>> -> memref<40x128xi32, #tpu.memory_space<hbm>>
          tpu.enqueue_dma source(%dma_start3A_67 : memref<40x128xi32, #tpu.memory_space<hbm>>) target(%arg8 : memref<40x128xi32, #tpu.memory_space<vmem>>) target_semaphore(%run_scoped3A : memref<!tpu.dma_semaphore, #tpu.memory_space<semaphore_mem>>)
          %dma_wait3A = arith.constant 0 : i32
          %dma_wait3A_68 = tpu.memref_slice %arg5[%arg1, %mul3A_35, %dma_wait3A] : memref<16x120x128xi32, #tpu.memory_space<hbm>> -> memref<1x40x128xi32, #tpu.memory_space<hbm>>
          %dma_wait3A_69 = tpu.memref_squeeze %dma_wait3A_68 : memref<1x40x128xi32, #tpu.memory_space<hbm>> -> memref<40x128xi32, #tpu.memory_space<hbm>>
          %dma_wait3A_70 = arith.constant 0 : i32
          %dma_wait3A_71 = tpu.memref_slice %arg5[%arg1, %mul3A_35, %dma_wait3A_70] : memref<16x120x128xi32, #tpu.memory_space<hbm>> -> memref<1x40x128xi32, #tpu.memory_space<hbm>>
          %dma_wait3A_72 = tpu.memref_squeeze %dma_wait3A_71 : memref<1x40x128xi32, #tpu.memory_space<hbm>> -> memref<40x128xi32, #tpu.memory_space<hbm>>
          tpu.wait_dma2 semaphore(%run_scoped3A : memref<!tpu.dma_semaphore, #tpu.memory_space<semaphore_mem>>) src(%dma_wait3A_72 : memref<40x128xi32, #tpu.memory_space<hbm>>) dst(%arg8 : memref<40x128xi32, #tpu.memory_space<vmem>>)
          tpu.yield
        }) : () -> ()
        %mul3A_36 = arith.constant 40 : i32
        %mul3A_37 = arith.muli %add3A_33, %mul3A_36 : i32
        "tpu.region"() ({
          %run_scoped3A = tpu.sem_alloc : memref<!tpu.dma_semaphore, #tpu.memory_space<semaphore_mem>>
          %dma_start3A_62 = arith.constant 0 : i32
          %dma_start3A_63 = tpu.memref_slice %arg6[%arg1, %mul3A_37, %dma_start3A_62] : memref<16x120x128xi32, #tpu.memory_space<hbm>> -> memref<1x40x128xi32, #tpu.memory_space<hbm>>
          %dma_start3A_64 = tpu.memref_squeeze %dma_start3A_63 : memref<1x40x128xi32, #tpu.memory_space<hbm>> -> memref<40x128xi32, #tpu.memory_space<hbm>>
          %dma_start3A_65 = arith.constant 0 : i32
          %dma_start3A_66 = tpu.memref_slice %arg6[%arg1, %mul3A_37, %dma_start3A_65] : memref<16x120x128xi32, #tpu.memory_space<hbm>> -> memref<1x40x128xi32, #tpu.memory_space<hbm>>
          %dma_start3A_67 = tpu.memref_squeeze %dma_start3A_66 : memref<1x40x128xi32, #tpu.memory_space<hbm>> -> memref<40x128xi32, #tpu.memory_space<hbm>>
          tpu.enqueue_dma source(%dma_start3A_67 : memref<40x128xi32, #tpu.memory_space<hbm>>) target(%arg9 : memref<40x128xi32, #tpu.memory_space<vmem>>) target_semaphore(%run_scoped3A : memref<!tpu.dma_semaphore, #tpu.memory_space<semaphore_mem>>)
          %dma_wait3A = arith.constant 0 : i32
          %dma_wait3A_68 = tpu.memref_slice %arg6[%arg1, %mul3A_37, %dma_wait3A] : memref<16x120x128xi32, #tpu.memory_space<hbm>> -> memref<1x40x128xi32, #tpu.memory_space<hbm>>
          %dma_wait3A_69 = tpu.memref_squeeze %dma_wait3A_68 : memref<1x40x128xi32, #tpu.memory_space<hbm>> -> memref<40x128xi32, #tpu.memory_space<hbm>>
          %dma_wait3A_70 = arith.constant 0 : i32
          %dma_wait3A_71 = tpu.memref_slice %arg6[%arg1, %mul3A_37, %dma_wait3A_70] : memref<16x120x128xi32, #tpu.memory_space<hbm>> -> memref<1x40x128xi32, #tpu.memory_space<hbm>>
          %dma_wait3A_72 = tpu.memref_squeeze %dma_wait3A_71 : memref<1x40x128xi32, #tpu.memory_space<hbm>> -> memref<40x128xi32, #tpu.memory_space<hbm>>
          tpu.wait_dma2 semaphore(%run_scoped3A : memref<!tpu.dma_semaphore, #tpu.memory_space<semaphore_mem>>) src(%dma_wait3A_72 : memref<40x128xi32, #tpu.memory_space<hbm>>) dst(%arg9 : memref<40x128xi32, #tpu.memory_space<vmem>>)
          tpu.yield
        }) : () -> ()
        %dma_start3A = arith.constant 0 : i32
        %dma_start3A_38 = arith.constant 0 : i32
        %dma_start3A_39 = arith.constant 0 : i32
        %dma_start3A_40 = tpu.memref_slice %arg10[%dma_start3A_38, %dma_start3A_39] : memref<128x128xf32, #tpu.memory_space<vmem>> -> memref<64x128xf32, #tpu.memory_space<vmem>>
        %dma_start3A_41 = arith.constant 0 : i32
        %dma_start3A_42 = tpu.memref_slice %arg8[%dma_start3A, %dma_start3A_41] : memref<40x128xi32, #tpu.memory_space<vmem>> -> memref<1x64xi32, #tpu.memory_space<vmem>>
        %dma_start3A_43 = tpu.memref_squeeze %dma_start3A_42 : memref<1x64xi32, #tpu.memory_space<vmem>> -> memref<64xi32, #tpu.memory_space<vmem>>
        %dma_start3A_44 = arith.constant 0 : i32
        %dma_start3A_45 = arith.constant 0 : i32
        %dma_start3A_46 = tpu.memref_slice %arg2[%dma_start3A_44, %dma_start3A_45] : memref<10000x128xf32, #tpu.memory_space<hbm>> -> memref<10000x128xf32, #tpu.memory_space<hbm>>
        tpu.enqueue_indirect_dma source(%dma_start3A_46 : memref<10000x128xf32, #tpu.memory_space<hbm>>) target(%dma_start3A_40 : memref<64x128xf32, #tpu.memory_space<vmem>>) offsets(%dma_start3A_43 : memref<64xi32, #tpu.memory_space<vmem>>) semaphore(%arg13 : memref<!tpu.dma_semaphore, #tpu.memory_space<semaphore_mem>>)
        %dma_start3A_47 = arith.constant 0 : i32
        %dma_start3A_48 = arith.constant 64 : i32
        %dma_start3A_49 = arith.constant 0 : i32
        %dma_start3A_50 = tpu.memref_slice %arg10[%dma_start3A_48, %dma_start3A_49] : memref<128x128xf32, #tpu.memory_space<vmem>> -> memref<64x128xf32, #tpu.memory_space<vmem>>
        %dma_start3A_51 = arith.constant 64 : i32
        %dma_start3A_52 = tpu.memref_slice %arg8[%dma_start3A_47, %dma_start3A_51] : memref<40x128xi32, #tpu.memory_space<vmem>> -> memref<1x64xi32, #tpu.memory_space<vmem>>
        %dma_start3A_53 = tpu.memref_squeeze %dma_start3A_52 : memref<1x64xi32, #tpu.memory_space<vmem>> -> memref<64xi32, #tpu.memory_space<vmem>>
        %dma_start3A_54 = arith.constant 0 : i32
        %dma_start3A_55 = arith.constant 0 : i32
        %dma_start3A_56 = tpu.memref_slice %arg2[%dma_start3A_54, %dma_start3A_55] : memref<10000x128xf32, #tpu.memory_space<hbm>> -> memref<10000x128xf32, #tpu.memory_space<hbm>>
        tpu.enqueue_indirect_dma source(%dma_start3A_56 : memref<10000x128xf32, #tpu.memory_space<hbm>>) target(%dma_start3A_50 : memref<64x128xf32, #tpu.memory_space<vmem>>) offsets(%dma_start3A_53 : memref<64xi32, #tpu.memory_space<vmem>>) semaphore(%arg13 : memref<!tpu.dma_semaphore, #tpu.memory_space<semaphore_mem>>)
        %scan3A_57 = arith.constant 0 : i32
        %scan3A_58 = arith.constant 20 : i32
        %scan3A_59 = arith.addi %scan3A_57, %scan3A_58 : i32
        %scan3A_60 = arith.constant 1 : i32
        scf.for %scan3A_62 = %scan3A_57 to %scan3A_59 step %scan3A_60  : i32 {
          %mul3A_63 = arith.constant 2 : i32
          %mul3A_64 = arith.muli %scan3A_62, %mul3A_63 : i32
          %add3A_65 = arith.constant 0 : i32
          %add3A_66 = arith.addi %add3A_65, %mul3A_64 : i32
          %dma_wait3A = arith.constant 0 : i32
          %dma_wait3A_67 = arith.constant 0 : i32
          %dma_wait3A_68 = tpu.memref_slice %arg10[%dma_wait3A, %dma_wait3A_67] : memref<128x128xf32, #tpu.memory_space<vmem>> -> memref<64x128xf32, #tpu.memory_space<vmem>>
          %dma_wait3A_69 = arith.constant 0 : i32
          %dma_wait3A_70 = tpu.memref_slice %arg8[%add3A_66, %dma_wait3A_69] : memref<40x128xi32, #tpu.memory_space<vmem>> -> memref<1x64xi32, #tpu.memory_space<vmem>>
          %dma_wait3A_71 = tpu.memref_squeeze %dma_wait3A_70 : memref<1x64xi32, #tpu.memory_space<vmem>> -> memref<64xi32, #tpu.memory_space<vmem>>
          %dma_wait3A_72 = arith.constant 0 : i32
          %dma_wait3A_73 = arith.constant 0 : i32
          %dma_wait3A_74 = tpu.memref_slice %arg2[%dma_wait3A_72, %dma_wait3A_73] : memref<10000x128xf32, #tpu.memory_space<hbm>> -> memref<10000x128xf32, #tpu.memory_space<hbm>>
          tpu.wait_indirect_dma semaphore(%arg13 : memref<!tpu.dma_semaphore, #tpu.memory_space<semaphore_mem>>) src(%dma_wait3A_74 : memref<10000x128xf32, #tpu.memory_space<hbm>>) dst(%dma_wait3A_68 : memref<64x128xf32, #tpu.memory_space<vmem>>)
          %dma_wait3A_75 = arith.constant 64 : i32
          %dma_wait3A_76 = arith.constant 0 : i32
          %dma_wait3A_77 = tpu.memref_slice %arg10[%dma_wait3A_75, %dma_wait3A_76] : memref<128x128xf32, #tpu.memory_space<vmem>> -> memref<64x128xf32, #tpu.memory_space<vmem>>
          %dma_wait3A_78 = arith.constant 64 : i32
          %dma_wait3A_79 = tpu.memref_slice %arg8[%add3A_66, %dma_wait3A_78] : memref<40x128xi32, #tpu.memory_space<vmem>> -> memref<1x64xi32, #tpu.memory_space<vmem>>
          %dma_wait3A_80 = tpu.memref_squeeze %dma_wait3A_79 : memref<1x64xi32, #tpu.memory_space<vmem>> -> memref<64xi32, #tpu.memory_space<vmem>>
          %dma_wait3A_81 = arith.constant 0 : i32
          %dma_wait3A_82 = arith.constant 0 : i32
          %dma_wait3A_83 = tpu.memref_slice %arg2[%dma_wait3A_81, %dma_wait3A_82] : memref<10000x128xf32, #tpu.memory_space<hbm>> -> memref<10000x128xf32, #tpu.memory_space<hbm>>
          tpu.wait_indirect_dma semaphore(%arg13 : memref<!tpu.dma_semaphore, #tpu.memory_space<semaphore_mem>>) src(%dma_wait3A_83 : memref<10000x128xf32, #tpu.memory_space<hbm>>) dst(%dma_wait3A_77 : memref<64x128xf32, #tpu.memory_space<vmem>>)
          %add3A_84 = arith.constant 1 : i32
          %add3A_85 = arith.addi %add3A_66, %add3A_84 : i32
          %dma_start3A_86 = arith.constant 0 : i32
          %dma_start3A_87 = arith.constant 0 : i32
          %dma_start3A_88 = tpu.memref_slice %arg11[%dma_start3A_86, %dma_start3A_87] : memref<128x128xf32, #tpu.memory_space<vmem>> -> memref<64x128xf32, #tpu.memory_space<vmem>>
          %dma_start3A_89 = arith.constant 0 : i32
          %dma_start3A_90 = tpu.memref_slice %arg8[%add3A_85, %dma_start3A_89] : memref<40x128xi32, #tpu.memory_space<vmem>> -> memref<1x64xi32, #tpu.memory_space<vmem>>
          %dma_start3A_91 = tpu.memref_squeeze %dma_start3A_90 : memref<1x64xi32, #tpu.memory_space<vmem>> -> memref<64xi32, #tpu.memory_space<vmem>>
          %dma_start3A_92 = arith.constant 0 : i32
          %dma_start3A_93 = arith.constant 0 : i32
          %dma_start3A_94 = tpu.memref_slice %arg2[%dma_start3A_92, %dma_start3A_93] : memref<10000x128xf32, #tpu.memory_space<hbm>> -> memref<10000x128xf32, #tpu.memory_space<hbm>>
          tpu.enqueue_indirect_dma source(%dma_start3A_94 : memref<10000x128xf32, #tpu.memory_space<hbm>>) target(%dma_start3A_88 : memref<64x128xf32, #tpu.memory_space<vmem>>) offsets(%dma_start3A_91 : memref<64xi32, #tpu.memory_space<vmem>>) semaphore(%arg14 : memref<!tpu.dma_semaphore, #tpu.memory_space<semaphore_mem>>)
          %dma_start3A_95 = arith.constant 64 : i32
          %dma_start3A_96 = arith.constant 0 : i32
          %dma_start3A_97 = tpu.memref_slice %arg11[%dma_start3A_95, %dma_start3A_96] : memref<128x128xf32, #tpu.memory_space<vmem>> -> memref<64x128xf32, #tpu.memory_space<vmem>>
          %dma_start3A_98 = arith.constant 64 : i32
          %dma_start3A_99 = tpu.memref_slice %arg8[%add3A_85, %dma_start3A_98] : memref<40x128xi32, #tpu.memory_space<vmem>> -> memref<1x64xi32, #tpu.memory_space<vmem>>
          %dma_start3A_100 = tpu.memref_squeeze %dma_start3A_99 : memref<1x64xi32, #tpu.memory_space<vmem>> -> memref<64xi32, #tpu.memory_space<vmem>>
          %dma_start3A_101 = arith.constant 0 : i32
          %dma_start3A_102 = arith.constant 0 : i32
          %dma_start3A_103 = tpu.memref_slice %arg2[%dma_start3A_101, %dma_start3A_102] : memref<10000x128xf32, #tpu.memory_space<hbm>> -> memref<10000x128xf32, #tpu.memory_space<hbm>>
          tpu.enqueue_indirect_dma source(%dma_start3A_103 : memref<10000x128xf32, #tpu.memory_space<hbm>>) target(%dma_start3A_97 : memref<64x128xf32, #tpu.memory_space<vmem>>) offsets(%dma_start3A_100 : memref<64xi32, #tpu.memory_space<vmem>>) semaphore(%arg14 : memref<!tpu.dma_semaphore, #tpu.memory_space<semaphore_mem>>)
          "tpu.region"() ({
            %run_scoped3A = tpu.sem_alloc : memref<!tpu.dma_semaphore, #tpu.memory_space<semaphore_mem>>
            %dma_start3A_133 = arith.constant 0 : i32
            %dma_start3A_134 = tpu.memref_slice %arg9[%add3A_66, %dma_start3A_133] : memref<40x128xi32, #tpu.memory_space<vmem>> -> memref<1x128xi32, #tpu.memory_space<vmem>>
            %dma_start3A_135 = tpu.memref_squeeze %dma_start3A_134 : memref<1x128xi32, #tpu.memory_space<vmem>> -> memref<128xi32, #tpu.memory_space<vmem>>
            %dma_start3A_136 = arith.constant 0 : i32
            %dma_start3A_137 = arith.constant 0 : i32
            %dma_start3A_138 = tpu.memref_slice %arg12[%dma_start3A_136, %dma_start3A_137] : memref<10240x128xf32, #tpu.memory_space<vmem_shared>> -> memref<10240x128xf32, #tpu.memory_space<vmem_shared>>
            tpu.enqueue_indirect_dma source(%arg10 : memref<128x128xf32, #tpu.memory_space<vmem>>) target(%dma_start3A_138 : memref<10240x128xf32, #tpu.memory_space<vmem_shared>>) offsets(%dma_start3A_135 : memref<128xi32, #tpu.memory_space<vmem>>) semaphore(%run_scoped3A : memref<!tpu.dma_semaphore, #tpu.memory_space<semaphore_mem>>) {add = true}
            %dma_wait3A_139 = arith.constant 0 : i32
            %dma_wait3A_140 = tpu.memref_slice %arg9[%add3A_66, %dma_wait3A_139] : memref<40x128xi32, #tpu.memory_space<vmem>> -> memref<1x128xi32, #tpu.memory_space<vmem>>
            %dma_wait3A_141 = tpu.memref_squeeze %dma_wait3A_140 : memref<1x128xi32, #tpu.memory_space<vmem>> -> memref<128xi32, #tpu.memory_space<vmem>>
            %dma_wait3A_142 = arith.constant 0 : i32
            %dma_wait3A_143 = arith.constant 0 : i32
            %dma_wait3A_144 = tpu.memref_slice %arg12[%dma_wait3A_142, %dma_wait3A_143] : memref<10240x128xf32, #tpu.memory_space<vmem_shared>> -> memref<10240x128xf32, #tpu.memory_space<vmem_shared>>
            tpu.wait_indirect_dma semaphore(%run_scoped3A : memref<!tpu.dma_semaphore, #tpu.memory_space<semaphore_mem>>) src(%arg10 : memref<128x128xf32, #tpu.memory_space<vmem>>) dst(%dma_wait3A_144 : memref<10240x128xf32, #tpu.memory_space<vmem_shared>>)
            tpu.yield
          }) : () -> ()
          %add3A_104 = arith.constant 1 : i32
          %add3A_105 = arith.addi %add3A_66, %add3A_104 : i32
          %dma_wait3A_106 = arith.constant 0 : i32
          %dma_wait3A_107 = arith.constant 0 : i32
          %dma_wait3A_108 = tpu.memref_slice %arg11[%dma_wait3A_106, %dma_wait3A_107] : memref<128x128xf32, #tpu.memory_space<vmem>> -> memref<64x128xf32, #tpu.memory_space<vmem>>
          %dma_wait3A_109 = arith.constant 0 : i32
          %dma_wait3A_110 = tpu.memref_slice %arg8[%add3A_105, %dma_wait3A_109] : memref<40x128xi32, #tpu.memory_space<vmem>> -> memref<1x64xi32, #tpu.memory_space<vmem>>
          %dma_wait3A_111 = tpu.memref_squeeze %dma_wait3A_110 : memref<1x64xi32, #tpu.memory_space<vmem>> -> memref<64xi32, #tpu.memory_space<vmem>>
          %dma_wait3A_112 = arith.constant 0 : i32
          %dma_wait3A_113 = arith.constant 0 : i32
          %dma_wait3A_114 = tpu.memref_slice %arg2[%dma_wait3A_112, %dma_wait3A_113] : memref<10000x128xf32, #tpu.memory_space<hbm>> -> memref<10000x128xf32, #tpu.memory_space<hbm>>
          tpu.wait_indirect_dma semaphore(%arg14 : memref<!tpu.dma_semaphore, #tpu.memory_space<semaphore_mem>>) src(%dma_wait3A_114 : memref<10000x128xf32, #tpu.memory_space<hbm>>) dst(%dma_wait3A_108 : memref<64x128xf32, #tpu.memory_space<vmem>>)
          %dma_wait3A_115 = arith.constant 64 : i32
          %dma_wait3A_116 = arith.constant 0 : i32
          %dma_wait3A_117 = tpu.memref_slice %arg11[%dma_wait3A_115, %dma_wait3A_116] : memref<128x128xf32, #tpu.memory_space<vmem>> -> memref<64x128xf32, #tpu.memory_space<vmem>>
          %dma_wait3A_118 = arith.constant 64 : i32
          %dma_wait3A_119 = tpu.memref_slice %arg8[%add3A_105, %dma_wait3A_118] : memref<40x128xi32, #tpu.memory_space<vmem>> -> memref<1x64xi32, #tpu.memory_space<vmem>>
          %dma_wait3A_120 = tpu.memref_squeeze %dma_wait3A_119 : memref<1x64xi32, #tpu.memory_space<vmem>> -> memref<64xi32, #tpu.memory_space<vmem>>
          %dma_wait3A_121 = arith.constant 0 : i32
          %dma_wait3A_122 = arith.constant 0 : i32
          %dma_wait3A_123 = tpu.memref_slice %arg2[%dma_wait3A_121, %dma_wait3A_122] : memref<10000x128xf32, #tpu.memory_space<hbm>> -> memref<10000x128xf32, #tpu.memory_space<hbm>>
          tpu.wait_indirect_dma semaphore(%arg14 : memref<!tpu.dma_semaphore, #tpu.memory_space<semaphore_mem>>) src(%dma_wait3A_123 : memref<10000x128xf32, #tpu.memory_space<hbm>>) dst(%dma_wait3A_117 : memref<64x128xf32, #tpu.memory_space<vmem>>)
          %add3A_124 = arith.constant 2 : i32
          %add3A_125 = arith.addi %add3A_66, %add3A_124 : i32
          %lt3A_126 = arith.constant 40 : i32
          %lt3A_127 = arith.cmpi slt, %add3A_125, %lt3A_126 : i32
          %convert_element_type3A_128 = arith.extui %lt3A_127 : i1 to i32
          %cond3A_129 = arith.constant 0 : i32
          %cond3A_130 = arith.cmpi ne, %convert_element_type3A_128, %cond3A_129 : i32
          scf.if %cond3A_130 {
            %add3A_133 = arith.constant 2 : i32
            %add3A_134 = arith.addi %add3A_66, %add3A_133 : i32
            %dma_start3A_135 = arith.constant 0 : i32
            %dma_start3A_136 = arith.constant 0 : i32
            %dma_start3A_137 = tpu.memref_slice %arg10[%dma_start3A_135, %dma_start3A_136] : memref<128x128xf32, #tpu.memory_space<vmem>> -> memref<64x128xf32, #tpu.memory_space<vmem>>
            %dma_start3A_138 = arith.constant 0 : i32
            %dma_start3A_139 = tpu.memref_slice %arg8[%add3A_134, %dma_start3A_138] : memref<40x128xi32, #tpu.memory_space<vmem>> -> memref<1x64xi32, #tpu.memory_space<vmem>>
            %dma_start3A_140 = tpu.memref_squeeze %dma_start3A_139 : memref<1x64xi32, #tpu.memory_space<vmem>> -> memref<64xi32, #tpu.memory_space<vmem>>
            %dma_start3A_141 = arith.constant 0 : i32
            %dma_start3A_142 = arith.constant 0 : i32
            %dma_start3A_143 = tpu.memref_slice %arg2[%dma_start3A_141, %dma_start3A_142] : memref<10000x128xf32, #tpu.memory_space<hbm>> -> memref<10000x128xf32, #tpu.memory_space<hbm>>
            tpu.enqueue_indirect_dma source(%dma_start3A_143 : memref<10000x128xf32, #tpu.memory_space<hbm>>) target(%dma_start3A_137 : memref<64x128xf32, #tpu.memory_space<vmem>>) offsets(%dma_start3A_140 : memref<64xi32, #tpu.memory_space<vmem>>) semaphore(%arg13 : memref<!tpu.dma_semaphore, #tpu.memory_space<semaphore_mem>>)
            %dma_start3A_144 = arith.constant 64 : i32
            %dma_start3A_145 = arith.constant 0 : i32
            %dma_start3A_146 = tpu.memref_slice %arg10[%dma_start3A_144, %dma_start3A_145] : memref<128x128xf32, #tpu.memory_space<vmem>> -> memref<64x128xf32, #tpu.memory_space<vmem>>
            %dma_start3A_147 = arith.constant 64 : i32
            %dma_start3A_148 = tpu.memref_slice %arg8[%add3A_134, %dma_start3A_147] : memref<40x128xi32, #tpu.memory_space<vmem>> -> memref<1x64xi32, #tpu.memory_space<vmem>>
            %dma_start3A_149 = tpu.memref_squeeze %dma_start3A_148 : memref<1x64xi32, #tpu.memory_space<vmem>> -> memref<64xi32, #tpu.memory_space<vmem>>
            %dma_start3A_150 = arith.constant 0 : i32
            %dma_start3A_151 = arith.constant 0 : i32
            %dma_start3A_152 = tpu.memref_slice %arg2[%dma_start3A_150, %dma_start3A_151] : memref<10000x128xf32, #tpu.memory_space<hbm>> -> memref<10000x128xf32, #tpu.memory_space<hbm>>
            tpu.enqueue_indirect_dma source(%dma_start3A_152 : memref<10000x128xf32, #tpu.memory_space<hbm>>) target(%dma_start3A_146 : memref<64x128xf32, #tpu.memory_space<vmem>>) offsets(%dma_start3A_149 : memref<64xi32, #tpu.memory_space<vmem>>) semaphore(%arg13 : memref<!tpu.dma_semaphore, #tpu.memory_space<semaphore_mem>>)
          } else {
          }
          %add3A_131 = arith.constant 1 : i32
          %add3A_132 = arith.addi %add3A_66, %add3A_131 : i32
          "tpu.region"() ({
            %run_scoped3A = tpu.sem_alloc : memref<!tpu.dma_semaphore, #tpu.memory_space<semaphore_mem>>
            %dma_start3A_133 = arith.constant 0 : i32
            %dma_start3A_134 = tpu.memref_slice %arg9[%add3A_132, %dma_start3A_133] : memref<40x128xi32, #tpu.memory_space<vmem>> -> memref<1x128xi32, #tpu.memory_space<vmem>>
            %dma_start3A_135 = tpu.memref_squeeze %dma_start3A_134 : memref<1x128xi32, #tpu.memory_space<vmem>> -> memref<128xi32, #tpu.memory_space<vmem>>
            %dma_start3A_136 = arith.constant 0 : i32
            %dma_start3A_137 = arith.constant 0 : i32
            %dma_start3A_138 = tpu.memref_slice %arg12[%dma_start3A_136, %dma_start3A_137] : memref<10240x128xf32, #tpu.memory_space<vmem_shared>> -> memref<10240x128xf32, #tpu.memory_space<vmem_shared>>
            tpu.enqueue_indirect_dma source(%arg11 : memref<128x128xf32, #tpu.memory_space<vmem>>) target(%dma_start3A_138 : memref<10240x128xf32, #tpu.memory_space<vmem_shared>>) offsets(%dma_start3A_135 : memref<128xi32, #tpu.memory_space<vmem>>) semaphore(%run_scoped3A : memref<!tpu.dma_semaphore, #tpu.memory_space<semaphore_mem>>) {add = true}
            %dma_wait3A_139 = arith.constant 0 : i32
            %dma_wait3A_140 = tpu.memref_slice %arg9[%add3A_132, %dma_wait3A_139] : memref<40x128xi32, #tpu.memory_space<vmem>> -> memref<1x128xi32, #tpu.memory_space<vmem>>
            %dma_wait3A_141 = tpu.memref_squeeze %dma_wait3A_140 : memref<1x128xi32, #tpu.memory_space<vmem>> -> memref<128xi32, #tpu.memory_space<vmem>>
            %dma_wait3A_142 = arith.constant 0 : i32
            %dma_wait3A_143 = arith.constant 0 : i32
            %dma_wait3A_144 = tpu.memref_slice %arg12[%dma_wait3A_142, %dma_wait3A_143] : memref<10240x128xf32, #tpu.memory_space<vmem_shared>> -> memref<10240x128xf32, #tpu.memory_space<vmem_shared>>
            tpu.wait_indirect_dma semaphore(%run_scoped3A : memref<!tpu.dma_semaphore, #tpu.memory_space<semaphore_mem>>) src(%arg11 : memref<128x128xf32, #tpu.memory_space<vmem>>) dst(%dma_wait3A_144 : memref<10240x128xf32, #tpu.memory_space<vmem_shared>>)
            tpu.yield
          }) : () -> ()
        }
        %scan3A_61 = arith.constant 20 : i32
      }
      %scan3A_30 = arith.constant 3 : i32
    } else {
    }
    %barrier3A_16 = arith.constant 0 : index
    tpu.barrier barrier_id(%barrier3A_16)
    %lt3A = arith.constant 15 : i32
    %lt3A_17 = arith.cmpi slt, %arg1, %lt3A : i32
    %convert_element_type3A_18 = arith.extui %lt3A_17 : i1 to i32
    %cond3A_19 = arith.constant 0 : i32
    %cond3A_20 = arith.cmpi ne, %convert_element_type3A_18, %cond3A_19 : i32
    scf.if %cond3A_20 {
      %mul3A = arith.constant 640 : i32
      %mul3A_26 = arith.muli %arg1, %mul3A : i32
      %mul3A_27 = arith.constant 640 : i32
      %mul3A_28 = arith.muli %arg1, %mul3A_27 : i32
      "tpu.region"() ({
        %run_scoped3A = tpu.sem_alloc : memref<!tpu.dma_semaphore, #tpu.memory_space<semaphore_mem>>
        %dma_start3A = arith.constant 0 : i32
        %dma_start3A_29 = tpu.memref_slice %arg7[%arg0, %mul3A_28, %dma_start3A] : memref<2x10000x128xf32, #tpu.memory_space<hbm>> -> memref<1x640x128xf32, #tpu.memory_space<hbm>>
        %dma_start3A_30 = tpu.memref_squeeze %dma_start3A_29 : memref<1x640x128xf32, #tpu.memory_space<hbm>> -> memref<640x128xf32, #tpu.memory_space<hbm>>
        %dma_start3A_31 = arith.constant 0 : i32
        %dma_start3A_32 = tpu.memref_slice %arg12[%mul3A_26, %dma_start3A_31] : memref<10240x128xf32, #tpu.memory_space<vmem_shared>> -> memref<640x128xf32, #tpu.memory_space<vmem_shared>>
        tpu.enqueue_dma source(%dma_start3A_32 : memref<640x128xf32, #tpu.memory_space<vmem_shared>>) target(%dma_start3A_30 : memref<640x128xf32, #tpu.memory_space<hbm>>) target_semaphore(%run_scoped3A : memref<!tpu.dma_semaphore, #tpu.memory_space<semaphore_mem>>)
        %dma_wait3A = arith.constant 0 : i32
        %dma_wait3A_33 = tpu.memref_slice %arg7[%arg0, %mul3A_28, %dma_wait3A] : memref<2x10000x128xf32, #tpu.memory_space<hbm>> -> memref<1x640x128xf32, #tpu.memory_space<hbm>>
        %dma_wait3A_34 = tpu.memref_squeeze %dma_wait3A_33 : memref<1x640x128xf32, #tpu.memory_space<hbm>> -> memref<640x128xf32, #tpu.memory_space<hbm>>
        %dma_wait3A_35 = arith.constant 0 : i32
        %dma_wait3A_36 = tpu.memref_slice %arg12[%mul3A_26, %dma_wait3A_35] : memref<10240x128xf32, #tpu.memory_space<vmem_shared>> -> memref<640x128xf32, #tpu.memory_space<vmem_shared>>
        tpu.wait_dma2 semaphore(%run_scoped3A : memref<!tpu.dma_semaphore, #tpu.memory_space<semaphore_mem>>) src(%dma_wait3A_36 : memref<640x128xf32, #tpu.memory_space<vmem_shared>>) dst(%dma_wait3A_34 : memref<640x128xf32, #tpu.memory_space<hbm>>)
        tpu.yield
      }) : () -> ()
    } else {
    }
    %eq3A_21 = arith.constant 15 : i32
    %eq3A_22 = arith.cmpi eq, %arg1, %eq3A_21 : i32
    %convert_element_type3A_23 = arith.extui %eq3A_22 : i1 to i32
    %cond3A_24 = arith.constant 0 : i32
    %cond3A_25 = arith.cmpi ne, %convert_element_type3A_23, %cond3A_24 : i32
    scf.if %cond3A_25 {
      "tpu.region"() ({
        %run_scoped3A = tpu.sem_alloc : memref<!tpu.dma_semaphore, #tpu.memory_space<semaphore_mem>>
        %dma_start3A = arith.constant 9600 : i32
        %dma_start3A_26 = arith.constant 0 : i32
        %dma_start3A_27 = tpu.memref_slice %arg7[%arg0, %dma_start3A, %dma_start3A_26] : memref<2x10000x128xf32, #tpu.memory_space<hbm>> -> memref<1x400x128xf32, #tpu.memory_space<hbm>>
        %dma_start3A_28 = tpu.memref_squeeze %dma_start3A_27 : memref<1x400x128xf32, #tpu.memory_space<hbm>> -> memref<400x128xf32, #tpu.memory_space<hbm>>
        %dma_start3A_29 = arith.constant 9600 : i32
        %dma_start3A_30 = arith.constant 0 : i32
        %dma_start3A_31 = tpu.memref_slice %arg12[%dma_start3A_29, %dma_start3A_30] : memref<10240x128xf32, #tpu.memory_space<vmem_shared>> -> memref<400x128xf32, #tpu.memory_space<vmem_shared>>
        tpu.enqueue_dma source(%dma_start3A_31 : memref<400x128xf32, #tpu.memory_space<vmem_shared>>) target(%dma_start3A_28 : memref<400x128xf32, #tpu.memory_space<hbm>>) target_semaphore(%run_scoped3A : memref<!tpu.dma_semaphore, #tpu.memory_space<semaphore_mem>>)
        %dma_wait3A = arith.constant 9600 : i32
        %dma_wait3A_32 = arith.constant 0 : i32
        %dma_wait3A_33 = tpu.memref_slice %arg7[%arg0, %dma_wait3A, %dma_wait3A_32] : memref<2x10000x128xf32, #tpu.memory_space<hbm>> -> memref<1x400x128xf32, #tpu.memory_space<hbm>>
        %dma_wait3A_34 = tpu.memref_squeeze %dma_wait3A_33 : memref<1x400x128xf32, #tpu.memory_space<hbm>> -> memref<400x128xf32, #tpu.memory_space<hbm>>
        %dma_wait3A_35 = arith.constant 9600 : i32
        %dma_wait3A_36 = arith.constant 0 : i32
        %dma_wait3A_37 = tpu.memref_slice %arg12[%dma_wait3A_35, %dma_wait3A_36] : memref<10240x128xf32, #tpu.memory_space<vmem_shared>> -> memref<400x128xf32, #tpu.memory_space<vmem_shared>>
        tpu.wait_dma2 semaphore(%run_scoped3A : memref<!tpu.dma_semaphore, #tpu.memory_space<semaphore_mem>>) src(%dma_wait3A_37 : memref<400x128xf32, #tpu.memory_space<vmem_shared>>) dst(%dma_wait3A_34 : memref<400x128xf32, #tpu.memory_space<hbm>>)
        tpu.yield
      }) : () -> ()
    } else {
    }
    return
  }
}

#map = affine_map<(d0, d1) -> (0, 0)>
#map1 = affine_map<(d0, d1) -> (0, 0, 0)>
module attributes {stable_mosaic.version = 14 : i64} {
  func.func @k(%arg0: i32, %arg1: i32, %arg2: memref<10000x128xf32, #tpu.memory_space<hbm>>, %arg3: memref<16x40x128xi32, #tpu.memory_space<hbm>>, %arg4: memref<16x40x128xi32, #tpu.memory_space<hbm>>, %arg5: memref<16x120x128xi32, #tpu.memory_space<hbm>>, %arg6: memref<16x120x128xi32, #tpu.memory_space<hbm>>, %arg7: memref<2x10000x128xf32, #tpu.memory_space<hbm>>, %arg8: memref<40x128xi32, #tpu.memory_space<vmem>>, %arg9: memref<40x128xi32, #tpu.memory_space<vmem>>, %arg10: memref<128x128xf32, #tpu.memory_space<vmem>>, %arg11: memref<128x128xf32, #tpu.memory_space<vmem>>, %arg12: memref<10240x128xf32, #tpu.memory_space<vmem_shared>>, %arg13: memref<!tpu.dma_semaphore, #tpu.memory_space<semaphore_mem>>, %arg14: memref<!tpu.dma_semaphore, #tpu.memory_space<semaphore_mem>>) attributes {dimension_semantics = [#tpu.dimension_semantics<core_parallel>, #tpu.dimension_semantics<subcore_parallel>], iteration_bounds = array<i64: 2, 16>, scalar_prefetch = 0 : i64, scratch_operands = 7 : i64, tpu.core_type = #tpu.core_type<sc_vector_subcore>, window_params = [{transform_indices = #map}, {transform_indices = #map1}, {transform_indices = #map1}, {transform_indices = #map1}, {transform_indices = #map1}, {transform_indices = #map1}]} {
    %scan3A = arith.constant 0 : i32
    %scan3A_0 = arith.constant 128 : i32
    %scan3A_1 = arith.addi %scan3A, %scan3A_0 : i32
    %scan3A_2 = arith.constant 1 : i32
    scf.for %scan3A_26 = %scan3A to %scan3A_1 step %scan3A_2  : i32 {
      %mul3A = arith.constant 1 : i32
      %mul3A_27 = arith.muli %scan3A_26, %mul3A : i32
      %add3A = arith.constant 0 : i32
      %add3A_28 = arith.addi %add3A, %mul3A_27 : i32
      %scan3A_29 = arith.constant 0 : i32
      %scan3A_30 = arith.constant 8 : i32
      %scan3A_31 = arith.addi %scan3A_29, %scan3A_30 : i32
      %scan3A_32 = arith.constant 1 : i32
      scf.for %scan3A_34 = %scan3A_29 to %scan3A_31 step %scan3A_32  : i32 {
        %mul3A_35 = arith.constant 16 : i32
        %mul3A_36 = arith.muli %scan3A_34, %mul3A_35 : i32
        %add3A_37 = arith.constant 0 : i32
        %add3A_38 = arith.addi %add3A_37, %mul3A_36 : i32
        %broadcast_in_dim3A = arith.constant 0.000000e+00 : f32
        %broadcast_in_dim3A_39 = vector.broadcast %broadcast_in_dim3A : f32 to vector<1x16xf32>
        %swap3A = arith.index_cast %add3A_28 : i32 to index
        %swap3A_40 = arith.index_cast %add3A_38 : i32 to index
        %swap3A_41 = tpu.vector_load %arg10[%swap3A, %swap3A_40] {strides = array<i32>} : memref<128x128xf32, #tpu.memory_space<vmem>>, vector<1x16xf32>,
        %swap3A_42 = vector.shape_cast %swap3A_41 : vector<1x16xf32> to vector<1x16xf32>
        %swap3A_43 = vector.shape_cast %broadcast_in_dim3A_39 : vector<1x16xf32> to vector<1x16xf32>
        tpu.vector_store %arg10[%swap3A, %swap3A_40], %swap3A_43 {strides = array<i32>} : memref<128x128xf32, #tpu.memory_space<vmem>>, vector<1x16xf32>,
      }
      %scan3A_33 = arith.constant 8 : i32
    }
    %scan3A_3 = arith.constant 128 : i32
    %scan3A_4 = arith.constant 0 : i32
    %scan3A_5 = arith.constant 5 : i32
    %scan3A_6 = arith.addi %scan3A_4, %scan3A_5 : i32
    %scan3A_7 = arith.constant 1 : i32
    scf.for %scan3A_26 = %scan3A_4 to %scan3A_6 step %scan3A_7  : i32 {
      %mul3A = arith.constant 128 : i32
      %mul3A_27 = arith.muli %scan3A_26, %mul3A : i32
      %add3A = arith.constant 0 : i32
      %add3A_28 = arith.addi %add3A, %mul3A_27 : i32
      %mul3A_29 = arith.constant 640 : i32
      %mul3A_30 = arith.muli %arg1, %mul3A_29 : i32
      %add3A_31 = arith.addi %mul3A_30, %add3A_28 : i32
      "tpu.region"() ({
        %run_scoped3A = tpu.sem_alloc : memref<!tpu.dma_semaphore, #tpu.memory_space<semaphore_mem>>
        %dma_start3A = arith.constant 0 : i32
        %dma_start3A_32 = tpu.memref_slice %arg12[%add3A_31, %dma_start3A] : memref<10240x128xf32, #tpu.memory_space<vmem_shared>> -> memref<128x128xf32, #tpu.memory_space<vmem_shared>>
        %dma_start3A_33 = arith.constant 0 : i32
        %dma_start3A_34 = tpu.memref_slice %arg12[%add3A_31, %dma_start3A_33] : memref<10240x128xf32, #tpu.memory_space<vmem_shared>> -> memref<128x128xf32, #tpu.memory_space<vmem_shared>>
        tpu.enqueue_dma source(%arg10 : memref<128x128xf32, #tpu.memory_space<vmem>>) target(%dma_start3A_34 : memref<128x128xf32, #tpu.memory_space<vmem_shared>>) target_semaphore(%run_scoped3A : memref<!tpu.dma_semaphore, #tpu.memory_space<semaphore_mem>>)
        %dma_wait3A = arith.constant 0 : i32
        %dma_wait3A_35 = tpu.memref_slice %arg12[%add3A_31, %dma_wait3A] : memref<10240x128xf32, #tpu.memory_space<vmem_shared>> -> memref<128x128xf32, #tpu.memory_space<vmem_shared>>
        %dma_wait3A_36 = arith.constant 0 : i32
        %dma_wait3A_37 = tpu.memref_slice %arg12[%add3A_31, %dma_wait3A_36] : memref<10240x128xf32, #tpu.memory_space<vmem_shared>> -> memref<128x128xf32, #tpu.memory_space<vmem_shared>>
        tpu.wait_dma2 semaphore(%run_scoped3A : memref<!tpu.dma_semaphore, #tpu.memory_space<semaphore_mem>>) src(%arg10 : memref<128x128xf32, #tpu.memory_space<vmem>>) dst(%dma_wait3A_37 : memref<128x128xf32, #tpu.memory_space<vmem_shared>>)
        tpu.yield
      }) : () -> ()
    }
    %scan3A_8 = arith.constant 5 : i32
    %barrier3A = arith.constant 0 : index
    tpu.barrier barrier_id(%barrier3A)
    %eq3A = arith.constant 0 : i32
    %eq3A_9 = arith.cmpi eq, %arg0, %eq3A : i32
    %convert_element_type3A = arith.extui %eq3A_9 : i1 to i32
    %cond3A = arith.constant 0 : i32
    %cond3A_10 = arith.cmpi ne, %convert_element_type3A, %cond3A : i32
    scf.if %cond3A_10 {
      %scan3A_26 = arith.constant 0 : i32
      %mul3A = arith.constant 1 : i32
      %mul3A_27 = arith.muli %scan3A_26, %mul3A : i32
      %add3A = arith.constant 0 : i32
      %add3A_28 = arith.addi %add3A, %mul3A_27 : i32
      %mul3A_29 = arith.constant 40 : i32
      %mul3A_30 = arith.muli %add3A_28, %mul3A_29 : i32
      "tpu.region"() ({
        %run_scoped3A = tpu.sem_alloc : memref<!tpu.dma_semaphore, #tpu.memory_space<semaphore_mem>>
        %dma_start3A_58 = arith.constant 0 : i32
        %dma_start3A_59 = tpu.memref_slice %arg3[%arg1, %mul3A_30, %dma_start3A_58] : memref<16x40x128xi32, #tpu.memory_space<hbm>> -> memref<1x40x128xi32, #tpu.memory_space<hbm>>
        %dma_start3A_60 = tpu.memref_squeeze %dma_start3A_59 : memref<1x40x128xi32, #tpu.memory_space<hbm>> -> memref<40x128xi32, #tpu.memory_space<hbm>>
        %dma_start3A_61 = arith.constant 0 : i32
        %dma_start3A_62 = tpu.memref_slice %arg3[%arg1, %mul3A_30, %dma_start3A_61] : memref<16x40x128xi32, #tpu.memory_space<hbm>> -> memref<1x40x128xi32, #tpu.memory_space<hbm>>
        %dma_start3A_63 = tpu.memref_squeeze %dma_start3A_62 : memref<1x40x128xi32, #tpu.memory_space<hbm>> -> memref<40x128xi32, #tpu.memory_space<hbm>>
        tpu.enqueue_dma source(%dma_start3A_63 : memref<40x128xi32, #tpu.memory_space<hbm>>) target(%arg8 : memref<40x128xi32, #tpu.memory_space<vmem>>) target_semaphore(%run_scoped3A : memref<!tpu.dma_semaphore, #tpu.memory_space<semaphore_mem>>)
        %dma_wait3A = arith.constant 0 : i32
        %dma_wait3A_64 = tpu.memref_slice %arg3[%arg1, %mul3A_30, %dma_wait3A] : memref<16x40x128xi32, #tpu.memory_space<hbm>> -> memref<1x40x128xi32, #tpu.memory_space<hbm>>
        %dma_wait3A_65 = tpu.memref_squeeze %dma_wait3A_64 : memref<1x40x128xi32, #tpu.memory_space<hbm>> -> memref<40x128xi32, #tpu.memory_space<hbm>>
        %dma_wait3A_66 = arith.constant 0 : i32
        %dma_wait3A_67 = tpu.memref_slice %arg3[%arg1, %mul3A_30, %dma_wait3A_66] : memref<16x40x128xi32, #tpu.memory_space<hbm>> -> memref<1x40x128xi32, #tpu.memory_space<hbm>>
        %dma_wait3A_68 = tpu.memref_squeeze %dma_wait3A_67 : memref<1x40x128xi32, #tpu.memory_space<hbm>> -> memref<40x128xi32, #tpu.memory_space<hbm>>
        tpu.wait_dma2 semaphore(%run_scoped3A : memref<!tpu.dma_semaphore, #tpu.memory_space<semaphore_mem>>) src(%dma_wait3A_68 : memref<40x128xi32, #tpu.memory_space<hbm>>) dst(%arg8 : memref<40x128xi32, #tpu.memory_space<vmem>>)
        tpu.yield
      }) : () -> ()
      %mul3A_31 = arith.constant 40 : i32
      %mul3A_32 = arith.muli %add3A_28, %mul3A_31 : i32
      "tpu.region"() ({
        %run_scoped3A = tpu.sem_alloc : memref<!tpu.dma_semaphore, #tpu.memory_space<semaphore_mem>>
        %dma_start3A_58 = arith.constant 0 : i32
        %dma_start3A_59 = tpu.memref_slice %arg4[%arg1, %mul3A_32, %dma_start3A_58] : memref<16x40x128xi32, #tpu.memory_space<hbm>> -> memref<1x40x128xi32, #tpu.memory_space<hbm>>
        %dma_start3A_60 = tpu.memref_squeeze %dma_start3A_59 : memref<1x40x128xi32, #tpu.memory_space<hbm>> -> memref<40x128xi32, #tpu.memory_space<hbm>>
        %dma_start3A_61 = arith.constant 0 : i32
        %dma_start3A_62 = tpu.memref_slice %arg4[%arg1, %mul3A_32, %dma_start3A_61] : memref<16x40x128xi32, #tpu.memory_space<hbm>> -> memref<1x40x128xi32, #tpu.memory_space<hbm>>
        %dma_start3A_63 = tpu.memref_squeeze %dma_start3A_62 : memref<1x40x128xi32, #tpu.memory_space<hbm>> -> memref<40x128xi32, #tpu.memory_space<hbm>>
        tpu.enqueue_dma source(%dma_start3A_63 : memref<40x128xi32, #tpu.memory_space<hbm>>) target(%arg9 : memref<40x128xi32, #tpu.memory_space<vmem>>) target_semaphore(%run_scoped3A : memref<!tpu.dma_semaphore, #tpu.memory_space<semaphore_mem>>)
        %dma_wait3A = arith.constant 0 : i32
        %dma_wait3A_64 = tpu.memref_slice %arg4[%arg1, %mul3A_32, %dma_wait3A] : memref<16x40x128xi32, #tpu.memory_space<hbm>> -> memref<1x40x128xi32, #tpu.memory_space<hbm>>
        %dma_wait3A_65 = tpu.memref_squeeze %dma_wait3A_64 : memref<1x40x128xi32, #tpu.memory_space<hbm>> -> memref<40x128xi32, #tpu.memory_space<hbm>>
        %dma_wait3A_66 = arith.constant 0 : i32
        %dma_wait3A_67 = tpu.memref_slice %arg4[%arg1, %mul3A_32, %dma_wait3A_66] : memref<16x40x128xi32, #tpu.memory_space<hbm>> -> memref<1x40x128xi32, #tpu.memory_space<hbm>>
        %dma_wait3A_68 = tpu.memref_squeeze %dma_wait3A_67 : memref<1x40x128xi32, #tpu.memory_space<hbm>> -> memref<40x128xi32, #tpu.memory_space<hbm>>
        tpu.wait_dma2 semaphore(%run_scoped3A : memref<!tpu.dma_semaphore, #tpu.memory_space<semaphore_mem>>) src(%dma_wait3A_68 : memref<40x128xi32, #tpu.memory_space<hbm>>) dst(%arg9 : memref<40x128xi32, #tpu.memory_space<vmem>>)
        tpu.yield
      }) : () -> ()
      %dma_start3A = arith.constant 0 : i32
      %dma_start3A_33 = arith.constant 0 : i32
      %dma_start3A_34 = arith.constant 0 : i32
      %dma_start3A_35 = tpu.memref_slice %arg10[%dma_start3A_33, %dma_start3A_34] : memref<128x128xf32, #tpu.memory_space<vmem>> -> memref<64x128xf32, #tpu.memory_space<vmem>>
      %dma_start3A_36 = arith.constant 0 : i32
      %dma_start3A_37 = tpu.memref_slice %arg8[%dma_start3A, %dma_start3A_36] : memref<40x128xi32, #tpu.memory_space<vmem>> -> memref<1x64xi32, #tpu.memory_space<vmem>>
      %dma_start3A_38 = tpu.memref_squeeze %dma_start3A_37 : memref<1x64xi32, #tpu.memory_space<vmem>> -> memref<64xi32, #tpu.memory_space<vmem>>
      %dma_start3A_39 = arith.constant 0 : i32
      %dma_start3A_40 = arith.constant 0 : i32
      %dma_start3A_41 = tpu.memref_slice %arg2[%dma_start3A_39, %dma_start3A_40] : memref<10000x128xf32, #tpu.memory_space<hbm>> -> memref<10000x128xf32, #tpu.memory_space<hbm>>
      tpu.enqueue_indirect_dma source(%dma_start3A_41 : memref<10000x128xf32, #tpu.memory_space<hbm>>) target(%dma_start3A_35 : memref<64x128xf32, #tpu.memory_space<vmem>>) offsets(%dma_start3A_38 : memref<64xi32, #tpu.memory_space<vmem>>) semaphore(%arg13 : memref<!tpu.dma_semaphore, #tpu.memory_space<semaphore_mem>>)
      %dma_start3A_42 = arith.constant 0 : i32
      %dma_start3A_43 = arith.constant 64 : i32
      %dma_start3A_44 = arith.constant 0 : i32
      %dma_start3A_45 = tpu.memref_slice %arg10[%dma_start3A_43, %dma_start3A_44] : memref<128x128xf32, #tpu.memory_space<vmem>> -> memref<64x128xf32, #tpu.memory_space<vmem>>
      %dma_start3A_46 = arith.constant 64 : i32
      %dma_start3A_47 = tpu.memref_slice %arg8[%dma_start3A_42, %dma_start3A_46] : memref<40x128xi32, #tpu.memory_space<vmem>> -> memref<1x64xi32, #tpu.memory_space<vmem>>
      %dma_start3A_48 = tpu.memref_squeeze %dma_start3A_47 : memref<1x64xi32, #tpu.memory_space<vmem>> -> memref<64xi32, #tpu.memory_space<vmem>>
      %dma_start3A_49 = arith.constant 0 : i32
      %dma_start3A_50 = arith.constant 0 : i32
      %dma_start3A_51 = tpu.memref_slice %arg2[%dma_start3A_49, %dma_start3A_50] : memref<10000x128xf32, #tpu.memory_space<hbm>> -> memref<10000x128xf32, #tpu.memory_space<hbm>>
      tpu.enqueue_indirect_dma source(%dma_start3A_51 : memref<10000x128xf32, #tpu.memory_space<hbm>>) target(%dma_start3A_45 : memref<64x128xf32, #tpu.memory_space<vmem>>) offsets(%dma_start3A_48 : memref<64xi32, #tpu.memory_space<vmem>>) semaphore(%arg13 : memref<!tpu.dma_semaphore, #tpu.memory_space<semaphore_mem>>)
      %scan3A_52 = arith.constant 0 : i32
      %scan3A_53 = arith.constant 20 : i32
      %scan3A_54 = arith.addi %scan3A_52, %scan3A_53 : i32
      %scan3A_55 = arith.constant 1 : i32
      scf.for %scan3A_58 = %scan3A_52 to %scan3A_54 step %scan3A_55  : i32 {
        %mul3A_59 = arith.constant 2 : i32
        %mul3A_60 = arith.muli %scan3A_58, %mul3A_59 : i32
        %add3A_61 = arith.constant 0 : i32
        %add3A_62 = arith.addi %add3A_61, %mul3A_60 : i32
        %dma_wait3A = arith.constant 0 : i32
        %dma_wait3A_63 = arith.constant 0 : i32
        %dma_wait3A_64 = tpu.memref_slice %arg10[%dma_wait3A, %dma_wait3A_63] : memref<128x128xf32, #tpu.memory_space<vmem>> -> memref<64x128xf32, #tpu.memory_space<vmem>>
        %dma_wait3A_65 = arith.constant 0 : i32
        %dma_wait3A_66 = tpu.memref_slice %arg8[%add3A_62, %dma_wait3A_65] : memref<40x128xi32, #tpu.memory_space<vmem>> -> memref<1x64xi32, #tpu.memory_space<vmem>>
        %dma_wait3A_67 = tpu.memref_squeeze %dma_wait3A_66 : memref<1x64xi32, #tpu.memory_space<vmem>> -> memref<64xi32, #tpu.memory_space<vmem>>
        %dma_wait3A_68 = arith.constant 0 : i32
        %dma_wait3A_69 = arith.constant 0 : i32
        %dma_wait3A_70 = tpu.memref_slice %arg2[%dma_wait3A_68, %dma_wait3A_69] : memref<10000x128xf32, #tpu.memory_space<hbm>> -> memref<10000x128xf32, #tpu.memory_space<hbm>>
        tpu.wait_indirect_dma semaphore(%arg13 : memref<!tpu.dma_semaphore, #tpu.memory_space<semaphore_mem>>) src(%dma_wait3A_70 : memref<10000x128xf32, #tpu.memory_space<hbm>>) dst(%dma_wait3A_64 : memref<64x128xf32, #tpu.memory_space<vmem>>)
        %dma_wait3A_71 = arith.constant 64 : i32
        %dma_wait3A_72 = arith.constant 0 : i32
        %dma_wait3A_73 = tpu.memref_slice %arg10[%dma_wait3A_71, %dma_wait3A_72] : memref<128x128xf32, #tpu.memory_space<vmem>> -> memref<64x128xf32, #tpu.memory_space<vmem>>
        %dma_wait3A_74 = arith.constant 64 : i32
        %dma_wait3A_75 = tpu.memref_slice %arg8[%add3A_62, %dma_wait3A_74] : memref<40x128xi32, #tpu.memory_space<vmem>> -> memref<1x64xi32, #tpu.memory_space<vmem>>
        %dma_wait3A_76 = tpu.memref_squeeze %dma_wait3A_75 : memref<1x64xi32, #tpu.memory_space<vmem>> -> memref<64xi32, #tpu.memory_space<vmem>>
        %dma_wait3A_77 = arith.constant 0 : i32
        %dma_wait3A_78 = arith.constant 0 : i32
        %dma_wait3A_79 = tpu.memref_slice %arg2[%dma_wait3A_77, %dma_wait3A_78] : memref<10000x128xf32, #tpu.memory_space<hbm>> -> memref<10000x128xf32, #tpu.memory_space<hbm>>
        tpu.wait_indirect_dma semaphore(%arg13 : memref<!tpu.dma_semaphore, #tpu.memory_space<semaphore_mem>>) src(%dma_wait3A_79 : memref<10000x128xf32, #tpu.memory_space<hbm>>) dst(%dma_wait3A_73 : memref<64x128xf32, #tpu.memory_space<vmem>>)
        %add3A_80 = arith.constant 1 : i32
        %add3A_81 = arith.addi %add3A_62, %add3A_80 : i32
        %dma_start3A_82 = arith.constant 0 : i32
        %dma_start3A_83 = arith.constant 0 : i32
        %dma_start3A_84 = tpu.memref_slice %arg11[%dma_start3A_82, %dma_start3A_83] : memref<128x128xf32, #tpu.memory_space<vmem>> -> memref<64x128xf32, #tpu.memory_space<vmem>>
        %dma_start3A_85 = arith.constant 0 : i32
        %dma_start3A_86 = tpu.memref_slice %arg8[%add3A_81, %dma_start3A_85] : memref<40x128xi32, #tpu.memory_space<vmem>> -> memref<1x64xi32, #tpu.memory_space<vmem>>
        %dma_start3A_87 = tpu.memref_squeeze %dma_start3A_86 : memref<1x64xi32, #tpu.memory_space<vmem>> -> memref<64xi32, #tpu.memory_space<vmem>>
        %dma_start3A_88 = arith.constant 0 : i32
        %dma_start3A_89 = arith.constant 0 : i32
        %dma_start3A_90 = tpu.memref_slice %arg2[%dma_start3A_88, %dma_start3A_89] : memref<10000x128xf32, #tpu.memory_space<hbm>> -> memref<10000x128xf32, #tpu.memory_space<hbm>>
        tpu.enqueue_indirect_dma source(%dma_start3A_90 : memref<10000x128xf32, #tpu.memory_space<hbm>>) target(%dma_start3A_84 : memref<64x128xf32, #tpu.memory_space<vmem>>) offsets(%dma_start3A_87 : memref<64xi32, #tpu.memory_space<vmem>>) semaphore(%arg14 : memref<!tpu.dma_semaphore, #tpu.memory_space<semaphore_mem>>)
        %dma_start3A_91 = arith.constant 64 : i32
        %dma_start3A_92 = arith.constant 0 : i32
        %dma_start3A_93 = tpu.memref_slice %arg11[%dma_start3A_91, %dma_start3A_92] : memref<128x128xf32, #tpu.memory_space<vmem>> -> memref<64x128xf32, #tpu.memory_space<vmem>>
        %dma_start3A_94 = arith.constant 64 : i32
        %dma_start3A_95 = tpu.memref_slice %arg8[%add3A_81, %dma_start3A_94] : memref<40x128xi32, #tpu.memory_space<vmem>> -> memref<1x64xi32, #tpu.memory_space<vmem>>
        %dma_start3A_96 = tpu.memref_squeeze %dma_start3A_95 : memref<1x64xi32, #tpu.memory_space<vmem>> -> memref<64xi32, #tpu.memory_space<vmem>>
        %dma_start3A_97 = arith.constant 0 : i32
        %dma_start3A_98 = arith.constant 0 : i32
        %dma_start3A_99 = tpu.memref_slice %arg2[%dma_start3A_97, %dma_start3A_98] : memref<10000x128xf32, #tpu.memory_space<hbm>> -> memref<10000x128xf32, #tpu.memory_space<hbm>>
        tpu.enqueue_indirect_dma source(%dma_start3A_99 : memref<10000x128xf32, #tpu.memory_space<hbm>>) target(%dma_start3A_93 : memref<64x128xf32, #tpu.memory_space<vmem>>) offsets(%dma_start3A_96 : memref<64xi32, #tpu.memory_space<vmem>>) semaphore(%arg14 : memref<!tpu.dma_semaphore, #tpu.memory_space<semaphore_mem>>)
        "tpu.region"() ({
          %run_scoped3A = tpu.sem_alloc : memref<!tpu.dma_semaphore, #tpu.memory_space<semaphore_mem>>
          %dma_start3A_129 = arith.constant 0 : i32
          %dma_start3A_130 = tpu.memref_slice %arg9[%add3A_62, %dma_start3A_129] : memref<40x128xi32, #tpu.memory_space<vmem>> -> memref<1x128xi32, #tpu.memory_space<vmem>>
          %dma_start3A_131 = tpu.memref_squeeze %dma_start3A_130 : memref<1x128xi32, #tpu.memory_space<vmem>> -> memref<128xi32, #tpu.memory_space<vmem>>
          %dma_start3A_132 = arith.constant 0 : i32
          %dma_start3A_133 = arith.constant 0 : i32
          %dma_start3A_134 = tpu.memref_slice %arg12[%dma_start3A_132, %dma_start3A_133] : memref<10240x128xf32, #tpu.memory_space<vmem_shared>> -> memref<10240x128xf32, #tpu.memory_space<vmem_shared>>
          tpu.enqueue_indirect_dma source(%arg10 : memref<128x128xf32, #tpu.memory_space<vmem>>) target(%dma_start3A_134 : memref<10240x128xf32, #tpu.memory_space<vmem_shared>>) offsets(%dma_start3A_131 : memref<128xi32, #tpu.memory_space<vmem>>) semaphore(%run_scoped3A : memref<!tpu.dma_semaphore, #tpu.memory_space<semaphore_mem>>) {add = true}
          %dma_wait3A_135 = arith.constant 0 : i32
          %dma_wait3A_136 = tpu.memref_slice %arg9[%add3A_62, %dma_wait3A_135] : memref<40x128xi32, #tpu.memory_space<vmem>> -> memref<1x128xi32, #tpu.memory_space<vmem>>
          %dma_wait3A_137 = tpu.memref_squeeze %dma_wait3A_136 : memref<1x128xi32, #tpu.memory_space<vmem>> -> memref<128xi32, #tpu.memory_space<vmem>>
          %dma_wait3A_138 = arith.constant 0 : i32
          %dma_wait3A_139 = arith.constant 0 : i32
          %dma_wait3A_140 = tpu.memref_slice %arg12[%dma_wait3A_138, %dma_wait3A_139] : memref<10240x128xf32, #tpu.memory_space<vmem_shared>> -> memref<10240x128xf32, #tpu.memory_space<vmem_shared>>
          tpu.wait_indirect_dma semaphore(%run_scoped3A : memref<!tpu.dma_semaphore, #tpu.memory_space<semaphore_mem>>) src(%arg10 : memref<128x128xf32, #tpu.memory_space<vmem>>) dst(%dma_wait3A_140 : memref<10240x128xf32, #tpu.memory_space<vmem_shared>>)
          tpu.yield
        }) : () -> ()
        %add3A_100 = arith.constant 1 : i32
        %add3A_101 = arith.addi %add3A_62, %add3A_100 : i32
        %dma_wait3A_102 = arith.constant 0 : i32
        %dma_wait3A_103 = arith.constant 0 : i32
        %dma_wait3A_104 = tpu.memref_slice %arg11[%dma_wait3A_102, %dma_wait3A_103] : memref<128x128xf32, #tpu.memory_space<vmem>> -> memref<64x128xf32, #tpu.memory_space<vmem>>
        %dma_wait3A_105 = arith.constant 0 : i32
        %dma_wait3A_106 = tpu.memref_slice %arg8[%add3A_101, %dma_wait3A_105] : memref<40x128xi32, #tpu.memory_space<vmem>> -> memref<1x64xi32, #tpu.memory_space<vmem>>
        %dma_wait3A_107 = tpu.memref_squeeze %dma_wait3A_106 : memref<1x64xi32, #tpu.memory_space<vmem>> -> memref<64xi32, #tpu.memory_space<vmem>>
        %dma_wait3A_108 = arith.constant 0 : i32
        %dma_wait3A_109 = arith.constant 0 : i32
        %dma_wait3A_110 = tpu.memref_slice %arg2[%dma_wait3A_108, %dma_wait3A_109] : memref<10000x128xf32, #tpu.memory_space<hbm>> -> memref<10000x128xf32, #tpu.memory_space<hbm>>
        tpu.wait_indirect_dma semaphore(%arg14 : memref<!tpu.dma_semaphore, #tpu.memory_space<semaphore_mem>>) src(%dma_wait3A_110 : memref<10000x128xf32, #tpu.memory_space<hbm>>) dst(%dma_wait3A_104 : memref<64x128xf32, #tpu.memory_space<vmem>>)
        %dma_wait3A_111 = arith.constant 64 : i32
        %dma_wait3A_112 = arith.constant 0 : i32
        %dma_wait3A_113 = tpu.memref_slice %arg11[%dma_wait3A_111, %dma_wait3A_112] : memref<128x128xf32, #tpu.memory_space<vmem>> -> memref<64x128xf32, #tpu.memory_space<vmem>>
        %dma_wait3A_114 = arith.constant 64 : i32
        %dma_wait3A_115 = tpu.memref_slice %arg8[%add3A_101, %dma_wait3A_114] : memref<40x128xi32, #tpu.memory_space<vmem>> -> memref<1x64xi32, #tpu.memory_space<vmem>>
        %dma_wait3A_116 = tpu.memref_squeeze %dma_wait3A_115 : memref<1x64xi32, #tpu.memory_space<vmem>> -> memref<64xi32, #tpu.memory_space<vmem>>
        %dma_wait3A_117 = arith.constant 0 : i32
        %dma_wait3A_118 = arith.constant 0 : i32
        %dma_wait3A_119 = tpu.memref_slice %arg2[%dma_wait3A_117, %dma_wait3A_118] : memref<10000x128xf32, #tpu.memory_space<hbm>> -> memref<10000x128xf32, #tpu.memory_space<hbm>>
        tpu.wait_indirect_dma semaphore(%arg14 : memref<!tpu.dma_semaphore, #tpu.memory_space<semaphore_mem>>) src(%dma_wait3A_119 : memref<10000x128xf32, #tpu.memory_space<hbm>>) dst(%dma_wait3A_113 : memref<64x128xf32, #tpu.memory_space<vmem>>)
        %add3A_120 = arith.constant 2 : i32
        %add3A_121 = arith.addi %add3A_62, %add3A_120 : i32
        %lt3A_122 = arith.constant 40 : i32
        %lt3A_123 = arith.cmpi slt, %add3A_121, %lt3A_122 : i32
        %convert_element_type3A_124 = arith.extui %lt3A_123 : i1 to i32
        %cond3A_125 = arith.constant 0 : i32
        %cond3A_126 = arith.cmpi ne, %convert_element_type3A_124, %cond3A_125 : i32
        scf.if %cond3A_126 {
          %add3A_129 = arith.constant 2 : i32
          %add3A_130 = arith.addi %add3A_62, %add3A_129 : i32
          %dma_start3A_131 = arith.constant 0 : i32
          %dma_start3A_132 = arith.constant 0 : i32
          %dma_start3A_133 = tpu.memref_slice %arg10[%dma_start3A_131, %dma_start3A_132] : memref<128x128xf32, #tpu.memory_space<vmem>> -> memref<64x128xf32, #tpu.memory_space<vmem>>
          %dma_start3A_134 = arith.constant 0 : i32
          %dma_start3A_135 = tpu.memref_slice %arg8[%add3A_130, %dma_start3A_134] : memref<40x128xi32, #tpu.memory_space<vmem>> -> memref<1x64xi32, #tpu.memory_space<vmem>>
          %dma_start3A_136 = tpu.memref_squeeze %dma_start3A_135 : memref<1x64xi32, #tpu.memory_space<vmem>> -> memref<64xi32, #tpu.memory_space<vmem>>
          %dma_start3A_137 = arith.constant 0 : i32
          %dma_start3A_138 = arith.constant 0 : i32
          %dma_start3A_139 = tpu.memref_slice %arg2[%dma_start3A_137, %dma_start3A_138] : memref<10000x128xf32, #tpu.memory_space<hbm>> -> memref<10000x128xf32, #tpu.memory_space<hbm>>
          tpu.enqueue_indirect_dma source(%dma_start3A_139 : memref<10000x128xf32, #tpu.memory_space<hbm>>) target(%dma_start3A_133 : memref<64x128xf32, #tpu.memory_space<vmem>>) offsets(%dma_start3A_136 : memref<64xi32, #tpu.memory_space<vmem>>) semaphore(%arg13 : memref<!tpu.dma_semaphore, #tpu.memory_space<semaphore_mem>>)
          %dma_start3A_140 = arith.constant 64 : i32
          %dma_start3A_141 = arith.constant 0 : i32
          %dma_start3A_142 = tpu.memref_slice %arg10[%dma_start3A_140, %dma_start3A_141] : memref<128x128xf32, #tpu.memory_space<vmem>> -> memref<64x128xf32, #tpu.memory_space<vmem>>
          %dma_start3A_143 = arith.constant 64 : i32
          %dma_start3A_144 = tpu.memref_slice %arg8[%add3A_130, %dma_start3A_143] : memref<40x128xi32, #tpu.memory_space<vmem>> -> memref<1x64xi32, #tpu.memory_space<vmem>>
          %dma_start3A_145 = tpu.memref_squeeze %dma_start3A_144 : memref<1x64xi32, #tpu.memory_space<vmem>> -> memref<64xi32, #tpu.memory_space<vmem>>
          %dma_start3A_146 = arith.constant 0 : i32
          %dma_start3A_147 = arith.constant 0 : i32
          %dma_start3A_148 = tpu.memref_slice %arg2[%dma_start3A_146, %dma_start3A_147] : memref<10000x128xf32, #tpu.memory_space<hbm>> -> memref<10000x128xf32, #tpu.memory_space<hbm>>
          tpu.enqueue_indirect_dma source(%dma_start3A_148 : memref<10000x128xf32, #tpu.memory_space<hbm>>) target(%dma_start3A_142 : memref<64x128xf32, #tpu.memory_space<vmem>>) offsets(%dma_start3A_145 : memref<64xi32, #tpu.memory_space<vmem>>) semaphore(%arg13 : memref<!tpu.dma_semaphore, #tpu.memory_space<semaphore_mem>>)
        } else {
        }
        %add3A_127 = arith.constant 1 : i32
        %add3A_128 = arith.addi %add3A_62, %add3A_127 : i32
        "tpu.region"() ({
          %run_scoped3A = tpu.sem_alloc : memref<!tpu.dma_semaphore, #tpu.memory_space<semaphore_mem>>
          %dma_start3A_129 = arith.constant 0 : i32
          %dma_start3A_130 = tpu.memref_slice %arg9[%add3A_128, %dma_start3A_129] : memref<40x128xi32, #tpu.memory_space<vmem>> -> memref<1x128xi32, #tpu.memory_space<vmem>>
          %dma_start3A_131 = tpu.memref_squeeze %dma_start3A_130 : memref<1x128xi32, #tpu.memory_space<vmem>> -> memref<128xi32, #tpu.memory_space<vmem>>
          %dma_start3A_132 = arith.constant 0 : i32
          %dma_start3A_133 = arith.constant 0 : i32
          %dma_start3A_134 = tpu.memref_slice %arg12[%dma_start3A_132, %dma_start3A_133] : memref<10240x128xf32, #tpu.memory_space<vmem_shared>> -> memref<10240x128xf32, #tpu.memory_space<vmem_shared>>
          tpu.enqueue_indirect_dma source(%arg11 : memref<128x128xf32, #tpu.memory_space<vmem>>) target(%dma_start3A_134 : memref<10240x128xf32, #tpu.memory_space<vmem_shared>>) offsets(%dma_start3A_131 : memref<128xi32, #tpu.memory_space<vmem>>) semaphore(%run_scoped3A : memref<!tpu.dma_semaphore, #tpu.memory_space<semaphore_mem>>) {add = true}
          %dma_wait3A_135 = arith.constant 0 : i32
          %dma_wait3A_136 = tpu.memref_slice %arg9[%add3A_128, %dma_wait3A_135] : memref<40x128xi32, #tpu.memory_space<vmem>> -> memref<1x128xi32, #tpu.memory_space<vmem>>
          %dma_wait3A_137 = tpu.memref_squeeze %dma_wait3A_136 : memref<1x128xi32, #tpu.memory_space<vmem>> -> memref<128xi32, #tpu.memory_space<vmem>>
          %dma_wait3A_138 = arith.constant 0 : i32
          %dma_wait3A_139 = arith.constant 0 : i32
          %dma_wait3A_140 = tpu.memref_slice %arg12[%dma_wait3A_138, %dma_wait3A_139] : memref<10240x128xf32, #tpu.memory_space<vmem_shared>> -> memref<10240x128xf32, #tpu.memory_space<vmem_shared>>
          tpu.wait_indirect_dma semaphore(%run_scoped3A : memref<!tpu.dma_semaphore, #tpu.memory_space<semaphore_mem>>) src(%arg11 : memref<128x128xf32, #tpu.memory_space<vmem>>) dst(%dma_wait3A_140 : memref<10240x128xf32, #tpu.memory_space<vmem_shared>>)
          tpu.yield
        }) : () -> ()
      }
      %scan3A_56 = arith.constant 20 : i32
      %scan3A_57 = arith.constant 1 : i32
    } else {
    }
    %eq3A_11 = arith.constant 1 : i32
    %eq3A_12 = arith.cmpi eq, %arg0, %eq3A_11 : i32
    %convert_element_type3A_13 = arith.extui %eq3A_12 : i1 to i32
    %cond3A_14 = arith.constant 0 : i32
    %cond3A_15 = arith.cmpi ne, %convert_element_type3A_13, %cond3A_14 : i32
    scf.if %cond3A_15 {
      %scan3A_26 = arith.constant 0 : i32
      %scan3A_27 = arith.constant 3 : i32
      %scan3A_28 = arith.addi %scan3A_26, %scan3A_27 : i32
      %scan3A_29 = arith.constant 1 : i32
      scf.for %scan3A_31 = %scan3A_26 to %scan3A_28 step %scan3A_29  : i32 {
        %mul3A = arith.constant 1 : i32
        %mul3A_32 = arith.muli %scan3A_31, %mul3A : i32
        %add3A = arith.constant 0 : i32
        %add3A_33 = arith.addi %add3A, %mul3A_32 : i32
        %mul3A_34 = arith.constant 40 : i32
        %mul3A_35 = arith.muli %add3A_33, %mul3A_34 : i32
        "tpu.region"() ({
          %run_scoped3A = tpu.sem_alloc : memref<!tpu.dma_semaphore, #tpu.memory_space<semaphore_mem>>
          %dma_start3A_62 = arith.constant 0 : i32
          %dma_start3A_63 = tpu.memref_slice %arg5[%arg1, %mul3A_35, %dma_start3A_62] : memref<16x120x128xi32, #tpu.memory_space<hbm>> -> memref<1x40x128xi32, #tpu.memory_space<hbm>>
          %dma_start3A_64 = tpu.memref_squeeze %dma_start3A_63 : memref<1x40x128xi32, #tpu.memory_space<hbm>> -> memref<40x128xi32, #tpu.memory_space<hbm>>
          %dma_start3A_65 = arith.constant 0 : i32
          %dma_start3A_66 = tpu.memref_slice %arg5[%arg1, %mul3A_35, %dma_start3A_65] : memref<16x120x128xi32, #tpu.memory_space<hbm>> -> memref<1x40x128xi32, #tpu.memory_space<hbm>>
          %dma_start3A_67 = tpu.memref_squeeze %dma_start3A_66 : memref<1x40x128xi32, #tpu.memory_space<hbm>> -> memref<40x128xi32, #tpu.memory_space<hbm>>
          tpu.enqueue_dma source(%dma_start3A_67 : memref<40x128xi32, #tpu.memory_space<hbm>>) target(%arg8 : memref<40x128xi32, #tpu.memory_space<vmem>>) target_semaphore(%run_scoped3A : memref<!tpu.dma_semaphore, #tpu.memory_space<semaphore_mem>>)
          %dma_wait3A = arith.constant 0 : i32
          %dma_wait3A_68 = tpu.memref_slice %arg5[%arg1, %mul3A_35, %dma_wait3A] : memref<16x120x128xi32, #tpu.memory_space<hbm>> -> memref<1x40x128xi32, #tpu.memory_space<hbm>>
          %dma_wait3A_69 = tpu.memref_squeeze %dma_wait3A_68 : memref<1x40x128xi32, #tpu.memory_space<hbm>> -> memref<40x128xi32, #tpu.memory_space<hbm>>
          %dma_wait3A_70 = arith.constant 0 : i32
          %dma_wait3A_71 = tpu.memref_slice %arg5[%arg1, %mul3A_35, %dma_wait3A_70] : memref<16x120x128xi32, #tpu.memory_space<hbm>> -> memref<1x40x128xi32, #tpu.memory_space<hbm>>
          %dma_wait3A_72 = tpu.memref_squeeze %dma_wait3A_71 : memref<1x40x128xi32, #tpu.memory_space<hbm>> -> memref<40x128xi32, #tpu.memory_space<hbm>>
          tpu.wait_dma2 semaphore(%run_scoped3A : memref<!tpu.dma_semaphore, #tpu.memory_space<semaphore_mem>>) src(%dma_wait3A_72 : memref<40x128xi32, #tpu.memory_space<hbm>>) dst(%arg8 : memref<40x128xi32, #tpu.memory_space<vmem>>)
          tpu.yield
        }) : () -> ()
        %mul3A_36 = arith.constant 40 : i32
        %mul3A_37 = arith.muli %add3A_33, %mul3A_36 : i32
        "tpu.region"() ({
          %run_scoped3A = tpu.sem_alloc : memref<!tpu.dma_semaphore, #tpu.memory_space<semaphore_mem>>
          %dma_start3A_62 = arith.constant 0 : i32
          %dma_start3A_63 = tpu.memref_slice %arg6[%arg1, %mul3A_37, %dma_start3A_62] : memref<16x120x128xi32, #tpu.memory_space<hbm>> -> memref<1x40x128xi32, #tpu.memory_space<hbm>>
          %dma_start3A_64 = tpu.memref_squeeze %dma_start3A_63 : memref<1x40x128xi32, #tpu.memory_space<hbm>> -> memref<40x128xi32, #tpu.memory_space<hbm>>
          %dma_start3A_65 = arith.constant 0 : i32
          %dma_start3A_66 = tpu.memref_slice %arg6[%arg1, %mul3A_37, %dma_start3A_65] : memref<16x120x128xi32, #tpu.memory_space<hbm>> -> memref<1x40x128xi32, #tpu.memory_space<hbm>>
          %dma_start3A_67 = tpu.memref_squeeze %dma_start3A_66 : memref<1x40x128xi32, #tpu.memory_space<hbm>> -> memref<40x128xi32, #tpu.memory_space<hbm>>
          tpu.enqueue_dma source(%dma_start3A_67 : memref<40x128xi32, #tpu.memory_space<hbm>>) target(%arg9 : memref<40x128xi32, #tpu.memory_space<vmem>>) target_semaphore(%run_scoped3A : memref<!tpu.dma_semaphore, #tpu.memory_space<semaphore_mem>>)
          %dma_wait3A = arith.constant 0 : i32
          %dma_wait3A_68 = tpu.memref_slice %arg6[%arg1, %mul3A_37, %dma_wait3A] : memref<16x120x128xi32, #tpu.memory_space<hbm>> -> memref<1x40x128xi32, #tpu.memory_space<hbm>>
          %dma_wait3A_69 = tpu.memref_squeeze %dma_wait3A_68 : memref<1x40x128xi32, #tpu.memory_space<hbm>> -> memref<40x128xi32, #tpu.memory_space<hbm>>
          %dma_wait3A_70 = arith.constant 0 : i32
          %dma_wait3A_71 = tpu.memref_slice %arg6[%arg1, %mul3A_37, %dma_wait3A_70] : memref<16x120x128xi32, #tpu.memory_space<hbm>> -> memref<1x40x128xi32, #tpu.memory_space<hbm>>
          %dma_wait3A_72 = tpu.memref_squeeze %dma_wait3A_71 : memref<1x40x128xi32, #tpu.memory_space<hbm>> -> memref<40x128xi32, #tpu.memory_space<hbm>>
          tpu.wait_dma2 semaphore(%run_scoped3A : memref<!tpu.dma_semaphore, #tpu.memory_space<semaphore_mem>>) src(%dma_wait3A_72 : memref<40x128xi32, #tpu.memory_space<hbm>>) dst(%arg9 : memref<40x128xi32, #tpu.memory_space<vmem>>)
          tpu.yield
        }) : () -> ()
        %dma_start3A = arith.constant 0 : i32
        %dma_start3A_38 = arith.constant 0 : i32
        %dma_start3A_39 = arith.constant 0 : i32
        %dma_start3A_40 = tpu.memref_slice %arg10[%dma_start3A_38, %dma_start3A_39] : memref<128x128xf32, #tpu.memory_space<vmem>> -> memref<64x128xf32, #tpu.memory_space<vmem>>
        %dma_start3A_41 = arith.constant 0 : i32
        %dma_start3A_42 = tpu.memref_slice %arg8[%dma_start3A, %dma_start3A_41] : memref<40x128xi32, #tpu.memory_space<vmem>> -> memref<1x64xi32, #tpu.memory_space<vmem>>
        %dma_start3A_43 = tpu.memref_squeeze %dma_start3A_42 : memref<1x64xi32, #tpu.memory_space<vmem>> -> memref<64xi32, #tpu.memory_space<vmem>>
        %dma_start3A_44 = arith.constant 0 : i32
        %dma_start3A_45 = arith.constant 0 : i32
        %dma_start3A_46 = tpu.memref_slice %arg2[%dma_start3A_44, %dma_start3A_45] : memref<10000x128xf32, #tpu.memory_space<hbm>> -> memref<10000x128xf32, #tpu.memory_space<hbm>>
        tpu.enqueue_indirect_dma source(%dma_start3A_46 : memref<10000x128xf32, #tpu.memory_space<hbm>>) target(%dma_start3A_40 : memref<64x128xf32, #tpu.memory_space<vmem>>) offsets(%dma_start3A_43 : memref<64xi32, #tpu.memory_space<vmem>>) semaphore(%arg13 : memref<!tpu.dma_semaphore, #tpu.memory_space<semaphore_mem>>)
        %dma_start3A_47 = arith.constant 0 : i32
        %dma_start3A_48 = arith.constant 64 : i32
        %dma_start3A_49 = arith.constant 0 : i32
        %dma_start3A_50 = tpu.memref_slice %arg10[%dma_start3A_48, %dma_start3A_49] : memref<128x128xf32, #tpu.memory_space<vmem>> -> memref<64x128xf32, #tpu.memory_space<vmem>>
        %dma_start3A_51 = arith.constant 64 : i32
        %dma_start3A_52 = tpu.memref_slice %arg8[%dma_start3A_47, %dma_start3A_51] : memref<40x128xi32, #tpu.memory_space<vmem>> -> memref<1x64xi32, #tpu.memory_space<vmem>>
        %dma_start3A_53 = tpu.memref_squeeze %dma_start3A_52 : memref<1x64xi32, #tpu.memory_space<vmem>> -> memref<64xi32, #tpu.memory_space<vmem>>
        %dma_start3A_54 = arith.constant 0 : i32
        %dma_start3A_55 = arith.constant 0 : i32
        %dma_start3A_56 = tpu.memref_slice %arg2[%dma_start3A_54, %dma_start3A_55] : memref<10000x128xf32, #tpu.memory_space<hbm>> -> memref<10000x128xf32, #tpu.memory_space<hbm>>
        tpu.enqueue_indirect_dma source(%dma_start3A_56 : memref<10000x128xf32, #tpu.memory_space<hbm>>) target(%dma_start3A_50 : memref<64x128xf32, #tpu.memory_space<vmem>>) offsets(%dma_start3A_53 : memref<64xi32, #tpu.memory_space<vmem>>) semaphore(%arg13 : memref<!tpu.dma_semaphore, #tpu.memory_space<semaphore_mem>>)
        %scan3A_57 = arith.constant 0 : i32
        %scan3A_58 = arith.constant 20 : i32
        %scan3A_59 = arith.addi %scan3A_57, %scan3A_58 : i32
        %scan3A_60 = arith.constant 1 : i32
        scf.for %scan3A_62 = %scan3A_57 to %scan3A_59 step %scan3A_60  : i32 {
          %mul3A_63 = arith.constant 2 : i32
          %mul3A_64 = arith.muli %scan3A_62, %mul3A_63 : i32
          %add3A_65 = arith.constant 0 : i32
          %add3A_66 = arith.addi %add3A_65, %mul3A_64 : i32
          %dma_wait3A = arith.constant 0 : i32
          %dma_wait3A_67 = arith.constant 0 : i32
          %dma_wait3A_68 = tpu.memref_slice %arg10[%dma_wait3A, %dma_wait3A_67] : memref<128x128xf32, #tpu.memory_space<vmem>> -> memref<64x128xf32, #tpu.memory_space<vmem>>
          %dma_wait3A_69 = arith.constant 0 : i32
          %dma_wait3A_70 = tpu.memref_slice %arg8[%add3A_66, %dma_wait3A_69] : memref<40x128xi32, #tpu.memory_space<vmem>> -> memref<1x64xi32, #tpu.memory_space<vmem>>
          %dma_wait3A_71 = tpu.memref_squeeze %dma_wait3A_70 : memref<1x64xi32, #tpu.memory_space<vmem>> -> memref<64xi32, #tpu.memory_space<vmem>>
          %dma_wait3A_72 = arith.constant 0 : i32
          %dma_wait3A_73 = arith.constant 0 : i32
          %dma_wait3A_74 = tpu.memref_slice %arg2[%dma_wait3A_72, %dma_wait3A_73] : memref<10000x128xf32, #tpu.memory_space<hbm>> -> memref<10000x128xf32, #tpu.memory_space<hbm>>
          tpu.wait_indirect_dma semaphore(%arg13 : memref<!tpu.dma_semaphore, #tpu.memory_space<semaphore_mem>>) src(%dma_wait3A_74 : memref<10000x128xf32, #tpu.memory_space<hbm>>) dst(%dma_wait3A_68 : memref<64x128xf32, #tpu.memory_space<vmem>>)
          %dma_wait3A_75 = arith.constant 64 : i32
          %dma_wait3A_76 = arith.constant 0 : i32
          %dma_wait3A_77 = tpu.memref_slice %arg10[%dma_wait3A_75, %dma_wait3A_76] : memref<128x128xf32, #tpu.memory_space<vmem>> -> memref<64x128xf32, #tpu.memory_space<vmem>>
          %dma_wait3A_78 = arith.constant 64 : i32
          %dma_wait3A_79 = tpu.memref_slice %arg8[%add3A_66, %dma_wait3A_78] : memref<40x128xi32, #tpu.memory_space<vmem>> -> memref<1x64xi32, #tpu.memory_space<vmem>>
          %dma_wait3A_80 = tpu.memref_squeeze %dma_wait3A_79 : memref<1x64xi32, #tpu.memory_space<vmem>> -> memref<64xi32, #tpu.memory_space<vmem>>
          %dma_wait3A_81 = arith.constant 0 : i32
          %dma_wait3A_82 = arith.constant 0 : i32
          %dma_wait3A_83 = tpu.memref_slice %arg2[%dma_wait3A_81, %dma_wait3A_82] : memref<10000x128xf32, #tpu.memory_space<hbm>> -> memref<10000x128xf32, #tpu.memory_space<hbm>>
          tpu.wait_indirect_dma semaphore(%arg13 : memref<!tpu.dma_semaphore, #tpu.memory_space<semaphore_mem>>) src(%dma_wait3A_83 : memref<10000x128xf32, #tpu.memory_space<hbm>>) dst(%dma_wait3A_77 : memref<64x128xf32, #tpu.memory_space<vmem>>)
          %add3A_84 = arith.constant 1 : i32
          %add3A_85 = arith.addi %add3A_66, %add3A_84 : i32
          %dma_start3A_86 = arith.constant 0 : i32
          %dma_start3A_87 = arith.constant 0 : i32
          %dma_start3A_88 = tpu.memref_slice %arg11[%dma_start3A_86, %dma_start3A_87] : memref<128x128xf32, #tpu.memory_space<vmem>> -> memref<64x128xf32, #tpu.memory_space<vmem>>
          %dma_start3A_89 = arith.constant 0 : i32
          %dma_start3A_90 = tpu.memref_slice %arg8[%add3A_85, %dma_start3A_89] : memref<40x128xi32, #tpu.memory_space<vmem>> -> memref<1x64xi32, #tpu.memory_space<vmem>>
          %dma_start3A_91 = tpu.memref_squeeze %dma_start3A_90 : memref<1x64xi32, #tpu.memory_space<vmem>> -> memref<64xi32, #tpu.memory_space<vmem>>
          %dma_start3A_92 = arith.constant 0 : i32
          %dma_start3A_93 = arith.constant 0 : i32
          %dma_start3A_94 = tpu.memref_slice %arg2[%dma_start3A_92, %dma_start3A_93] : memref<10000x128xf32, #tpu.memory_space<hbm>> -> memref<10000x128xf32, #tpu.memory_space<hbm>>
          tpu.enqueue_indirect_dma source(%dma_start3A_94 : memref<10000x128xf32, #tpu.memory_space<hbm>>) target(%dma_start3A_88 : memref<64x128xf32, #tpu.memory_space<vmem>>) offsets(%dma_start3A_91 : memref<64xi32, #tpu.memory_space<vmem>>) semaphore(%arg14 : memref<!tpu.dma_semaphore, #tpu.memory_space<semaphore_mem>>)
          %dma_start3A_95 = arith.constant 64 : i32
          %dma_start3A_96 = arith.constant 0 : i32
          %dma_start3A_97 = tpu.memref_slice %arg11[%dma_start3A_95, %dma_start3A_96] : memref<128x128xf32, #tpu.memory_space<vmem>> -> memref<64x128xf32, #tpu.memory_space<vmem>>
          %dma_start3A_98 = arith.constant 64 : i32
          %dma_start3A_99 = tpu.memref_slice %arg8[%add3A_85, %dma_start3A_98] : memref<40x128xi32, #tpu.memory_space<vmem>> -> memref<1x64xi32, #tpu.memory_space<vmem>>
          %dma_start3A_100 = tpu.memref_squeeze %dma_start3A_99 : memref<1x64xi32, #tpu.memory_space<vmem>> -> memref<64xi32, #tpu.memory_space<vmem>>
          %dma_start3A_101 = arith.constant 0 : i32
          %dma_start3A_102 = arith.constant 0 : i32
          %dma_start3A_103 = tpu.memref_slice %arg2[%dma_start3A_101, %dma_start3A_102] : memref<10000x128xf32, #tpu.memory_space<hbm>> -> memref<10000x128xf32, #tpu.memory_space<hbm>>
          tpu.enqueue_indirect_dma source(%dma_start3A_103 : memref<10000x128xf32, #tpu.memory_space<hbm>>) target(%dma_start3A_97 : memref<64x128xf32, #tpu.memory_space<vmem>>) offsets(%dma_start3A_100 : memref<64xi32, #tpu.memory_space<vmem>>) semaphore(%arg14 : memref<!tpu.dma_semaphore, #tpu.memory_space<semaphore_mem>>)
          "tpu.region"() ({
            %run_scoped3A = tpu.sem_alloc : memref<!tpu.dma_semaphore, #tpu.memory_space<semaphore_mem>>
            %dma_start3A_133 = arith.constant 0 : i32
            %dma_start3A_134 = tpu.memref_slice %arg9[%add3A_66, %dma_start3A_133] : memref<40x128xi32, #tpu.memory_space<vmem>> -> memref<1x128xi32, #tpu.memory_space<vmem>>
            %dma_start3A_135 = tpu.memref_squeeze %dma_start3A_134 : memref<1x128xi32, #tpu.memory_space<vmem>> -> memref<128xi32, #tpu.memory_space<vmem>>
            %dma_start3A_136 = arith.constant 0 : i32
            %dma_start3A_137 = arith.constant 0 : i32
            %dma_start3A_138 = tpu.memref_slice %arg12[%dma_start3A_136, %dma_start3A_137] : memref<10240x128xf32, #tpu.memory_space<vmem_shared>> -> memref<10240x128xf32, #tpu.memory_space<vmem_shared>>
            tpu.enqueue_indirect_dma source(%arg10 : memref<128x128xf32, #tpu.memory_space<vmem>>) target(%dma_start3A_138 : memref<10240x128xf32, #tpu.memory_space<vmem_shared>>) offsets(%dma_start3A_135 : memref<128xi32, #tpu.memory_space<vmem>>) semaphore(%run_scoped3A : memref<!tpu.dma_semaphore, #tpu.memory_space<semaphore_mem>>) {add = true}
            %dma_wait3A_139 = arith.constant 0 : i32
            %dma_wait3A_140 = tpu.memref_slice %arg9[%add3A_66, %dma_wait3A_139] : memref<40x128xi32, #tpu.memory_space<vmem>> -> memref<1x128xi32, #tpu.memory_space<vmem>>
            %dma_wait3A_141 = tpu.memref_squeeze %dma_wait3A_140 : memref<1x128xi32, #tpu.memory_space<vmem>> -> memref<128xi32, #tpu.memory_space<vmem>>
            %dma_wait3A_142 = arith.constant 0 : i32
            %dma_wait3A_143 = arith.constant 0 : i32
            %dma_wait3A_144 = tpu.memref_slice %arg12[%dma_wait3A_142, %dma_wait3A_143] : memref<10240x128xf32, #tpu.memory_space<vmem_shared>> -> memref<10240x128xf32, #tpu.memory_space<vmem_shared>>
            tpu.wait_indirect_dma semaphore(%run_scoped3A : memref<!tpu.dma_semaphore, #tpu.memory_space<semaphore_mem>>) src(%arg10 : memref<128x128xf32, #tpu.memory_space<vmem>>) dst(%dma_wait3A_144 : memref<10240x128xf32, #tpu.memory_space<vmem_shared>>)
            tpu.yield
          }) : () -> ()
          %add3A_104 = arith.constant 1 : i32
          %add3A_105 = arith.addi %add3A_66, %add3A_104 : i32
          %dma_wait3A_106 = arith.constant 0 : i32
          %dma_wait3A_107 = arith.constant 0 : i32
          %dma_wait3A_108 = tpu.memref_slice %arg11[%dma_wait3A_106, %dma_wait3A_107] : memref<128x128xf32, #tpu.memory_space<vmem>> -> memref<64x128xf32, #tpu.memory_space<vmem>>
          %dma_wait3A_109 = arith.constant 0 : i32
          %dma_wait3A_110 = tpu.memref_slice %arg8[%add3A_105, %dma_wait3A_109] : memref<40x128xi32, #tpu.memory_space<vmem>> -> memref<1x64xi32, #tpu.memory_space<vmem>>
          %dma_wait3A_111 = tpu.memref_squeeze %dma_wait3A_110 : memref<1x64xi32, #tpu.memory_space<vmem>> -> memref<64xi32, #tpu.memory_space<vmem>>
          %dma_wait3A_112 = arith.constant 0 : i32
          %dma_wait3A_113 = arith.constant 0 : i32
          %dma_wait3A_114 = tpu.memref_slice %arg2[%dma_wait3A_112, %dma_wait3A_113] : memref<10000x128xf32, #tpu.memory_space<hbm>> -> memref<10000x128xf32, #tpu.memory_space<hbm>>
          tpu.wait_indirect_dma semaphore(%arg14 : memref<!tpu.dma_semaphore, #tpu.memory_space<semaphore_mem>>) src(%dma_wait3A_114 : memref<10000x128xf32, #tpu.memory_space<hbm>>) dst(%dma_wait3A_108 : memref<64x128xf32, #tpu.memory_space<vmem>>)
          %dma_wait3A_115 = arith.constant 64 : i32
          %dma_wait3A_116 = arith.constant 0 : i32
          %dma_wait3A_117 = tpu.memref_slice %arg11[%dma_wait3A_115, %dma_wait3A_116] : memref<128x128xf32, #tpu.memory_space<vmem>> -> memref<64x128xf32, #tpu.memory_space<vmem>>
          %dma_wait3A_118 = arith.constant 64 : i32
          %dma_wait3A_119 = tpu.memref_slice %arg8[%add3A_105, %dma_wait3A_118] : memref<40x128xi32, #tpu.memory_space<vmem>> -> memref<1x64xi32, #tpu.memory_space<vmem>>
          %dma_wait3A_120 = tpu.memref_squeeze %dma_wait3A_119 : memref<1x64xi32, #tpu.memory_space<vmem>> -> memref<64xi32, #tpu.memory_space<vmem>>
          %dma_wait3A_121 = arith.constant 0 : i32
          %dma_wait3A_122 = arith.constant 0 : i32
          %dma_wait3A_123 = tpu.memref_slice %arg2[%dma_wait3A_121, %dma_wait3A_122] : memref<10000x128xf32, #tpu.memory_space<hbm>> -> memref<10000x128xf32, #tpu.memory_space<hbm>>
          tpu.wait_indirect_dma semaphore(%arg14 : memref<!tpu.dma_semaphore, #tpu.memory_space<semaphore_mem>>) src(%dma_wait3A_123 : memref<10000x128xf32, #tpu.memory_space<hbm>>) dst(%dma_wait3A_117 : memref<64x128xf32, #tpu.memory_space<vmem>>)
          %add3A_124 = arith.constant 2 : i32
          %add3A_125 = arith.addi %add3A_66, %add3A_124 : i32
          %lt3A_126 = arith.constant 40 : i32
          %lt3A_127 = arith.cmpi slt, %add3A_125, %lt3A_126 : i32
          %convert_element_type3A_128 = arith.extui %lt3A_127 : i1 to i32
          %cond3A_129 = arith.constant 0 : i32
          %cond3A_130 = arith.cmpi ne, %convert_element_type3A_128, %cond3A_129 : i32
          scf.if %cond3A_130 {
            %add3A_133 = arith.constant 2 : i32
            %add3A_134 = arith.addi %add3A_66, %add3A_133 : i32
            %dma_start3A_135 = arith.constant 0 : i32
            %dma_start3A_136 = arith.constant 0 : i32
            %dma_start3A_137 = tpu.memref_slice %arg10[%dma_start3A_135, %dma_start3A_136] : memref<128x128xf32, #tpu.memory_space<vmem>> -> memref<64x128xf32, #tpu.memory_space<vmem>>
            %dma_start3A_138 = arith.constant 0 : i32
            %dma_start3A_139 = tpu.memref_slice %arg8[%add3A_134, %dma_start3A_138] : memref<40x128xi32, #tpu.memory_space<vmem>> -> memref<1x64xi32, #tpu.memory_space<vmem>>
            %dma_start3A_140 = tpu.memref_squeeze %dma_start3A_139 : memref<1x64xi32, #tpu.memory_space<vmem>> -> memref<64xi32, #tpu.memory_space<vmem>>
            %dma_start3A_141 = arith.constant 0 : i32
            %dma_start3A_142 = arith.constant 0 : i32
            %dma_start3A_143 = tpu.memref_slice %arg2[%dma_start3A_141, %dma_start3A_142] : memref<10000x128xf32, #tpu.memory_space<hbm>> -> memref<10000x128xf32, #tpu.memory_space<hbm>>
            tpu.enqueue_indirect_dma source(%dma_start3A_143 : memref<10000x128xf32, #tpu.memory_space<hbm>>) target(%dma_start3A_137 : memref<64x128xf32, #tpu.memory_space<vmem>>) offsets(%dma_start3A_140 : memref<64xi32, #tpu.memory_space<vmem>>) semaphore(%arg13 : memref<!tpu.dma_semaphore, #tpu.memory_space<semaphore_mem>>)
            %dma_start3A_144 = arith.constant 64 : i32
            %dma_start3A_145 = arith.constant 0 : i32
            %dma_start3A_146 = tpu.memref_slice %arg10[%dma_start3A_144, %dma_start3A_145] : memref<128x128xf32, #tpu.memory_space<vmem>> -> memref<64x128xf32, #tpu.memory_space<vmem>>
            %dma_start3A_147 = arith.constant 64 : i32
            %dma_start3A_148 = tpu.memref_slice %arg8[%add3A_134, %dma_start3A_147] : memref<40x128xi32, #tpu.memory_space<vmem>> -> memref<1x64xi32, #tpu.memory_space<vmem>>
            %dma_start3A_149 = tpu.memref_squeeze %dma_start3A_148 : memref<1x64xi32, #tpu.memory_space<vmem>> -> memref<64xi32, #tpu.memory_space<vmem>>
            %dma_start3A_150 = arith.constant 0 : i32
            %dma_start3A_151 = arith.constant 0 : i32
            %dma_start3A_152 = tpu.memref_slice %arg2[%dma_start3A_150, %dma_start3A_151] : memref<10000x128xf32, #tpu.memory_space<hbm>> -> memref<10000x128xf32, #tpu.memory_space<hbm>>
            tpu.enqueue_indirect_dma source(%dma_start3A_152 : memref<10000x128xf32, #tpu.memory_space<hbm>>) target(%dma_start3A_146 : memref<64x128xf32, #tpu.memory_space<vmem>>) offsets(%dma_start3A_149 : memref<64xi32, #tpu.memory_space<vmem>>) semaphore(%arg13 : memref<!tpu.dma_semaphore, #tpu.memory_space<semaphore_mem>>)
          } else {
          }
          %add3A_131 = arith.constant 1 : i32
          %add3A_132 = arith.addi %add3A_66, %add3A_131 : i32
          "tpu.region"() ({
            %run_scoped3A = tpu.sem_alloc : memref<!tpu.dma_semaphore, #tpu.memory_space<semaphore_mem>>
            %dma_start3A_133 = arith.constant 0 : i32
            %dma_start3A_134 = tpu.memref_slice %arg9[%add3A_132, %dma_start3A_133] : memref<40x128xi32, #tpu.memory_space<vmem>> -> memref<1x128xi32, #tpu.memory_space<vmem>>
            %dma_start3A_135 = tpu.memref_squeeze %dma_start3A_134 : memref<1x128xi32, #tpu.memory_space<vmem>> -> memref<128xi32, #tpu.memory_space<vmem>>
            %dma_start3A_136 = arith.constant 0 : i32
            %dma_start3A_137 = arith.constant 0 : i32
            %dma_start3A_138 = tpu.memref_slice %arg12[%dma_start3A_136, %dma_start3A_137] : memref<10240x128xf32, #tpu.memory_space<vmem_shared>> -> memref<10240x128xf32, #tpu.memory_space<vmem_shared>>
            tpu.enqueue_indirect_dma source(%arg11 : memref<128x128xf32, #tpu.memory_space<vmem>>) target(%dma_start3A_138 : memref<10240x128xf32, #tpu.memory_space<vmem_shared>>) offsets(%dma_start3A_135 : memref<128xi32, #tpu.memory_space<vmem>>) semaphore(%run_scoped3A : memref<!tpu.dma_semaphore, #tpu.memory_space<semaphore_mem>>) {add = true}
            %dma_wait3A_139 = arith.constant 0 : i32
            %dma_wait3A_140 = tpu.memref_slice %arg9[%add3A_132, %dma_wait3A_139] : memref<40x128xi32, #tpu.memory_space<vmem>> -> memref<1x128xi32, #tpu.memory_space<vmem>>
            %dma_wait3A_141 = tpu.memref_squeeze %dma_wait3A_140 : memref<1x128xi32, #tpu.memory_space<vmem>> -> memref<128xi32, #tpu.memory_space<vmem>>
            %dma_wait3A_142 = arith.constant 0 : i32
            %dma_wait3A_143 = arith.constant 0 : i32
            %dma_wait3A_144 = tpu.memref_slice %arg12[%dma_wait3A_142, %dma_wait3A_143] : memref<10240x128xf32, #tpu.memory_space<vmem_shared>> -> memref<10240x128xf32, #tpu.memory_space<vmem_shared>>
            tpu.wait_indirect_dma semaphore(%run_scoped3A : memref<!tpu.dma_semaphore, #tpu.memory_space<semaphore_mem>>) src(%arg11 : memref<128x128xf32, #tpu.memory_space<vmem>>) dst(%dma_wait3A_144 : memref<10240x128xf32, #tpu.memory_space<vmem_shared>>)
            tpu.yield
          }) : () -> ()
        }
        %scan3A_61 = arith.constant 20 : i32
      }
      %scan3A_30 = arith.constant 3 : i32
    } else {
    }
    %barrier3A_16 = arith.constant 0 : index
    tpu.barrier barrier_id(%barrier3A_16)
    %lt3A = arith.constant 15 : i32
    %lt3A_17 = arith.cmpi slt, %arg1, %lt3A : i32
    %convert_element_type3A_18 = arith.extui %lt3A_17 : i1 to i32
    %cond3A_19 = arith.constant 0 : i32
    %cond3A_20 = arith.cmpi ne, %convert_element_type3A_18, %cond3A_19 : i32
    scf.if %cond3A_20 {
      %mul3A = arith.constant 640 : i32
      %mul3A_26 = arith.muli %arg1, %mul3A : i32
      %mul3A_27 = arith.constant 640 : i32
      %mul3A_28 = arith.muli %arg1, %mul3A_27 : i32
      "tpu.region"() ({
        %run_scoped3A = tpu.sem_alloc : memref<!tpu.dma_semaphore, #tpu.memory_space<semaphore_mem>>
        %dma_start3A = arith.constant 0 : i32
        %dma_start3A_29 = tpu.memref_slice %arg7[%arg0, %mul3A_28, %dma_start3A] : memref<2x10000x128xf32, #tpu.memory_space<hbm>> -> memref<1x640x128xf32, #tpu.memory_space<hbm>>
        %dma_start3A_30 = tpu.memref_squeeze %dma_start3A_29 : memref<1x640x128xf32, #tpu.memory_space<hbm>> -> memref<640x128xf32, #tpu.memory_space<hbm>>
        %dma_start3A_31 = arith.constant 0 : i32
        %dma_start3A_32 = tpu.memref_slice %arg12[%mul3A_26, %dma_start3A_31] : memref<10240x128xf32, #tpu.memory_space<vmem_shared>> -> memref<640x128xf32, #tpu.memory_space<vmem_shared>>
        tpu.enqueue_dma source(%dma_start3A_32 : memref<640x128xf32, #tpu.memory_space<vmem_shared>>) target(%dma_start3A_30 : memref<640x128xf32, #tpu.memory_space<hbm>>) target_semaphore(%run_scoped3A : memref<!tpu.dma_semaphore, #tpu.memory_space<semaphore_mem>>)
        %dma_wait3A = arith.constant 0 : i32
        %dma_wait3A_33 = tpu.memref_slice %arg7[%arg0, %mul3A_28, %dma_wait3A] : memref<2x10000x128xf32, #tpu.memory_space<hbm>> -> memref<1x640x128xf32, #tpu.memory_space<hbm>>
        %dma_wait3A_34 = tpu.memref_squeeze %dma_wait3A_33 : memref<1x640x128xf32, #tpu.memory_space<hbm>> -> memref<640x128xf32, #tpu.memory_space<hbm>>
        %dma_wait3A_35 = arith.constant 0 : i32
        %dma_wait3A_36 = tpu.memref_slice %arg12[%mul3A_26, %dma_wait3A_35] : memref<10240x128xf32, #tpu.memory_space<vmem_shared>> -> memref<640x128xf32, #tpu.memory_space<vmem_shared>>
        tpu.wait_dma2 semaphore(%run_scoped3A : memref<!tpu.dma_semaphore, #tpu.memory_space<semaphore_mem>>) src(%dma_wait3A_36 : memref<640x128xf32, #tpu.memory_space<vmem_shared>>) dst(%dma_wait3A_34 : memref<640x128xf32, #tpu.memory_space<hbm>>)
        tpu.yield
      }) : () -> ()
    } else {
    }
    %eq3A_21 = arith.constant 15 : i32
    %eq3A_22 = arith.cmpi eq, %arg1, %eq3A_21 : i32
    %convert_element_type3A_23 = arith.extui %eq3A_22 : i1 to i32
    %cond3A_24 = arith.constant 0 : i32
    %cond3A_25 = arith.cmpi ne, %convert_element_type3A_23, %cond3A_24 : i32
    scf.if %cond3A_25 {
      "tpu.region"() ({
        %run_scoped3A = tpu.sem_alloc : memref<!tpu.dma_semaphore, #tpu.memory_space<semaphore_mem>>
        %dma_start3A = arith.constant 9600 : i32
        %dma_start3A_26 = arith.constant 0 : i32
        %dma_start3A_27 = tpu.memref_slice %arg7[%arg0, %dma_start3A, %dma_start3A_26] : memref<2x10000x128xf32, #tpu.memory_space<hbm>> -> memref<1x400x128xf32, #tpu.memory_space<hbm>>
        %dma_start3A_28 = tpu.memref_squeeze %dma_start3A_27 : memref<1x400x128xf32, #tpu.memory_space<hbm>> -> memref<400x128xf32, #tpu.memory_space<hbm>>
        %dma_start3A_29 = arith.constant 9600 : i32
        %dma_start3A_30 = arith.constant 0 : i32
        %dma_start3A_31 = tpu.memref_slice %arg12[%dma_start3A_29, %dma_start3A_30] : memref<10240x128xf32, #tpu.memory_space<vmem_shared>> -> memref<400x128xf32, #tpu.memory_space<vmem_shared>>
        tpu.enqueue_dma source(%dma_start3A_31 : memref<400x128xf32, #tpu.memory_space<vmem_shared>>) target(%dma_start3A_28 : memref<400x128xf32, #tpu.memory_space<hbm>>) target_semaphore(%run_scoped3A : memref<!tpu.dma_semaphore, #tpu.memory_space<semaphore_mem>>)
        %dma_wait3A = arith.constant 9600 : i32
        %dma_wait3A_32 = arith.constant 0 : i32
        %dma_wait3A_33 = tpu.memref_slice %arg7[%arg0, %dma_wait3A, %dma_wait3A_32] : memref<2x10000x128xf32, #tpu.memory_space<hbm>> -> memref<1x400x128xf32, #tpu.memory_space<hbm>>
        %dma_wait3A_34 = tpu.memref_squeeze %dma_wait3A_33 : memref<1x400x128xf32, #tpu.memory_space<hbm>> -> memref<400x128xf32, #tpu.memory_space<hbm>>
        %dma_wait3A_35 = arith.constant 9600 : i32
        %dma_wait3A_36 = arith.constant 0 : i32
        %dma_wait3A_37 = tpu.memref_slice %arg12[%dma_wait3A_35, %dma_wait3A_36] : memref<10240x128xf32, #tpu.memory_space<vmem_shared>> -> memref<400x128xf32, #tpu.memory_space<vmem_shared>>
        tpu.wait_dma2 semaphore(%run_scoped3A : memref<!tpu.dma_semaphore, #tpu.memory_space<semaphore_mem>>) src(%dma_wait3A_37 : memref<400x128xf32, #tpu.memory_space<vmem_shared>>) dst(%dma_wait3A_34 : memref<400x128xf32, #tpu.memory_space<hbm>>)
        tpu.yield
      }) : () -> ()
    } else {
    }
    return
  }
}

module attributes {stable_mosaic.version = 14 : i64} {
  func.func @_tc_matmul_kernel(%arg0: i32, %arg1: memref<1000x128xf32, #tpu.memory_space<vmem>>, %arg2: memref<128x128xf32, #tpu.memory_space<vmem>>, %arg3: memref<1x128xf32, #tpu.memory_space<vmem>>, %arg4: memref<1000x128xf32, #tpu.memory_space<vmem>>) attributes {dimension_semantics = [#tpu.dimension_semantics<arbitrary>], iteration_bounds = array<i64: 10>, scalar_prefetch = 0 : i64, scratch_operands = 0 : i64, tpu.core_type = #tpu.core_type<tc>, window_params = [{transform_indices = @transform_0, window_bounds = array<i64: 1000, 128>}, {pipeline_mode = #tpu.pipeline_mode<synchronous>, transform_indices = @transform_1, window_bounds = array<i64: 128, 128>}, {pipeline_mode = #tpu.pipeline_mode<synchronous>, transform_indices = @transform_2, window_bounds = array<i64: 1, 128>}, {transform_indices = @transform_3, window_bounds = array<i64: 1000, 128>}]} {
    %get3A = arith.constant 0 : index
    %get3A_0 = arith.constant 0 : index
    %get3A_1 = vector.load %arg1[%get3A, %get3A_0] : memref<1000x128xf32, #tpu.memory_space<vmem>>, vector<1000x128xf32>
    %get3A_2 = arith.constant 0 : index
    %get3A_3 = arith.constant 0 : index
    %get3A_4 = vector.load %arg2[%get3A_2, %get3A_3] : memref<128x128xf32, #tpu.memory_space<vmem>>, vector<128x128xf32>
    %dot_general3A = arith.constant dense<0.000000e+00> : vector<1000x128xf32>
    %dot_general3A_5 = tpu.matmul %get3A_1, %get3A_4, %dot_general3A {dimension_numbers = #tpu.dot_dimension_numbers<[1], [0], [0], [1], [0, 0, 1, 1], [], []>, transpose_lhs_hint = false} : vector<1000x128xf32>, vector<128x128xf32>, vector<1000x128xf32> -> vector<1000x128xf32>
    %get3A_6 = arith.constant 0 : index
    %get3A_7 = arith.constant 0 : index
    %get3A_8 = vector.load %arg3[%get3A_6, %get3A_7] : memref<1x128xf32, #tpu.memory_space<vmem>>, vector<1x128xf32>
    %add3A = vector.broadcast %get3A_8 : vector<1x128xf32> to vector<1000x128xf32>
    %add3A_9 = arith.addf %dot_general3A_5, %add3A : vector<1000x128xf32>
    %swap3A = arith.constant 0 : index
    %swap3A_10 = arith.constant 0 : index
    %swap3A_11 = vector.load %arg4[%swap3A, %swap3A_10] : memref<1000x128xf32, #tpu.memory_space<vmem>>, vector<1000x128xf32>
    tpu.vector_store %arg4[%swap3A, %swap3A_10], %add3A_9 {strides = array<i32>} : memref<1000x128xf32, #tpu.memory_space<vmem>>, vector<1000x128xf32>,
    return
  }
  func.func @transform_0(%arg0: i32) -> (i32, i32) {
    %c0_i32 = arith.constant 0 : i32
    %c0_i32_0 = arith.constant 0 : i32
    return %arg0, %c0_i32 : i32, i32
  }
  func.func @transform_1(%arg0: i32) -> (i32, i32) {
    %c0_i32 = arith.constant 0 : i32
    %c0_i32_0 = arith.constant 0 : i32
    %c0_i32_1 = arith.constant 0 : i32
    return %c0_i32, %c0_i32_0 : i32, i32
  }
  func.func @transform_2(%arg0: i32) -> (i32, i32) {
    %c0_i32 = arith.constant 0 : i32
    %c0_i32_0 = arith.constant 0 : i32
    %c0_i32_1 = arith.constant 0 : i32
    return %c0_i32, %c0_i32_0 : i32, i32
  }
  func.func @transform_3(%arg0: i32) -> (i32, i32) {
    %c0_i32 = arith.constant 0 : i32
    %c0_i32_0 = arith.constant 0 : i32
    return %arg0, %c0_i32 : i32, i32
  }
}

module attributes {stable_mosaic.version = 14 : i64} {
  func.func @_tc_scale_kernel(%arg0: i32, %arg1: memref<1000x128xf32, #tpu.memory_space<vmem>>, %arg2: memref<2x1000x128xf32, #tpu.memory_space<vmem>>, %arg3: memref<1000x128xf32, #tpu.memory_space<vmem>>) attributes {dimension_semantics = [#tpu.dimension_semantics<arbitrary>], iteration_bounds = array<i64: 10>, scalar_prefetch = 0 : i64, scratch_operands = 0 : i64, tpu.core_type = #tpu.core_type<tc>, window_params = [{transform_indices = @transform_0, window_bounds = array<i64: 1000, 128>}, {transform_indices = @transform_1, window_bounds = array<i64: 2, 1000, 128>}, {transform_indices = @transform_2, window_bounds = array<i64: 1000, 128>}]} {
    %get3A = arith.constant 0 : index
    %get3A_0 = arith.constant 0 : index
    %get3A_1 = vector.load %arg1[%get3A, %get3A_0] : memref<1000x128xf32, #tpu.memory_space<vmem>>, vector<1000x128xf32>
    %get3A_2 = arith.constant 0 : index
    %get3A_3 = arith.constant 0 : index
    %get3A_4 = arith.constant 0 : index
    %get3A_5 = vector.load %arg2[%get3A_2, %get3A_3, %get3A_4] : memref<2x1000x128xf32, #tpu.memory_space<vmem>>, vector<2x1000x128xf32>
    %slice3A = vector.extract_strided_slice %get3A_5 {offsets = [0, 0, 0], sizes = [1, 1000, 1], strides = [1, 1, 1]} : vector<2x1000x128xf32> to vector<1x1000x1xf32>
    %squeeze3A = vector.shape_cast %slice3A : vector<1x1000x1xf32> to vector<1000x1xf32>
    %slice3A_6 = vector.extract_strided_slice %get3A_5 {offsets = [1, 0, 0], sizes = [1, 1000, 1], strides = [1, 1, 1]} : vector<2x1000x128xf32> to vector<1x1000x1xf32>
    %squeeze3A_7 = vector.shape_cast %slice3A_6 : vector<1x1000x1xf32> to vector<1000x1xf32>
    %add3A = arith.addf %squeeze3A, %squeeze3A_7 : vector<1000x1xf32>
    %add3A_8 = arith.constant 1.000000e+00 : f32
    %add3A_9 = vector.broadcast %add3A_8 : f32 to vector<1000x1xf32>
    %add3A_10 = arith.addf %add3A, %add3A_9 : vector<1000x1xf32>
    %rsqrt3A = math.rsqrt %add3A_10 : vector<1000x1xf32>
    %mul3A = vector.broadcast %rsqrt3A : vector<1000x1xf32> to vector<1000x128xf32>
    %mul3A_11 = arith.mulf %get3A_1, %mul3A : vector<1000x128xf32>
    %swap3A = arith.constant 0 : index
    %swap3A_12 = arith.constant 0 : index
    %swap3A_13 = vector.load %arg3[%swap3A, %swap3A_12] : memref<1000x128xf32, #tpu.memory_space<vmem>>, vector<1000x128xf32>
    tpu.vector_store %arg3[%swap3A, %swap3A_12], %mul3A_11 {strides = array<i32>} : memref<1000x128xf32, #tpu.memory_space<vmem>>, vector<1000x128xf32>,
    return
  }
  func.func @transform_0(%arg0: i32) -> (i32, i32) {
    %c0_i32 = arith.constant 0 : i32
    %c0_i32_0 = arith.constant 0 : i32
    return %arg0, %c0_i32 : i32, i32
  }
  func.func @transform_1(%arg0: i32) -> (i32, i32, i32) {
    %c0_i32 = arith.constant 0 : i32
    %c0_i32_0 = arith.constant 0 : i32
    %c0_i32_1 = arith.constant 0 : i32
    return %c0_i32, %arg0, %c0_i32_0 : i32, i32, i32
  }
  func.func @transform_2(%arg0: i32) -> (i32, i32) {
    %c0_i32 = arith.constant 0 : i32
    %c0_i32_0 = arith.constant 0 : i32
    return %arg0, %c0_i32 : i32, i32
  }
}

module attributes {stable_mosaic.version = 14 : i64} {
  func.func @_tc_layer_kernel(%arg0: i32, %arg1: memref<2x1000x128xf32, #tpu.memory_space<vmem>>, %arg2: memref<1000x128xf32, #tpu.memory_space<vmem>>, %arg3: memref<2x1000x128xf32, #tpu.memory_space<vmem>>, %arg4: memref<128x128xf32, #tpu.memory_space<vmem>>, %arg5: memref<1x128xf32, #tpu.memory_space<vmem>>, %arg6: memref<1000x128xf32, #tpu.memory_space<vmem>>) attributes {dimension_semantics = [#tpu.dimension_semantics<arbitrary>], iteration_bounds = array<i64: 10>, scalar_prefetch = 0 : i64, scratch_operands = 0 : i64, tpu.core_type = #tpu.core_type<tc>, window_params = [{transform_indices = @transform_0, window_bounds = array<i64: 2, 1000, 128>}, {transform_indices = @transform_1, window_bounds = array<i64: 1000, 128>}, {transform_indices = @transform_2, window_bounds = array<i64: 2, 1000, 128>}, {pipeline_mode = #tpu.pipeline_mode<synchronous>, transform_indices = @transform_3, window_bounds = array<i64: 128, 128>}, {pipeline_mode = #tpu.pipeline_mode<synchronous>, transform_indices = @transform_4, window_bounds = array<i64: 1, 128>}, {transform_indices = @transform_5, window_bounds = array<i64: 1000, 128>}]} {
    %get3A = arith.constant 0 : index
    %get3A_0 = arith.constant 0 : index
    %get3A_1 = arith.constant 0 : index
    %get3A_2 = vector.load %arg3[%get3A, %get3A_0, %get3A_1] : memref<2x1000x128xf32, #tpu.memory_space<vmem>>, vector<2x1000x128xf32>
    %slice3A = vector.extract_strided_slice %get3A_2 {offsets = [0, 0, 0], sizes = [1, 1000, 1], strides = [1, 1, 1]} : vector<2x1000x128xf32> to vector<1x1000x1xf32>
    %squeeze3A = vector.shape_cast %slice3A : vector<1x1000x1xf32> to vector<1000x1xf32>
    %slice3A_3 = vector.extract_strided_slice %get3A_2 {offsets = [1, 0, 0], sizes = [1, 1000, 1], strides = [1, 1, 1]} : vector<2x1000x128xf32> to vector<1x1000x1xf32>
    %squeeze3A_4 = vector.shape_cast %slice3A_3 : vector<1x1000x1xf32> to vector<1000x1xf32>
    %add3A = arith.addf %squeeze3A, %squeeze3A_4 : vector<1000x1xf32>
    %add3A_5 = arith.constant 1.000000e+00 : f32
    %add3A_6 = vector.broadcast %add3A_5 : f32 to vector<1000x1xf32>
    %add3A_7 = arith.addf %add3A, %add3A_6 : vector<1000x1xf32>
    %rsqrt3A = math.rsqrt %add3A_7 : vector<1000x1xf32>
    %get3A_8 = arith.constant 0 : index
    %get3A_9 = arith.constant 0 : index
    %get3A_10 = arith.constant 0 : index
    %get3A_11 = vector.load %arg1[%get3A_8, %get3A_9, %get3A_10] : memref<2x1000x128xf32, #tpu.memory_space<vmem>>, vector<1x1000x128xf32>
    %get3A_12 = vector.shape_cast %get3A_11 : vector<1x1000x128xf32> to vector<1000x128xf32>
    %get3A_13 = arith.constant 1 : index
    %get3A_14 = arith.constant 0 : index
    %get3A_15 = arith.constant 0 : index
    %get3A_16 = vector.load %arg1[%get3A_13, %get3A_14, %get3A_15] : memref<2x1000x128xf32, #tpu.memory_space<vmem>>, vector<1x1000x128xf32>
    %get3A_17 = vector.shape_cast %get3A_16 : vector<1x1000x128xf32> to vector<1000x128xf32>
    %add3A_18 = arith.addf %get3A_12, %get3A_17 : vector<1000x128xf32>
    %get3A_19 = arith.constant 0 : index
    %get3A_20 = arith.constant 0 : index
    %get3A_21 = vector.load %arg2[%get3A_19, %get3A_20] : memref<1000x128xf32, #tpu.memory_space<vmem>>, vector<1000x128xf32>
    %add3A_22 = arith.addf %add3A_18, %get3A_21 : vector<1000x128xf32>
    %mul3A = vector.broadcast %rsqrt3A : vector<1000x1xf32> to vector<1000x128xf32>
    %mul3A_23 = arith.mulf %mul3A, %add3A_22 : vector<1000x128xf32>
    %ge3A = arith.constant 0.000000e+00 : f32
    %ge3A_24 = vector.broadcast %ge3A : f32 to vector<1000x128xf32>
    %ge3A_25 = arith.cmpf oge, %mul3A_23, %ge3A_24 : vector<1000x128xf32>
    %mul3A_26 = arith.constant 0.00999999977 : f32
    %mul3A_27 = vector.broadcast %mul3A_26 : f32 to vector<1000x128xf32>
    %mul3A_28 = arith.mulf %mul3A_27, %mul3A_23 : vector<1000x128xf32>
    %select_n3A = arith.select %ge3A_25, %mul3A_23, %mul3A_28 : vector<1000x128xi1>, vector<1000x128xf32>
    %get3A_29 = arith.constant 0 : index
    %get3A_30 = arith.constant 0 : index
    %get3A_31 = vector.load %arg4[%get3A_29, %get3A_30] : memref<128x128xf32, #tpu.memory_space<vmem>>, vector<128x128xf32>
    %dot_general3A = arith.constant dense<0.000000e+00> : vector<1000x128xf32>
    %dot_general3A_32 = tpu.matmul %select_n3A, %get3A_31, %dot_general3A {dimension_numbers = #tpu.dot_dimension_numbers<[1], [0], [0], [1], [0, 0, 1, 1], [], []>, transpose_lhs_hint = false} : vector<1000x128xf32>, vector<128x128xf32>, vector<1000x128xf32> -> vector<1000x128xf32>
    %get3A_33 = arith.constant 0 : index
    %get3A_34 = arith.constant 0 : index
    %get3A_35 = vector.load %arg5[%get3A_33, %get3A_34] : memref<1x128xf32, #tpu.memory_space<vmem>>, vector<1x128xf32>
    %add3A_36 = vector.broadcast %get3A_35 : vector<1x128xf32> to vector<1000x128xf32>
    %add3A_37 = arith.addf %dot_general3A_32, %add3A_36 : vector<1000x128xf32>
    %mul3A_38 = vector.broadcast %rsqrt3A : vector<1000x1xf32> to vector<1000x128xf32>
    %mul3A_39 = arith.mulf %add3A_37, %mul3A_38 : vector<1000x128xf32>
    %swap3A = arith.constant 0 : index
    %swap3A_40 = arith.constant 0 : index
    %swap3A_41 = vector.load %arg6[%swap3A, %swap3A_40] : memref<1000x128xf32, #tpu.memory_space<vmem>>, vector<1000x128xf32>
    tpu.vector_store %arg6[%swap3A, %swap3A_40], %mul3A_39 {strides = array<i32>} : memref<1000x128xf32, #tpu.memory_space<vmem>>, vector<1000x128xf32>,
    return
  }
  func.func @transform_0(%arg0: i32) -> (i32, i32, i32) {
    %c0_i32 = arith.constant 0 : i32
    %c0_i32_0 = arith.constant 0 : i32
    %c0_i32_1 = arith.constant 0 : i32
    return %c0_i32, %arg0, %c0_i32_0 : i32, i32, i32
  }
  func.func @transform_1(%arg0: i32) -> (i32, i32) {
    %c0_i32 = arith.constant 0 : i32
    %c0_i32_0 = arith.constant 0 : i32
    return %arg0, %c0_i32 : i32, i32
  }
  func.func @transform_2(%arg0: i32) -> (i32, i32, i32) {
    %c0_i32 = arith.constant 0 : i32
    %c0_i32_0 = arith.constant 0 : i32
    %c0_i32_1 = arith.constant 0 : i32
    return %c0_i32, %arg0, %c0_i32_0 : i32, i32, i32
  }
  func.func @transform_3(%arg0: i32) -> (i32, i32) {
    %c0_i32 = arith.constant 0 : i32
    %c0_i32_0 = arith.constant 0 : i32
    %c0_i32_1 = arith.constant 0 : i32
    return %c0_i32, %c0_i32_0 : i32, i32
  }
  func.func @transform_4(%arg0: i32) -> (i32, i32) {
    %c0_i32 = arith.constant 0 : i32
    %c0_i32_0 = arith.constant 0 : i32
    %c0_i32_1 = arith.constant 0 : i32
    return %c0_i32, %c0_i32_0 : i32, i32
  }
  func.func @transform_5(%arg0: i32) -> (i32, i32) {
    %c0_i32 = arith.constant 0 : i32
    %c0_i32_0 = arith.constant 0 : i32
    return %arg0, %c0_i32 : i32, i32
  }
}

module attributes {stable_mosaic.version = 14 : i64} {
  func.func @_tc_loss_kernel(%arg0: i32, %arg1: memref<2x1000x128xf32, #tpu.memory_space<vmem>>, %arg2: memref<1000x128xf32, #tpu.memory_space<vmem>>, %arg3: memref<2x1000x128xf32, #tpu.memory_space<vmem>>, %arg4: memref<128x128xf32, #tpu.memory_space<vmem>>, %arg5: memref<1x128xf32, #tpu.memory_space<vmem>>, %arg6: memref<1000x1xi32, #tpu.memory_space<vmem>>, %arg7: memref<1x1xf32, #tpu.memory_space<smem>>) attributes {dimension_semantics = [#tpu.dimension_semantics<arbitrary>], iteration_bounds = array<i64: 10>, scalar_prefetch = 0 : i64, scratch_operands = 0 : i64, tpu.core_type = #tpu.core_type<tc>, window_params = [{transform_indices = @transform_0, window_bounds = array<i64: 2, 1000, 128>}, {transform_indices = @transform_1, window_bounds = array<i64: 1000, 128>}, {transform_indices = @transform_2, window_bounds = array<i64: 2, 1000, 128>}, {pipeline_mode = #tpu.pipeline_mode<synchronous>, transform_indices = @transform_3, window_bounds = array<i64: 128, 128>}, {pipeline_mode = #tpu.pipeline_mode<synchronous>, transform_indices = @transform_4, window_bounds = array<i64: 1, 128>}, {transform_indices = @transform_5, window_bounds = array<i64: 1000, 1>}, {transform_indices = @transform_6, window_bounds = array<i64: 1, 1>}]} {
    %get3A = arith.constant 0 : index
    %get3A_0 = arith.constant 0 : index
    %get3A_1 = arith.constant 0 : index
    %get3A_2 = vector.load %arg3[%get3A, %get3A_0, %get3A_1] : memref<2x1000x128xf32, #tpu.memory_space<vmem>>, vector<2x1000x128xf32>
    %slice3A = vector.extract_strided_slice %get3A_2 {offsets = [0, 0, 0], sizes = [1, 1000, 1], strides = [1, 1, 1]} : vector<2x1000x128xf32> to vector<1x1000x1xf32>
    %squeeze3A = vector.shape_cast %slice3A : vector<1x1000x1xf32> to vector<1000x1xf32>
    %slice3A_3 = vector.extract_strided_slice %get3A_2 {offsets = [1, 0, 0], sizes = [1, 1000, 1], strides = [1, 1, 1]} : vector<2x1000x128xf32> to vector<1x1000x1xf32>
    %squeeze3A_4 = vector.shape_cast %slice3A_3 : vector<1x1000x1xf32> to vector<1000x1xf32>
    %add3A = arith.addf %squeeze3A, %squeeze3A_4 : vector<1000x1xf32>
    %add3A_5 = arith.constant 1.000000e+00 : f32
    %add3A_6 = vector.broadcast %add3A_5 : f32 to vector<1000x1xf32>
    %add3A_7 = arith.addf %add3A, %add3A_6 : vector<1000x1xf32>
    %rsqrt3A = math.rsqrt %add3A_7 : vector<1000x1xf32>
    %get3A_8 = arith.constant 0 : index
    %get3A_9 = arith.constant 0 : index
    %get3A_10 = arith.constant 0 : index
    %get3A_11 = vector.load %arg1[%get3A_8, %get3A_9, %get3A_10] : memref<2x1000x128xf32, #tpu.memory_space<vmem>>, vector<1x1000x128xf32>
    %get3A_12 = vector.shape_cast %get3A_11 : vector<1x1000x128xf32> to vector<1000x128xf32>
    %get3A_13 = arith.constant 1 : index
    %get3A_14 = arith.constant 0 : index
    %get3A_15 = arith.constant 0 : index
    %get3A_16 = vector.load %arg1[%get3A_13, %get3A_14, %get3A_15] : memref<2x1000x128xf32, #tpu.memory_space<vmem>>, vector<1x1000x128xf32>
    %get3A_17 = vector.shape_cast %get3A_16 : vector<1x1000x128xf32> to vector<1000x128xf32>
    %add3A_18 = arith.addf %get3A_12, %get3A_17 : vector<1000x128xf32>
    %get3A_19 = arith.constant 0 : index
    %get3A_20 = arith.constant 0 : index
    %get3A_21 = vector.load %arg2[%get3A_19, %get3A_20] : memref<1000x128xf32, #tpu.memory_space<vmem>>, vector<1000x128xf32>
    %add3A_22 = arith.addf %add3A_18, %get3A_21 : vector<1000x128xf32>
    %mul3A = vector.broadcast %rsqrt3A : vector<1000x1xf32> to vector<1000x128xf32>
    %mul3A_23 = arith.mulf %mul3A, %add3A_22 : vector<1000x128xf32>
    %ge3A = arith.constant 0.000000e+00 : f32
    %ge3A_24 = vector.broadcast %ge3A : f32 to vector<1000x128xf32>
    %ge3A_25 = arith.cmpf oge, %mul3A_23, %ge3A_24 : vector<1000x128xf32>
    %mul3A_26 = arith.constant 0.00999999977 : f32
    %mul3A_27 = vector.broadcast %mul3A_26 : f32 to vector<1000x128xf32>
    %mul3A_28 = arith.mulf %mul3A_27, %mul3A_23 : vector<1000x128xf32>
    %select_n3A = arith.select %ge3A_25, %mul3A_23, %mul3A_28 : vector<1000x128xi1>, vector<1000x128xf32>
    %get3A_29 = arith.constant 0 : index
    %get3A_30 = arith.constant 0 : index
    %get3A_31 = vector.load %arg4[%get3A_29, %get3A_30] : memref<128x128xf32, #tpu.memory_space<vmem>>, vector<128x128xf32>
    %dot_general3A = arith.constant dense<0.000000e+00> : vector<1000x128xf32>
    %dot_general3A_32 = tpu.matmul %select_n3A, %get3A_31, %dot_general3A {dimension_numbers = #tpu.dot_dimension_numbers<[1], [0], [0], [1], [0, 0, 1, 1], [], []>, transpose_lhs_hint = false} : vector<1000x128xf32>, vector<128x128xf32>, vector<1000x128xf32> -> vector<1000x128xf32>
    %get3A_33 = arith.constant 0 : index
    %get3A_34 = arith.constant 0 : index
    %get3A_35 = vector.load %arg5[%get3A_33, %get3A_34] : memref<1x128xf32, #tpu.memory_space<vmem>>, vector<1x128xf32>
    %add3A_36 = vector.broadcast %get3A_35 : vector<1x128xf32> to vector<1000x128xf32>
    %add3A_37 = arith.addf %dot_general3A_32, %add3A_36 : vector<1000x128xf32>
    %reduce_max3A = arith.constant dense<0xFF800000> : vector<1000xf32>
    %reduce_max3A_38 = vector.multi_reduction <maximumf>, %add3A_37, %reduce_max3A [1] : vector<1000x128xf32> to vector<1000xf32>
    %broadcast_in_dim3A = vector.shape_cast %reduce_max3A_38 : vector<1000xf32> to vector<1000x1xf32>
    %sub3A = vector.broadcast %broadcast_in_dim3A : vector<1000x1xf32> to vector<1000x128xf32>
    %sub3A_39 = arith.subf %add3A_37, %sub3A : vector<1000x128xf32>
    %exp3A = math.exp %sub3A_39 : vector<1000x128xf32>
    %reduce_sum3A = arith.constant dense<0.000000e+00> : vector<1000xf32>
    %reduce_sum3A_40 = vector.multi_reduction <add>, %exp3A, %reduce_sum3A [1] : vector<1000x128xf32> to vector<1000xf32>
    %broadcast_in_dim3A_41 = vector.shape_cast %reduce_sum3A_40 : vector<1000xf32> to vector<1000x1xf32>
    %log3A = math.log %broadcast_in_dim3A_41 : vector<1000x1xf32>
    %add3A_42 = arith.addf %broadcast_in_dim3A, %log3A : vector<1000x1xf32>
    %iota3A = tpu.iota {dimensions = array<i32: 1>} : vector<1000x128xi32>
    %get3A_43 = arith.constant 0 : index
    %get3A_44 = arith.constant 0 : index
    %get3A_45 = vector.load %arg6[%get3A_43, %get3A_44] : memref<1000x1xi32, #tpu.memory_space<vmem>>, vector<1000x1xi32>
    %eq3A = vector.broadcast %get3A_45 : vector<1000x1xi32> to vector<1000x128xi32>
    %eq3A_46 = arith.cmpi eq, %iota3A, %eq3A : vector<1000x128xi32>
    %jit3A = arith.constant 0.000000e+00 : f32
    %broadcast_in_dim3A_47 = vector.broadcast %jit3A : f32 to vector<1000x128xf32>
    %select_n3A_48 = arith.select %eq3A_46, %add3A_37, %broadcast_in_dim3A_47 : vector<1000x128xi1>, vector<1000x128xf32>
    %reduce_sum3A_49 = arith.constant dense<0.000000e+00> : vector<1000xf32>
    %reduce_sum3A_50 = vector.multi_reduction <add>, %select_n3A_48, %reduce_sum3A_49 [1] : vector<1000x128xf32> to vector<1000xf32>
    %broadcast_in_dim3A_51 = vector.shape_cast %reduce_sum3A_50 : vector<1000xf32> to vector<1000x1xf32>
    %sub3A_52 = arith.subf %add3A_42, %broadcast_in_dim3A_51 : vector<1000x1xf32>
    %reduce_sum3A_53 = vector.shape_cast %sub3A_52 : vector<1000x1xf32> to vector<1x1000x1xf32>
    %reduce_sum3A_54 = arith.constant dense<0.000000e+00> : vector<1xf32>
    %reduce_sum3A_55 = vector.multi_reduction <add>, %reduce_sum3A_53, %reduce_sum3A_54 [1, 2] : vector<1x1000x1xf32> to vector<1xf32>
    %reduce_sum3A_56 = vector.shape_cast %reduce_sum3A_55 : vector<1xf32> to vector<1x1x1xf32>
    %reduce_sum3A_57 = vector.extract %reduce_sum3A_56[0, 0, 0] : f32 from vector<1x1x1xf32>
    %eq3A_58 = arith.constant 0 : i32
    %eq3A_59 = arith.cmpi eq, %arg0, %eq3A_58 : i32
    %convert_element_type3A = arith.extui %eq3A_59 : i1 to i32
    %cond3A = arith.constant 0 : i32
    %cond3A_60 = arith.cmpi ne, %convert_element_type3A, %cond3A : i32
    scf.if %cond3A_60 {
      %swap3A_68 = arith.constant 0.000000e+00 : f32
      %swap3A_69 = arith.constant 0 : index
      %swap3A_70 = arith.constant 0 : index
      %swap3A_71 = memref.load %arg7[%swap3A_69, %swap3A_70] : memref<1x1xf32, #tpu.memory_space<smem>>
      memref.store %swap3A_68, %arg7[%swap3A_69, %swap3A_70] : memref<1x1xf32, #tpu.memory_space<smem>>
    } else {
    }
    %get3A_61 = arith.constant 0 : index
    %get3A_62 = arith.constant 0 : index
    %get3A_63 = memref.load %arg7[%get3A_61, %get3A_62] : memref<1x1xf32, #tpu.memory_space<smem>>
    %div3A = arith.constant 1.000000e+04 : f32
    %div3A_64 = arith.divf %reduce_sum3A_57, %div3A : f32
    %add3A_65 = arith.addf %get3A_63, %div3A_64 : f32
    %swap3A = arith.constant 0 : index
    %swap3A_66 = arith.constant 0 : index
    %swap3A_67 = memref.load %arg7[%swap3A, %swap3A_66] : memref<1x1xf32, #tpu.memory_space<smem>>
    memref.store %add3A_65, %arg7[%swap3A, %swap3A_66] : memref<1x1xf32, #tpu.memory_space<smem>>
    return
  }
  func.func @transform_0(%arg0: i32) -> (i32, i32, i32) {
    %c0_i32 = arith.constant 0 : i32
    %c0_i32_0 = arith.constant 0 : i32
    %c0_i32_1 = arith.constant 0 : i32
    return %c0_i32, %arg0, %c0_i32_0 : i32, i32, i32
  }
  func.func @transform_1(%arg0: i32) -> (i32, i32) {
    %c0_i32 = arith.constant 0 : i32
    %c0_i32_0 = arith.constant 0 : i32
    return %arg0, %c0_i32 : i32, i32
  }
  func.func @transform_2(%arg0: i32) -> (i32, i32, i32) {
    %c0_i32 = arith.constant 0 : i32
    %c0_i32_0 = arith.constant 0 : i32
    %c0_i32_1 = arith.constant 0 : i32
    return %c0_i32, %arg0, %c0_i32_0 : i32, i32, i32
  }
  func.func @transform_3(%arg0: i32) -> (i32, i32) {
    %c0_i32 = arith.constant 0 : i32
    %c0_i32_0 = arith.constant 0 : i32
    %c0_i32_1 = arith.constant 0 : i32
    return %c0_i32, %c0_i32_0 : i32, i32
  }
  func.func @transform_4(%arg0: i32) -> (i32, i32) {
    %c0_i32 = arith.constant 0 : i32
    %c0_i32_0 = arith.constant 0 : i32
    %c0_i32_1 = arith.constant 0 : i32
    return %c0_i32, %c0_i32_0 : i32, i32
  }
  func.func @transform_5(%arg0: i32) -> (i32, i32) {
    %c0_i32 = arith.constant 0 : i32
    %c0_i32_0 = arith.constant 0 : i32
    return %arg0, %c0_i32 : i32, i32
  }
  func.func @transform_6(%arg0: i32) -> (i32, i32) {
    %c0_i32 = arith.constant 0 : i32
    %c0_i32_0 = arith.constant 0 : i32
    %c0_i32_1 = arith.constant 0 : i32
    return %c0_i32, %c0_i32_0 : i32, i32
  }
}

</mosaic_0001>

<sc_bundles>
// kernel: kernel.12.cloned.1.call-start
scs
__scs_entry_jumppad:
0x0: {  	(pc) =	sbr.rel $0x88, $3  }
0x1: {  	(tag) =	ssettag $0x0;
	lr =	simm.s32 $0x1  }
0x2: {  	[smem:$0x3F98] =	sst lr;
	_ =	strace $0xD0000000  }
0x3: {  	_ = 	snop  }
0x4: {  	_ = 	snop  }
0x5: {  	_ = 	snop  }
0x6: {  	_ = 	snop  }
0x7: {  	_ = 	snop  }
__scs_overlays_trampoline_lowered:
0x8: {  	[smem:$0x3FA7] =	sst s0  }
0x9: {  	[smem:$0x3FA8] =	sst s1  }
0xa: {  	[smem:$0x3FA9] =	sst s2  }
0xb: {  	[smem:$0x3FAA] =	sst s3  }
0xc: {  	[smem:$0x3FAB] =	sst s4  }
0xd: {  	[smem:$0x3FAC] =	sst s5  }
0xe: {  	[smem:$0x3FAD] =	sst s6  }
0xf: {  	[smem:$0x3FAE] =	sst s7  }
0x10: {  	[smem:$0x3FAF] =	sst s8  }
0x11: {  	[smem:$0x3FB0] =	sst s9;
	s0 =	simm.s32 @!p0 $0x0  }
0x12: {  	s1 =	sld [smem:$0x3F96];
	s0 =	simm.s32 @p0 $0x1  }
0x13: {  	[smem:$0x3FB1] =	sst s0;
	s0 =	simm.s32 @!p1 $0x0  }
0x14: {  	s2 =	sld [smem:$0x3F95];
	s0 =	simm.s32 @p1 $0x1  }
0x15: {  	[smem:$0x3FB2] =	sst s0;
	s0 =	simm.s32 @!p2 $0x0  }
0x16: {  	s3 =	sld [smem:$0x3FDB];
	s0 =	simm.s32 @p2 $0x1  }
0x17: {  	s4 =	simm.s32 $0x1BF5;
	[smem:$0x3FB4] =	sst s0  }
0x18: {  	s0 =	sld [smem:$0x3F97];
	_ =	swait.ge [sflag:s4], $0x0  }
0x19: {  	s7 =	sld [smem:$0x3F98]  }
0x1a: {  	s8 =	sadd.s32 $0xFFFFE003, lr  }
0x1b: {  	s9 =	sadd.s32 $0xFFFFFEF7, lr;
	s5 =	simm.s32 $0xFFFFFFFF;
	p2 =	slt.u32 s8, $0xFFFFF086  }
0x1c: {  	p1 =	slt.u32 s9, $0xF7A;
	s5 =	simm.s32 @!p2 $0x0  }
0x1d: {  	s5 =	simm.s32 @p1 $0x1;
	p0 =	seq.s32 s7, s2  }
0x1e: {  	s7 =	smul.u32 @!p0 $0xF7A, s2;
	p2 =	seq.s32 @!p0 s5, $0x0  }
0x1f: {  	s9 =	smul.u32 $0xF7A, s1;
	s8 =	simm.s32 @!p0 $0x1BF5;
	p2 =	por !p2, p0  }
0x20: {  	[sflag:s8] =	ssyncset.s32 @!p0 $0xFFFFF086;
	s6 =	sadd.s32 @!p0 s3, s7;
	s7 =	simm.s32 @!p0 $0x108  }
0x21: {  	s3 =	sadd.s32 s3, s9;
	s6 =	sadd.s32 @!p0 $0x88, s6;
	s7 =	simm.s32 @p2 $0x1082  }
0x22: {  	[simem:s7], [sflag:s8] =	dma.local @!p0 [hbm:s6], $0xF7A  }
0x23: {  	s9 =	sor.u32 $0xD0000000, s2;
	s6 =	simm.s32 $0x108;
	_ =	swait.ge @!p0 [sflag:s8], $0x0  }
0x24: {  	s3 =	sadd.s32 $0x88, s3;
	s6 =	simm.s32 @!p1 $0x1082;
	[sflag:s4] =	ssyncset.s32 $0xFFFFF086  }
0x25: {  	[simem:s6], [sflag:s4] =	dma.local [hbm:s3], $0xF7A  }
0x26: {  	[smem:$0x3F98] =	sst s1;
	(tag) =	ssettag s2;
	_ =	strace s9  }
0x27: {  	s1 =	sld [smem:$0x3FA8]  }
0x28: {  	s2 =	sld [smem:$0x3FA9]  }
0x29: {  	s4 =	sld [smem:$0x3FAB]  }
0x2a: {  	p0 =	seq.s32 s5, $0x0;
	s5 =	sld [smem:$0x3FAC]  }
0x2b: {  	s6 =	sld [smem:$0x3FAD]  }
0x2c: {  	s7 =	sld [smem:$0x3FAE]  }
0x2d: {  	s3 =	simm.s32 $0x108;
	s8 =	sld [smem:$0x3FAF]  }
0x2e: {  	s3 =	simm.s32 @!p0 $0x1082;
	s9 =	sld [smem:$0x3FB0]  }
0x2f: {  	lr =	sadd.s32 s0, s3;
	s0 =	sld [smem:$0x3FA7]  }
0x30: {  	s3 =	sld [smem:$0x3FAA]  }
0x31: {  	[smem:$0x3FB3] =	sst s10  }
0x32: {  	s10 =	sld [smem:$0x3FB1];
	_ =	sdelay $0x3  }
0x33: {  	p0 =	seq.s32 s10, $0x1;
	s10 =	sld [smem:$0x3FB3];
	_ =	sdelay $0x3  }
0x34: {  	[smem:$0x3FB3] =	sst s10  }
0x35: {  	s10 =	sld [smem:$0x3FB2];
	_ =	sdelay $0x3  }
0x36: {  	p1 =	seq.s32 s10, $0x1;
	s10 =	sld [smem:$0x3FB3];
	_ =	sdelay $0x3  }
0x37: {  	[smem:$0x3FB3] =	sst s10  }
0x38: {  	s10 =	sld [smem:$0x3FB4]  }
0x39: {  	_ = 	snop;
	(pc) =	sbr.ind lr, $3  }
0x3a: {  	_ = 	snop  }
0x3b: {  	_ = 	snop  }
0x3c: {  	p2 =	seq.s32 s10, $0x1;
	s10 =	sld [smem:$0x3FB3]  }
0x3d: {  	_ =	shalt  }
0x3e: {  	_ =	shalt  }
0x3f: {  	_ =	shalt  }
0x40: {  	_ =	shalt  }
0x41: {  	_ =	shalt  }
0x42: {  	_ =	shalt  }
0x43: {  	_ =	shalt  }
0x44: {  	_ =	shalt  }
0x45: {  	_ =	shalt  }
0x46: {  	_ =	shalt  }
0x47: {  	_ =	shalt  }
0x48: {  	_ =	shalt  }
0x49: {  	_ =	shalt  }
0x4a: {  	_ =	shalt  }
0x4b: {  	_ =	shalt  }
0x4c: {  	_ =	shalt  }
0x4d: {  	_ =	shalt  }
0x4e: {  	_ =	shalt  }
0x4f: {  	_ =	shalt  }
0x50: {  	_ =	shalt  }
0x51: {  	_ =	shalt  }
0x52: {  	_ =	shalt  }
0x53: {  	_ =	shalt  }
0x54: {  	_ =	shalt  }
0x55: {  	_ =	shalt  }
0x56: {  	_ =	shalt  }
0x57: {  	_ =	shalt  }
0x58: {  	_ =	shalt  }
0x59: {  	_ =	shalt  }
0x5a: {  	_ =	shalt  }
0x5b: {  	_ =	shalt  }
0x5c: {  	_ =	shalt  }
0x5d: {  	_ =	shalt  }
0x5e: {  	_ =	shalt  }
0x5f: {  	_ =	shalt  }
0x60: {  	_ =	shalt  }
0x61: {  	_ =	shalt  }
0x62: {  	_ =	shalt  }
0x63: {  	_ =	shalt  }
0x64: {  	_ =	shalt  }
0x65: {  	_ =	shalt  }
0x66: {  	_ =	shalt  }
0x67: {  	_ =	shalt  }
0x68: {  	_ =	shalt  }
0x69: {  	_ =	shalt  }
0x6a: {  	_ =	shalt  }
0x6b: {  	_ =	shalt  }
0x6c: {  	_ =	shalt  }
0x6d: {  	_ =	shalt  }
0x6e: {  	_ =	shalt  }
0x6f: {  	_ =	shalt  }
0x70: {  	_ =	shalt  }
0x71: {  	_ =	shalt  }
0x72: {  	_ =	shalt  }
0x73: {  	_ =	shalt  }
0x74: {  	_ =	shalt  }
0x75: {  	_ =	shalt  }
0x76: {  	_ =	shalt  }
0x77: {  	_ =	shalt  }
0x78: {  	_ =	shalt  }
0x79: {  	_ =	shalt  }
0x7a: {  	_ =	shalt  }
0x7b: {  	_ =	shalt  }
0x7c: {  	_ =	shalt  }
0x7d: {  	_ =	shalt  }
0x7e: {  	_ =	shalt  }
0x7f: {  	_ =	shalt  }
0x80: {  	_ =	shalt  }
0x81: {  	_ =	shalt  }
0x82: {  	_ =	shalt  }
0x83: {  	_ =	shalt  }
0x84: {  	_ =	shalt  }
0x85: {  	_ =	shalt  }
0x86: {  	_ =	shalt  }
0x87: {  	_ =	shalt  }
.Lfunc_end0:
.L_simem_size_0:
called_computation.1_lowered:
.L_overlay_start_0:
0x88: {  	s2 =	sld [smem:$0x3FD9]  }
0x89: {  	s3 =	sld [smem:$0x3FFE];
	_ =	sdelay $0x1  }
0x8a: {  	s1 =	srdreg.scid  }
0x8b: {  	s0 =	sand.u32 $0x1, s1  }
0x8c: {  	s16 =	sshll.u32 s0, $0xA;
	s2 =	sadd.s32 s3, s2  }
0x8d: {  	s2 =	sadd.s32 s2, s16  }
0x8e: {  	[smem:$0x3FBF] =	sst s2  }
0x8f: {  	_ = 	snop  }
0x90: {  	(tm) =	ssettm $0x1  }
0x91: {  	s17 =	sld [smem:$0x3FFB];
	_ =	sdelay $0x3  }
0x92: {  	_ =	strace s17  }
0x93: {  	s2 =	sld [smem:$0x3FFC];
	_ =	sdelay $0x3  }
0x94: {  	_ =	strace s2  }
0x95: {  	s2 =	sld [smem:$0x3FFD];
	_ =	sdelay $0x3  }
0x96: {  	_ =	strace s2  }
0x97: {  	_ =	strace $0x8FFFFFFF  }
0x98: {  	s18 =	sld [smem:$0x3FDB];
	_ =	sdelay $0x1  }
0x99: {  	s19 =	simm.s32 $_scs_section_size  }
0x9a: {  	s4 =	simm.s32 $_size__tile_overlayer_lowered;
	s5 =	simm.s32 $_tile_overlayer_lowered  }
0x9b: {  	s22 =	simm.s32 $0x1BFF;
	s21 =	sshll.u32 s5, $0x1;
	s2 =	sadd.s32 s19, s18  }
0x9c: {  	s6 =	simm.s32 $0x0;
	s20 =	sshll.u32 s4, $0x1;
	s4 =	sadd.s32 s21, s2  }
0x9d: {  	[timem:s6], [sflag:s22] =	dma.local [hbm:s4], s20  }
0x9e: {  	_ =	swait.ge [sflag:s22], s20  }
0x9f: {  	s3 =	ssub.s32 $0x0, s20;
	[sflag:s22] =	ssyncset.done $0x0  }
0xa0: {  	[sflag:s22] =	ssyncadd.s32 s3;
	_ =	sdelay $0x1  }
0xa1: {  	s23 =	simm.s32 $0x1B8B  }
0xa2: {  	_ =	swait.ge [sflag:s23], $0x1  }
0xa3: {  	[sflag:s23] =	ssyncset.done $0x0  }
0xa4: {  	s25 =	simm.s32 $0x1B8E;
	s24 =	sld [smem:$0x3FFE];
	[sflag:s23] =	ssyncadd.s32 $0xFFFFFFFF  }
0xa5: {  	s26 =	simm.s32 $execute0_lowered;
	[smem:$0x3FD2] =	sst s25  }
0xa6: {  	s4 =	sshll.u32 s26, $0x1;
	_ =	strace $0x80000049;
	[dreg:$0x1] =	wrdreg $0xFFFFFFFF  }
0xa7: {  	s28 =	simm.s32 $_size_execute0_lowered;
	s2 =	sadd.s32 s2, s4;
	[dreg:$0x0] =	wrdreg $0x0  }
0xa8: {  	s4 =	sshll.u32 s28, $0x1;
	[dreg:$0x2] =	wrdreg s2  }
0xa9: {  	[dreg:$0x3] =	wrdreg s4  }
0xaa: {  	[dreg:$0x4] =	wrdreg $0xC0  }
0xab: {  	_ =	task [dreg:s6], $0x5FFFF  }
0xac: {  	[dreg:$0x1] =	wrdreg $0xFFFFFFFF  }
0xad: {  	[dreg:$0x0] =	wrdreg $0x60  }
0xae: {  	[dreg:$0x2] =	wrdreg s24  }
0xaf: {  	[dreg:$0x3] =	wrdreg $0xA8000  }
0xb0: {  	[dreg:$0x4] =	wrdreg $0x9  }
0xb1: {  	_ =	task.clear_ibuf [dreg:s6], $0x5FFFF;
	_ =	strace $0x90000049  }
0xb2: {  	s29 =	simm.s32 $0x9;
	_ =	strace $0x8000004B  }
0xb3: {  	_ =	swait.ge [sflag:s29], $0x1  }
0xb4: {  	[sflag:s29] =	ssyncadd.s32 $0xFFFFFFFF  }
0xb5: {  	_ =	strace $0x9000004B  }
0xb6: {  	_ =	sfence  }
0xb7: {  	s30 =	sld [smem:$0x0];
	_ =	sdelay $0x2  }
0xb8: {  	s31 =	sshll.u32 s1, $0xD;
	s1 =	sshrl.u32 s1, $0x2  }
0xb9: {  	s3 =	sand.u32 $0x4000, s31;
	s1 =	sadd.s32 s1, s30  }
0xba: {  	s0 =	sor.u32 s3, s0;
	s1 =	sshll.u32 s1, $0x11  }
0xbb: {  	s0 =	sor.u32 s1, s0  }
0xbc: {  	s0 =	sadd.s32 $0x8F2B, s0  }
0xbd: {  	[sflag:s0] =	ssyncadd.remote.s32 $0x1  }
0xbe: {  	_ =	sfence.sel $0xFFFF  }
0xbf: {  	[dreg:$0x0] =	wrdreg $0xFFFFFFFF;
	(pc) =	sbr.abs _section_cstart, $3  }
0xc0: {  	[dreg:$0x1] =	wrdreg $0xFFFFFFFF  }
0xc1: {  	_ =	task.clear_ibuf [dreg:s6], $0x2FFFF;
	_ =	strace $0x9FFFFFFF  }
0xc2: {  	(tm) =	ssettm $0x7FFFFFFF  }
0xc3: {  	_ =	shalt  }
tec
execute0_lowered:
.L_overlay_start_1:
0x0: {  	(tag) =	ssettag $0x1  }
0x1: {  	s0 =	rddreg [dreg:$0x0]  }
0x2: {  	s2 =	rddreg [dreg:$0x1];
	s3 =	simm.s32 $0x0  }
0x3: {  	s12 =	stileid.u32;
	s6 =	srdreg.scid;
	s18 =	simm.s32 $0x2800  }
0x4: {  	s19 =	simm.s32 $0x3;
	s28 =	simm.s32 $0x80;
	s29 =	simm.s32 $0x2  }
0x5: {  	s30 =	simm.s32 $0x1380;
	s31 =	simm.s32 $0x13C0;
	[smem:$0x7FF] =	sst s3  }
0x6: {  	s1 =	smul.u32 $0x280, s12;
	s4 =	sadd.s32 $0x6F800, s0;
	s5 =	sadd.s32 $0x5B800, s0  }
0x7: {  	s8 =	sand.u32 $0x1, s6;
	s6 =	sadd.s32 $0x63000, s0;
	s9 =	smul.u32 $0x50000, s12  }
0x8: {  	s21 =	smul.u32 $0x14000, s12;
	p1 =	seq.s32 s12, $0xF;
	_ =	strace $0x8000004A  }
0x9: {  	s7 =	ssub.s32 $0x2, s8;
	s11 =	smul.u32 $0x138800, s8;
	p0 =	seq.s32 s8, $0x1  }
0xa: {  	s1 =	sadd.s32 s1, s0;
	s10 =	sshrl.u32 s7, $0x1;
	s20 =	sshrl.u32 s9, $0x2  }
0xb: {  	s0 =	sadd.s32 $0x96A00, s0;
	s13 =	ssub.s32 s7, s10;
	s7 =	sadd.s32 s20, s2  }
0xc: {  	s22 =	sadd.s32 $0x6D000, s1;
	s1 =	sadd.s32 $0x6A800, s1;
	s23 =	sadd.s32 s21, s11  }
0xd: {  	s24 =	sshrl.u32 s11, $0x3;
	s10 =	smul.u32 $0x3C00, s12;
	[dreg:$0x3] =	wrdreg s22  }
0xe: {  	s20 =	simm.s32 $0x1400;
	s21 =	simm.s32 $0x40;
	[dreg:$0x4] =	wrdreg s1  }
0xf: {  	s1 =	sshrl.u32 s23, $0x3;
	s8 =	sadd.s32 s0, s24;
	s26 =	smax.u32 s13, $0x1  }
0x10: {  	s14 =	sadd.s32 $0x4000, s7;
	s15 =	sadd.s32 $0x8000, s7;
	s16 =	sadd.s32 $0xC000, s7  }
.Ltmp0:
0x11: {  	s17 =	sadd.s32 $0x10000, s7;
	s22 =	simm.s32 $0x4800;
	(pc) =	sbr.rel .LBB2_1-.Ltmp0, $4  }
0x12: {  	s23 =	simm.s32 $0x1;
	s24 =	simm.s32 $0x6800;
	s0 =	sadd.s32 s0, s1  }
0x13: {  	s25 =	sadd.s32 $0x25800, s8;
	[dreg:$0x7] =	wrdreg s26;
	s26 =	simm.s32 $0x8800  }
0x14: {  	s8 =	simm.s32 $0x2780;
	[dreg:$0x5] =	wrdreg s0;
	s0 =	sadd.s32 $0x12C000, s2  }
0x15: {  	v0 =	vimm.f32 $0.0e+00;
	[dreg:$0x6] =	wrdreg s25;
	s25 =	sshrl.u32 @p1 s0, $0x3;
	s0 =	simm.s32 $0x2700  }
.LBB2_10:
0x16: {  	[bflag:$0x0] =	sbarrier.arrive $0xFFFF  }
0x17: {  	s1 =	simm.s32 @p1 $0x1FC3;
	s9 =	rddreg [dreg:$0x6]  }
0x18: {  	[hbm:s9], [sflag:s1] =	dma.local @p1 [spmem:s25], $0x1900  }
0x19: {  	s1 =	simm.s32 @p1 $0x3  }
0x1a: {  	s9 =	stileid.u32;
	_ =	swait.ge @p1 [sflag:s1], $0x1900  }
0x1b: {  	s9 =	sshll.u32 @!p1 s9, $0x6;
	[sflag:s1] =	ssyncset.done @p1 $0x0;
	s11 =	rddreg [dreg:$0x5]  }
0x1c: {  	[sflag:s1] =	ssyncadd.s32 @p1 $0xFFFFE700;
	s1 =	sor.u32 @!p1 $0x1C03, s9;
	s9 =	sshrl.u32 @!p1 s7, $0x3  }
0x1d: {  	[hbm:s11], [sflag:s1] =	dma.local @!p1 [spmem:s9], $0x2800  }
0x1e: {  	s1 =	simm.s32 @!p1 $0x3  }
0x1f: {  	_ =	swait.ge @!p1 [sflag:s1], $0x2800  }
0x20: {  	s3 =	sadd.s32 $0x1, s3;
	s13 =	rddreg [dreg:$0x7]  }
0x21: {  	p2 =	sne.s32 s3, s13  }
.Ltmp1:
0x22: {  	_ = 	snop;
	(pc) =	sbr.rel @!p2 .LBB2_11-.Ltmp1, $3  }
0x23: {  	_ =	sdelay $0x1  }
0x24: {  	[sflag:s1] =	ssyncset.done @!p1 $0x0  }
0x25: {  	[sflag:s1] =	ssyncadd.s32 @!p1 $0xFFFFD800  }
.LBB2_1:
0x26: {  	s1 =	simm.s32 $0x0;
	s9 =	simm.s32 $0x200  }
.LBB2_2:
0x27: {  	p2 =	sne.s32 s9, $0xFE00;
	[tilespmem:s1+$0x2870] =	vst v0  }
0x28: {  	[tilespmem:s1+$0x2800] =	vst v0  }
0x29: {  	[tilespmem:s1+$0x2810] =	vst v0  }
.Ltmp2:
0x2a: {  	[tilespmem:s1+$0x2820] =	vst v0;
	(pc) =	sbr.rel @p2 .LBB2_2-.Ltmp2, $4  }
0x2b: {  	[tilespmem:s1+$0x2830] =	vst v0  }
0x2c: {  	[tilespmem:s1+$0x2840] =	vst v0  }
0x2d: {  	[tilespmem:s1+$0x2850] =	vst v0  }
0x2e: {  	[tilespmem:s1+$0x2860] =	vst v0;
	s1 =	sshra.s32 s9, $0x2;
	s9 =	sadd.s32 $0x200, s9  }
0x2f: {  	[tilespmem:s1+$0x2870] =	vst v0  }
0x30: {  	[tilespmem:s1+$0x2800] =	vst v0  }
0x31: {  	[tilespmem:s1+$0x2810] =	vst v0  }
0x32: {  	[tilespmem:s1+$0x2820] =	vst v0  }
0x33: {  	[tilespmem:s1+$0x2830] =	vst v0  }
0x34: {  	[tilespmem:s1+$0x2840] =	vst v0  }
0x35: {  	[tilespmem:s1+$0x2850] =	vst v0  }
0x36: {  	[tilespmem:s1+$0x2860] =	vst v0  }
0x37: {  	[spmem:s7] =	stream.linear.scatter [tilespmem:s18], [sflag:$0x3], $0x4000, $0x38;
	[tilespmem:$0x1E800] =	vst v63  }
0x38: {  	_ =	swait.ge [sflag:s19], $0x4000  }
0x39: {  	[sflag:s19] =	ssyncset.done $0x0  }
0x3a: {  	[sflag:s19] =	ssyncadd.s32 $0xFFFFC000  }
0x3b: {  	[spmem:s14] =	stream.linear.scatter [tilespmem:s18], [sflag:$0x3], $0x4000, $0x38;
	[tilespmem:$0x1E800] =	vst v63  }
0x3c: {  	_ =	swait.ge [sflag:s19], $0x4000  }
0x3d: {  	[sflag:s19] =	ssyncset.done $0x0  }
0x3e: {  	[sflag:s19] =	ssyncadd.s32 $0xFFFFC000  }
0x3f: {  	[spmem:s15] =	stream.linear.scatter [tilespmem:s18], [sflag:$0x3], $0x4000, $0x38;
	[tilespmem:$0x1E800] =	vst v63  }
0x40: {  	_ =	swait.ge [sflag:s19], $0x4000  }
0x41: {  	[sflag:s19] =	ssyncset.done $0x0  }
0x42: {  	[sflag:s19] =	ssyncadd.s32 $0xFFFFC000  }
0x43: {  	[spmem:s16] =	stream.linear.scatter [tilespmem:s18], [sflag:$0x3], $0x4000, $0x38;
	[tilespmem:$0x1E800] =	vst v63  }
0x44: {  	_ =	swait.ge [sflag:s19], $0x4000  }
0x45: {  	[sflag:s19] =	ssyncset.done $0x0  }
0x46: {  	[sflag:s19] =	ssyncadd.s32 $0xFFFFC000  }
0x47: {  	[spmem:s17] =	stream.linear.scatter [tilespmem:s18], [sflag:$0x3], $0x4000, $0x38;
	[tilespmem:$0x1E800] =	vst v63  }
.Ltmp3:
0x48: {  	_ =	swait.ge [sflag:s19], $0x4000;
	(pc) =	sbr.rel @!p0 .LBB2_4-.Ltmp3, $4  }
0x49: {  	[sflag:s19] =	ssyncset.done $0x0  }
0x4a: {  	[sflag:s19] =	ssyncadd.s32 $0xFFFFC000  }
0x4b: {  	[bflag:$0x0] =	sbarrier.arrive $0xFFFF  }
0x4c: {  	s9 =	simm.s32 $0x0;
	s1 =	simm.s32 $0x0  }
.LBB2_7:
0x4d: {  	s11 =	smul.u32 $0x1400, s1;
	_ =	sdelay $0x1  }
0x4e: {  	s11 =	sadd.s32 s10, s11  }
0x4f: {  	s11 =	sshrl.u32 s11, $0x3  }
0x50: {  	s12 =	sadd.s32 s5, s11  }
0x51: {  	[tilespmem:s9], [sflag:$0x3] =	stream.linear.gather [hbm4b:s12+s9], $0x1400, $0x38;
	[tilespmem:$0x1E800] =	vst v63  }
0x52: {  	_ =	swait.ge [sflag:s19], $0x1400  }
0x53: {  	[sflag:s19] =	ssyncset.done $0x0  }
0x54: {  	s11 =	sadd.s32 s6, s11;
	[sflag:s19] =	ssyncadd.s32 $0xFFFFEC00  }
0x55: {  	[tilespmem:s20], [sflag:$0x3] =	stream.linear.gather [hbm4b:s11+s9], $0x1400, $0x38;
	[tilespmem:$0x1E800] =	vst v63  }
0x56: {  	_ =	swait.ge [sflag:s19], $0x1400  }
0x57: {  	[sflag:s19] =	ssyncset.done $0x0  }
0x58: {  	[sflag:s19] =	ssyncadd.s32 $0xFFFFEC00  }
0x59: {  	[tilespmem:s18], [sflag:$0x1] =	stream.indirect.gather [hbm4b:s4+s21], $0x80, s9, s21, $0xb8;
	[tilespmem:$0x1E800] =	vst v63  }
0x5a: {  	_ = 	snop  }
0x5b: {  	[tilespmem:s22], [sflag:$0x1] =	stream.indirect.gather [hbm4b:s4+s21], $0x80, s21, s21, $0xb8;
	[tilespmem:$0x1E800] =	vst v63  }
0x5c: {  	_ =	swait.ge [sflag:s23], $0x2000  }
0x5d: {  	[sflag:s23] =	ssyncset.done $0x0  }
0x5e: {  	[sflag:s23] =	ssyncadd.s32 $0xFFFFE000  }
0x5f: {  	_ =	swait.ge [sflag:s23], $0x2000  }
0x60: {  	[sflag:s23] =	ssyncset.done $0x0  }
0x61: {  	s12 =	simm.s32 $0x80;
	[sflag:s23] =	ssyncadd.s32 $0xFFFFE000  }
0x62: {  	[tilespmem:s24], [sflag:$0x2] =	stream.indirect.gather [hbm4b:s4+s21], $0x80, s12, s21, $0xb8;
	[tilespmem:$0x1E800] =	vst v63  }
0x63: {  	s13 =	simm.s32 $0xC0  }
0x64: {  	[tilespmem:s26], [sflag:$0x2] =	stream.indirect.gather [hbm4b:s4+s21], $0x80, s13, s21, $0xb8;
	[tilespmem:$0x1E800] =	vst v63  }
0x65: {  	s12 =	simm.s32 $0x1400  }
0x66: {  	[spmem:s2] =	stream.indirect.scatter.add.f32 [tilespmem:s18], [sflag:$0x3], $0x80, s12, s28, $0xb8;
	[tilespmem:$0x1E800] =	vst v63  }
0x67: {  	_ =	swait.ge [sflag:s19], $0x4000  }
0x68: {  	[sflag:s19] =	ssyncset.done $0x0  }
0x69: {  	[sflag:s19] =	ssyncadd.s32 $0xFFFFC000  }
0x6a: {  	_ =	swait.ge [sflag:s29], $0x2000  }
0x6b: {  	[sflag:s29] =	ssyncset.done $0x0  }
0x6c: {  	[sflag:s29] =	ssyncadd.s32 $0xFFFFE000  }
0x6d: {  	_ =	swait.ge [sflag:s29], $0x2000  }
0x6e: {  	[sflag:s29] =	ssyncset.done $0x0  }
0x6f: {  	s13 =	simm.s32 $0x100;
	[sflag:s29] =	ssyncadd.s32 $0xFFFFE000  }
0x70: {  	[tilespmem:s18], [sflag:$0x1] =	stream.indirect.gather [hbm4b:s4+s21], $0x80, s13, s21, $0xb8;
	[tilespmem:$0x1E800] =	vst v63  }
0x71: {  	s12 =	simm.s32 $0x140  }
0x72: {  	[tilespmem:s22], [sflag:$0x1] =	stream.indirect.gather [hbm4b:s4+s21], $0x80, s12, s21, $0xb8;
	[tilespmem:$0x1E800] =	vst v63  }
0x73: {  	s13 =	simm.s32 $0x1480  }
0x74: {  	[spmem:s2] =	stream.indirect.scatter.add.f32 [tilespmem:s24], [sflag:$0x3], $0x80, s13, s28, $0xb8;
	[tilespmem:$0x1E800] =	vst v63  }
0x75: {  	_ =	swait.ge [sflag:s19], $0x4000  }
0x76: {  	s11 =	simm.s32 $0x400;
	[sflag:s19] =	ssyncset.done $0x0  }
.LBB2_8:
0x77: {  	p2 =	sne.s32 s11, $0x4800  }
0x78: {  	[sflag:s19] =	ssyncadd.s32 $0xFFFFC000;
	s12 =	smov.u32 s11;
	s11 =	sadd.s32 $0x400, s11  }
0x79: {  	_ = 	snop  }
0x7a: {  	_ =	swait.ge [sflag:s23], $0x2000  }
0x7b: {  	[sflag:s23] =	ssyncset.done $0x0  }
0x7c: {  	[sflag:s23] =	ssyncadd.s32 $0xFFFFE000  }
0x7d: {  	_ =	swait.ge [sflag:s23], $0x2000  }
0x7e: {  	s12 =	sshra.s32 s12, $0x2;
	[sflag:s23] =	ssyncset.done $0x0  }
0x7f: {  	s13 =	sadd.s32 $0x80, s12;
	[sflag:s23] =	ssyncadd.s32 $0xFFFFE000  }
0x80: {  	[tilespmem:s24], [sflag:$0x2] =	stream.indirect.gather [hbm4b:s4+s21], $0x80, s13, s21, $0xb8;
	[tilespmem:$0x1E800] =	vst v63  }
0x81: {  	s13 =	sadd.s32 $0xC0, s12  }
0x82: {  	[tilespmem:s26], [sflag:$0x2] =	stream.indirect.gather [hbm4b:s4+s21], $0x80, s13, s21, $0xb8;
	[tilespmem:$0x1E800] =	vst v63  }
0x83: {  	s13 =	sadd.s32 $0x1400, s12  }
0x84: {  	[spmem:s2] =	stream.indirect.scatter.add.f32 [tilespmem:s18], [sflag:$0x3], $0x80, s13, s28, $0xb8;
	[tilespmem:$0x1E800] =	vst v63  }
0x85: {  	_ =	swait.ge [sflag:s19], $0x4000  }
0x86: {  	[sflag:s19] =	ssyncset.done $0x0  }
0x87: {  	[sflag:s19] =	ssyncadd.s32 $0xFFFFC000  }
0x88: {  	_ =	swait.ge [sflag:s29], $0x2000  }
0x89: {  	[sflag:s29] =	ssyncset.done $0x0  }
0x8a: {  	[sflag:s29] =	ssyncadd.s32 $0xFFFFE000  }
0x8b: {  	_ =	swait.ge [sflag:s29], $0x2000  }
0x8c: {  	[sflag:s29] =	ssyncset.done $0x0  }
0x8d: {  	s13 =	sadd.s32 $0x100, s12;
	[sflag:s29] =	ssyncadd.s32 $0xFFFFE000  }
0x8e: {  	[tilespmem:s18], [sflag:$0x1] =	stream.indirect.gather [hbm4b:s4+s21], $0x80, s13, s21, $0xb8;
	[tilespmem:$0x1E800] =	vst v63  }
0x8f: {  	s13 =	sadd.s32 $0x140, s12  }
0x90: {  	[tilespmem:s22], [sflag:$0x1] =	stream.indirect.gather [hbm4b:s4+s21], $0x80, s13, s21, $0xb8;
	[tilespmem:$0x1E800] =	vst v63  }
.Ltmp4:
0x91: {  	_ = 	snop;
	(pc) =	sbr.rel @p2 .LBB2_8-.Ltmp4, $4  }
0x92: {  	s12 =	sadd.s32 $0x1480, s12  }
0x93: {  	[spmem:s2] =	stream.indirect.scatter.add.f32 [tilespmem:s24], [sflag:$0x3], $0x80, s12, s28, $0xb8;
	[tilespmem:$0x1E800] =	vst v63  }
0x94: {  	_ =	swait.ge [sflag:s19], $0x4000  }
0x95: {  	[sflag:s19] =	ssyncset.done $0x0  }
0x96: {  	[sflag:s19] =	ssyncadd.s32 $0xFFFFC000  }
0x97: {  	_ =	swait.ge [sflag:s23], $0x2000  }
0x98: {  	[sflag:s23] =	ssyncset.done $0x0  }
0x99: {  	[sflag:s23] =	ssyncadd.s32 $0xFFFFE000  }
0x9a: {  	_ =	swait.ge [sflag:s23], $0x2000  }
0x9b: {  	[sflag:s23] =	ssyncset.done $0x0  }
0x9c: {  	[sflag:s23] =	ssyncadd.s32 $0xFFFFE000  }
0x9d: {  	[tilespmem:s24], [sflag:$0x2] =	stream.indirect.gather [hbm4b:s4+s21], $0x80, s30, s21, $0xb8;
	[tilespmem:$0x1E800] =	vst v63  }
0x9e: {  	_ = 	snop  }
0x9f: {  	[tilespmem:s26], [sflag:$0x2] =	stream.indirect.gather [hbm4b:s4+s21], $0x80, s31, s21, $0xb8;
	[tilespmem:$0x1E800] =	vst v63  }
0xa0: {  	_ = 	snop  }
0xa1: {  	[spmem:s2] =	stream.indirect.scatter.add.f32 [tilespmem:s18], [sflag:$0x3], $0x80, s0, s28, $0xb8;
	[tilespmem:$0x1E800] =	vst v63  }
0xa2: {  	_ =	swait.ge [sflag:s19], $0x4000  }
0xa3: {  	[sflag:s19] =	ssyncset.done $0x0  }
0xa4: {  	[sflag:s19] =	ssyncadd.s32 $0xFFFFC000  }
0xa5: {  	_ =	swait.ge [sflag:s29], $0x2000  }
0xa6: {  	[sflag:s29] =	ssyncset.done $0x0  }
0xa7: {  	[sflag:s29] =	ssyncadd.s32 $0xFFFFE000  }
0xa8: {  	_ =	swait.ge [sflag:s29], $0x2000  }
0xa9: {  	s1 =	sadd.s32 $0x1, s1;
	[sflag:s29] =	ssyncset.done $0x0  }
0xaa: {  	p2 =	seq.s32 s1, $0x3;
	[sflag:s29] =	ssyncadd.s32 $0xFFFFE000  }
0xab: {  	[spmem:s2] =	stream.indirect.scatter.add.f32 [tilespmem:s24], [sflag:$0x3], $0x80, s8, s28, $0xb8;
	[tilespmem:$0x1E800] =	vst v63  }
.Ltmp5:
0xac: {  	_ = 	snop;
	(pc) =	sbr.rel @!p2 .LBB2_7-.Ltmp5, $4  }
.Ltmp6:
0xad: {  	_ = 	snop;
	(pc) =	sbr.rel @p2 .LBB2_10-.Ltmp6, $4  }
0xae: {  	_ =	swait.ge [sflag:s19], $0x4000  }
0xaf: {  	[sflag:s19] =	ssyncset.done $0x0  }
0xb0: {  	[sflag:s19] =	ssyncadd.s32 $0xFFFFC000  }
0xb1: {  	_ = 	snop  }
.LBB2_4:
0xb2: {  	s1 =	simm.s32 $0x0;
	s9 =	rddreg [dreg:$0x3]  }
0xb3: {  	[tilespmem:s1], [sflag:$0x3] =	stream.linear.gather [hbm4b:s9+s1], $0x1400, $0x38;
	[tilespmem:$0x1E800] =	vst v63  }
0xb4: {  	_ =	swait.ge [sflag:s19], $0x1400  }
0xb5: {  	[sflag:s19] =	ssyncset.done $0x0  }
0xb6: {  	s11 =	rddreg [dreg:$0x4];
	[sflag:s19] =	ssyncadd.s32 $0xFFFFEC00  }
0xb7: {  	[tilespmem:s20], [sflag:$0x3] =	stream.linear.gather [hbm4b:s11+s1], $0x1400, $0x38;
	[tilespmem:$0x1E800] =	vst v63  }
0xb8: {  	_ =	swait.ge [sflag:s19], $0x1400  }
0xb9: {  	[sflag:s19] =	ssyncset.done $0x0  }
0xba: {  	[sflag:s19] =	ssyncadd.s32 $0xFFFFEC00  }
0xbb: {  	[tilespmem:s18], [sflag:$0x1] =	stream.indirect.gather [hbm4b:s4+s21], $0x80, s1, s21, $0xb8;
	[tilespmem:$0x1E800] =	vst v63  }
0xbc: {  	_ = 	snop  }
0xbd: {  	[tilespmem:s22], [sflag:$0x1] =	stream.indirect.gather [hbm4b:s4+s21], $0x80, s21, s21, $0xb8;
	[tilespmem:$0x1E800] =	vst v63  }
0xbe: {  	_ =	swait.ge [sflag:s23], $0x2000  }
0xbf: {  	[sflag:s23] =	ssyncset.done $0x0  }
0xc0: {  	[sflag:s23] =	ssyncadd.s32 $0xFFFFE000  }
0xc1: {  	_ =	swait.ge [sflag:s23], $0x2000  }
0xc2: {  	[sflag:s23] =	ssyncset.done $0x0  }
0xc3: {  	s12 =	simm.s32 $0x80;
	[sflag:s23] =	ssyncadd.s32 $0xFFFFE000  }
0xc4: {  	[tilespmem:s24], [sflag:$0x2] =	stream.indirect.gather [hbm4b:s4+s21], $0x80, s12, s21, $0xb8;
	[tilespmem:$0x1E800] =	vst v63  }
0xc5: {  	s13 =	simm.s32 $0xC0  }
0xc6: {  	[tilespmem:s26], [sflag:$0x2] =	stream.indirect.gather [hbm4b:s4+s21], $0x80, s13, s21, $0xb8;
	[tilespmem:$0x1E800] =	vst v63  }
0xc7: {  	s9 =	simm.s32 $0x1400  }
0xc8: {  	[spmem:s2] =	stream.indirect.scatter.add.f32 [tilespmem:s18], [sflag:$0x3], $0x80, s9, s28, $0xb8;
	[tilespmem:$0x1E800] =	vst v63  }
0xc9: {  	_ =	swait.ge [sflag:s19], $0x4000  }
0xca: {  	[sflag:s19] =	ssyncset.done $0x0  }
0xcb: {  	[sflag:s19] =	ssyncadd.s32 $0xFFFFC000  }
0xcc: {  	_ =	swait.ge [sflag:s29], $0x2000  }
0xcd: {  	[sflag:s29] =	ssyncset.done $0x0  }
0xce: {  	[sflag:s29] =	ssyncadd.s32 $0xFFFFE000  }
0xcf: {  	_ =	swait.ge [sflag:s29], $0x2000  }
0xd0: {  	[sflag:s29] =	ssyncset.done $0x0  }
0xd1: {  	s11 =	simm.s32 $0x100;
	[sflag:s29] =	ssyncadd.s32 $0xFFFFE000  }
0xd2: {  	[tilespmem:s18], [sflag:$0x1] =	stream.indirect.gather [hbm4b:s4+s21], $0x80, s11, s21, $0xb8;
	[tilespmem:$0x1E800] =	vst v63  }
0xd3: {  	s12 =	simm.s32 $0x140  }
0xd4: {  	[tilespmem:s22], [sflag:$0x1] =	stream.indirect.gather [hbm4b:s4+s21], $0x80, s12, s21, $0xb8;
	[tilespmem:$0x1E800] =	vst v63  }
0xd5: {  	s13 =	simm.s32 $0x1480  }
0xd6: {  	[spmem:s2] =	stream.indirect.scatter.add.f32 [tilespmem:s24], [sflag:$0x3], $0x80, s13, s28, $0xb8;
	[tilespmem:$0x1E800] =	vst v63  }
0xd7: {  	_ =	swait.ge [sflag:s19], $0x4000  }
0xd8: {  	s1 =	simm.s32 $0x400;
	[sflag:s19] =	ssyncset.done $0x0  }
.LBB2_5:
0xd9: {  	p2 =	seq.s32 s1, $0x4800  }
0xda: {  	[sflag:s19] =	ssyncadd.s32 $0xFFFFC000;
	s9 =	smov.u32 s1;
	s1 =	sadd.s32 $0x400, s1  }
0xdb: {  	_ = 	snop  }
0xdc: {  	_ =	swait.ge [sflag:s23], $0x2000  }
0xdd: {  	[sflag:s23] =	ssyncset.done $0x0  }
0xde: {  	[sflag:s23] =	ssyncadd.s32 $0xFFFFE000  }
0xdf: {  	_ =	swait.ge [sflag:s23], $0x2000  }
0xe0: {  	s9 =	sshra.s32 s9, $0x2;
	[sflag:s23] =	ssyncset.done $0x0  }
0xe1: {  	s11 =	sadd.s32 $0x80, s9;
	[sflag:s23] =	ssyncadd.s32 $0xFFFFE000  }
0xe2: {  	[tilespmem:s24], [sflag:$0x2] =	stream.indirect.gather [hbm4b:s4+s21], $0x80, s11, s21, $0xb8;
	[tilespmem:$0x1E800] =	vst v63  }
0xe3: {  	s11 =	sadd.s32 $0xC0, s9  }
0xe4: {  	[tilespmem:s26], [sflag:$0x2] =	stream.indirect.gather [hbm4b:s4+s21], $0x80, s11, s21, $0xb8;
	[tilespmem:$0x1E800] =	vst v63  }
0xe5: {  	s11 =	sadd.s32 $0x1400, s9  }
0xe6: {  	[spmem:s2] =	stream.indirect.scatter.add.f32 [tilespmem:s18], [sflag:$0x3], $0x80, s11, s28, $0xb8;
	[tilespmem:$0x1E800] =	vst v63  }
0xe7: {  	_ =	swait.ge [sflag:s19], $0x4000  }
0xe8: {  	[sflag:s19] =	ssyncset.done $0x0  }
0xe9: {  	[sflag:s19] =	ssyncadd.s32 $0xFFFFC000  }
0xea: {  	_ =	swait.ge [sflag:s29], $0x2000  }
0xeb: {  	[sflag:s29] =	ssyncset.done $0x0  }
0xec: {  	[sflag:s29] =	ssyncadd.s32 $0xFFFFE000  }
0xed: {  	_ =	swait.ge [sflag:s29], $0x2000  }
0xee: {  	[sflag:s29] =	ssyncset.done $0x0  }
0xef: {  	s11 =	sadd.s32 $0x100, s9;
	[sflag:s29] =	ssyncadd.s32 $0xFFFFE000  }
0xf0: {  	[tilespmem:s18], [sflag:$0x1] =	stream.indirect.gather [hbm4b:s4+s21], $0x80, s11, s21, $0xb8;
	[tilespmem:$0x1E800] =	vst v63  }
0xf1: {  	s11 =	sadd.s32 $0x140, s9  }
0xf2: {  	[tilespmem:s22], [sflag:$0x1] =	stream.indirect.gather [hbm4b:s4+s21], $0x80, s11, s21, $0xb8;
	[tilespmem:$0x1E800] =	vst v63  }
.Ltmp7:
0xf3: {  	_ = 	snop;
	(pc) =	sbr.rel @!p2 .LBB2_5-.Ltmp7, $4  }
0xf4: {  	s9 =	sadd.s32 $0x1480, s9  }
0xf5: {  	[spmem:s2] =	stream.indirect.scatter.add.f32 [tilespmem:s24], [sflag:$0x3], $0x80, s9, s28, $0xb8;
	[tilespmem:$0x1E800] =	vst v63  }
0xf6: {  	_ =	swait.ge [sflag:s19], $0x4000  }
0xf7: {  	[sflag:s19] =	ssyncset.done $0x0  }
0xf8: {  	[sflag:s19] =	ssyncadd.s32 $0xFFFFC000  }
0xf9: {  	_ =	swait.ge [sflag:s23], $0x2000  }
0xfa: {  	[sflag:s23] =	ssyncset.done $0x0  }
0xfb: {  	[sflag:s23] =	ssyncadd.s32 $0xFFFFE000  }
0xfc: {  	_ =	swait.ge [sflag:s23], $0x2000  }
0xfd: {  	[sflag:s23] =	ssyncset.done $0x0  }
0xfe: {  	[sflag:s23] =	ssyncadd.s32 $0xFFFFE000  }
0xff: {  	[tilespmem:s24], [sflag:$0x2] =	stream.indirect.gather [hbm4b:s4+s21], $0x80, s30, s21, $0xb8;
	[tilespmem:$0x1E800] =	vst v63  }
0x100: {  	_ = 	snop  }
0x101: {  	[tilespmem:s26], [sflag:$0x2] =	stream.indirect.gather [hbm4b:s4+s21], $0x80, s31, s21, $0xb8;
	[tilespmem:$0x1E800] =	vst v63  }
0x102: {  	_ = 	snop  }
0x103: {  	[spmem:s2] =	stream.indirect.scatter.add.f32 [tilespmem:s18], [sflag:$0x3], $0x80, s0, s28, $0xb8;
	[tilespmem:$0x1E800] =	vst v63  }
0x104: {  	_ =	swait.ge [sflag:s19], $0x4000  }
0x105: {  	[sflag:s19] =	ssyncset.done $0x0  }
0x106: {  	[sflag:s19] =	ssyncadd.s32 $0xFFFFC000  }
0x107: {  	_ =	swait.ge [sflag:s29], $0x2000  }
0x108: {  	[sflag:s29] =	ssyncset.done $0x0  }
0x109: {  	[sflag:s29] =	ssyncadd.s32 $0xFFFFE000  }
0x10a: {  	_ =	swait.ge [sflag:s29], $0x2000  }
0x10b: {  	[sflag:s29] =	ssyncset.done $0x0  }
.Ltmp8:
0x10c: {  	[sflag:s29] =	ssyncadd.s32 $0xFFFFE000;
	(pc) =	sbr.rel .LBB2_10-.Ltmp8, $4  }
0x10d: {  	[spmem:s2] =	stream.indirect.scatter.add.f32 [tilespmem:s24], [sflag:$0x3], $0x80, s8, s28, $0xb8;
	[tilespmem:$0x1E800] =	vst v63  }
0x10e: {  	_ =	swait.ge [sflag:s19], $0x4000  }
0x10f: {  	[sflag:s19] =	ssyncset.done $0x0  }
0x110: {  	[sflag:s19] =	ssyncadd.s32 $0xFFFFC000  }
.LBB2_11:
0x111: {  	_ =	sfence.sel $0x180000  }
0x112: {  	[bflag:$0x0] =	sbarrier.arrive $0xFFFF  }
0x113: {  	_ =	strace $0x9000004A  }
0x114: {  	s0 =	stileid.u32;
	[bflag:$0x2] =	sbarrier.arrive $0xFFFF  }
0x115: {  	p0 =	sne.s32 s0, $0x0;
	s0 =	rddreg [dreg:$0x2]  }
0x116: {  	s0 =	sadd.s32 @!p0 $0x100000, s0  }
0x117: {  	[sflag:s0] =	ssyncadd.tile.s32 @!p0 $0x1;
	_ =	shalt  }
.Lfunc_end2:
_tile_overlayer_lowered:
.L_overlay_start_2:
0x118: {  	(tag) =	ssettag $0x2  }
0x119: {  	s0 =	rddreg [dreg:$0x0];
	s2 =	stileid.u32  }
0x11a: {  	s1 =	rddreg [dreg:$0x1];
	p0 =	sne.s32 s2, $0x0  }
0x11b: {  	s3 =	rddreg [dreg:$0x2];
	[bflag:$0x3] =	sbarrier.arrive $0xFFFF;
	s2 =	simm.s32 @!p0 $0x1C03  }
0x11c: {  	[timem:s3], [sflag:s2] =	dma.local @!p0 [hbm:s0], s1  }
0x11d: {  	s0 =	simm.s32 @!p0 $0x3  }
0x11e: {  	_ =	swait.ge @!p0 [sflag:s0], s1  }
0x11f: {  	s1 =	ssub.s32 @!p0 $0x0, s1;
	[sflag:s0] =	ssyncset.done @!p0 $0x0  }
0x120: {  	[sflag:s0] =	ssyncadd.s32 @!p0 s1  }
0x121: {  	[bflag:$0x3] =	sbarrier.arrive $0xFFFF  }
0x122: {  	_ =	shalt  }

// kernel: kernel.15.cloned.1.call-start
scs
__scs_entry_jumppad:
0x0: {  	(pc) =	sbr.rel $0x88, $3  }
0x1: {  	(tag) =	ssettag $0x0;
	lr =	simm.s32 $0x1  }
0x2: {  	[smem:$0x3F98] =	sst lr;
	_ =	strace $0xD0000000  }
0x3: {  	_ = 	snop  }
0x4: {  	_ = 	snop  }
0x5: {  	_ = 	snop  }
0x6: {  	_ = 	snop  }
0x7: {  	_ = 	snop  }
__scs_overlays_trampoline_lowered:
0x8: {  	[smem:$0x3FA7] =	sst s0  }
0x9: {  	[smem:$0x3FA8] =	sst s1  }
0xa: {  	[smem:$0x3FA9] =	sst s2  }
0xb: {  	[smem:$0x3FAA] =	sst s3  }
0xc: {  	[smem:$0x3FAB] =	sst s4  }
0xd: {  	[smem:$0x3FAC] =	sst s5  }
0xe: {  	[smem:$0x3FAD] =	sst s6  }
0xf: {  	[smem:$0x3FAE] =	sst s7  }
0x10: {  	[smem:$0x3FAF] =	sst s8  }
0x11: {  	[smem:$0x3FB0] =	sst s9;
	s0 =	simm.s32 @!p0 $0x0  }
0x12: {  	s1 =	sld [smem:$0x3F96];
	s0 =	simm.s32 @p0 $0x1  }
0x13: {  	[smem:$0x3FB1] =	sst s0;
	s0 =	simm.s32 @!p1 $0x0  }
0x14: {  	s2 =	sld [smem:$0x3F95];
	s0 =	simm.s32 @p1 $0x1  }
0x15: {  	[smem:$0x3FB2] =	sst s0;
	s0 =	simm.s32 @!p2 $0x0  }
0x16: {  	s3 =	sld [smem:$0x3FDB];
	s0 =	simm.s32 @p2 $0x1  }
0x17: {  	s4 =	simm.s32 $0x1BF5;
	[smem:$0x3FB4] =	sst s0  }
0x18: {  	s0 =	sld [smem:$0x3F97];
	_ =	swait.ge [sflag:s4], $0x0  }
0x19: {  	s7 =	sld [smem:$0x3F98]  }
0x1a: {  	s8 =	sadd.s32 $0xFFFFE003, lr  }
0x1b: {  	s9 =	sadd.s32 $0xFFFFFEF7, lr;
	s5 =	simm.s32 $0xFFFFFFFF;
	p2 =	slt.u32 s8, $0xFFFFF086  }
0x1c: {  	p1 =	slt.u32 s9, $0xF7A;
	s5 =	simm.s32 @!p2 $0x0  }
0x1d: {  	s5 =	simm.s32 @p1 $0x1;
	p0 =	seq.s32 s7, s2  }
0x1e: {  	s7 =	smul.u32 @!p0 $0xF7A, s2;
	p2 =	seq.s32 @!p0 s5, $0x0  }
0x1f: {  	s9 =	smul.u32 $0xF7A, s1;
	s8 =	simm.s32 @!p0 $0x1BF5;
	p2 =	por !p2, p0  }
0x20: {  	[sflag:s8] =	ssyncset.s32 @!p0 $0xFFFFF086;
	s6 =	sadd.s32 @!p0 s3, s7;
	s7 =	simm.s32 @!p0 $0x108  }
0x21: {  	s3 =	sadd.s32 s3, s9;
	s6 =	sadd.s32 @!p0 $0x88, s6;
	s7 =	simm.s32 @p2 $0x1082  }
0x22: {  	[simem:s7], [sflag:s8] =	dma.local @!p0 [hbm:s6], $0xF7A  }
0x23: {  	s9 =	sor.u32 $0xD0000000, s2;
	s6 =	simm.s32 $0x108;
	_ =	swait.ge @!p0 [sflag:s8], $0x0  }
0x24: {  	s3 =	sadd.s32 $0x88, s3;
	s6 =	simm.s32 @!p1 $0x1082;
	[sflag:s4] =	ssyncset.s32 $0xFFFFF086  }
0x25: {  	[simem:s6], [sflag:s4] =	dma.local [hbm:s3], $0xF7A  }
0x26: {  	[smem:$0x3F98] =	sst s1;
	(tag) =	ssettag s2;
	_ =	strace s9  }
0x27: {  	s1 =	sld [smem:$0x3FA8]  }
0x28: {  	s2 =	sld [smem:$0x3FA9]  }
0x29: {  	s4 =	sld [smem:$0x3FAB]  }
0x2a: {  	p0 =	seq.s32 s5, $0x0;
	s5 =	sld [smem:$0x3FAC]  }
0x2b: {  	s6 =	sld [smem:$0x3FAD]  }
0x2c: {  	s7 =	sld [smem:$0x3FAE]  }
0x2d: {  	s3 =	simm.s32 $0x108;
	s8 =	sld [smem:$0x3FAF]  }
0x2e: {  	s3 =	simm.s32 @!p0 $0x1082;
	s9 =	sld [smem:$0x3FB0]  }
0x2f: {  	lr =	sadd.s32 s0, s3;
	s0 =	sld [smem:$0x3FA7]  }
0x30: {  	s3 =	sld [smem:$0x3FAA]  }
0x31: {  	[smem:$0x3FB3] =	sst s10  }
0x32: {  	s10 =	sld [smem:$0x3FB1];
	_ =	sdelay $0x3  }
0x33: {  	p0 =	seq.s32 s10, $0x1;
	s10 =	sld [smem:$0x3FB3];
	_ =	sdelay $0x3  }
0x34: {  	[smem:$0x3FB3] =	sst s10  }
0x35: {  	s10 =	sld [smem:$0x3FB2];
	_ =	sdelay $0x3  }
0x36: {  	p1 =	seq.s32 s10, $0x1;
	s10 =	sld [smem:$0x3FB3];
	_ =	sdelay $0x3  }
0x37: {  	[smem:$0x3FB3] =	sst s10  }
0x38: {  	s10 =	sld [smem:$0x3FB4]  }
0x39: {  	_ = 	snop;
	(pc) =	sbr.ind lr, $3  }
0x3a: {  	_ = 	snop  }
0x3b: {  	_ = 	snop  }
0x3c: {  	p2 =	seq.s32 s10, $0x1;
	s10 =	sld [smem:$0x3FB3]  }
0x3d: {  	_ =	shalt  }
0x3e: {  	_ =	shalt  }
0x3f: {  	_ =	shalt  }
0x40: {  	_ =	shalt  }
0x41: {  	_ =	shalt  }
0x42: {  	_ =	shalt  }
0x43: {  	_ =	shalt  }
0x44: {  	_ =	shalt  }
0x45: {  	_ =	shalt  }
0x46: {  	_ =	shalt  }
0x47: {  	_ =	shalt  }
0x48: {  	_ =	shalt  }
0x49: {  	_ =	shalt  }
0x4a: {  	_ =	shalt  }
0x4b: {  	_ =	shalt  }
0x4c: {  	_ =	shalt  }
0x4d: {  	_ =	shalt  }
0x4e: {  	_ =	shalt  }
0x4f: {  	_ =	shalt  }
0x50: {  	_ =	shalt  }
0x51: {  	_ =	shalt  }
0x52: {  	_ =	shalt  }
0x53: {  	_ =	shalt  }
0x54: {  	_ =	shalt  }
0x55: {  	_ =	shalt  }
0x56: {  	_ =	shalt  }
0x57: {  	_ =	shalt  }
0x58: {  	_ =	shalt  }
0x59: {  	_ =	shalt  }
0x5a: {  	_ =	shalt  }
0x5b: {  	_ =	shalt  }
0x5c: {  	_ =	shalt  }
0x5d: {  	_ =	shalt  }
0x5e: {  	_ =	shalt  }
0x5f: {  	_ =	shalt  }
0x60: {  	_ =	shalt  }
0x61: {  	_ =	shalt  }
0x62: {  	_ =	shalt  }
0x63: {  	_ =	shalt  }
0x64: {  	_ =	shalt  }
0x65: {  	_ =	shalt  }
0x66: {  	_ =	shalt  }
0x67: {  	_ =	shalt  }
0x68: {  	_ =	shalt  }
0x69: {  	_ =	shalt  }
0x6a: {  	_ =	shalt  }
0x6b: {  	_ =	shalt  }
0x6c: {  	_ =	shalt  }
0x6d: {  	_ =	shalt  }
0x6e: {  	_ =	shalt  }
0x6f: {  	_ =	shalt  }
0x70: {  	_ =	shalt  }
0x71: {  	_ =	shalt  }
0x72: {  	_ =	shalt  }
0x73: {  	_ =	shalt  }
0x74: {  	_ =	shalt  }
0x75: {  	_ =	shalt  }
0x76: {  	_ =	shalt  }
0x77: {  	_ =	shalt  }
0x78: {  	_ =	shalt  }
0x79: {  	_ =	shalt  }
0x7a: {  	_ =	shalt  }
0x7b: {  	_ =	shalt  }
0x7c: {  	_ =	shalt  }
0x7d: {  	_ =	shalt  }
0x7e: {  	_ =	shalt  }
0x7f: {  	_ =	shalt  }
0x80: {  	_ =	shalt  }
0x81: {  	_ =	shalt  }
0x82: {  	_ =	shalt  }
0x83: {  	_ =	shalt  }
0x84: {  	_ =	shalt  }
0x85: {  	_ =	shalt  }
0x86: {  	_ =	shalt  }
0x87: {  	_ =	shalt  }
.Lfunc_end0:
.L_simem_size_0:
called_computation.2_lowered:
.L_overlay_start_0:
0x88: {  	s2 =	sld [smem:$0x3FD9]  }
0x89: {  	s3 =	sld [smem:$0x3FFE];
	_ =	sdelay $0x1  }
0x8a: {  	s1 =	srdreg.scid  }
0x8b: {  	s0 =	sand.u32 $0x1, s1  }
0x8c: {  	s16 =	sshll.u32 s0, $0xA;
	s2 =	sadd.s32 s3, s2  }
0x8d: {  	s2 =	sadd.s32 s2, s16  }
0x8e: {  	[smem:$0x3FBF] =	sst s2  }
0x8f: {  	_ = 	snop  }
0x90: {  	(tm) =	ssettm $0x1  }
0x91: {  	s17 =	sld [smem:$0x3FFB];
	_ =	sdelay $0x3  }
0x92: {  	_ =	strace s17  }
0x93: {  	s2 =	sld [smem:$0x3FFC];
	_ =	sdelay $0x3  }
0x94: {  	_ =	strace s2  }
0x95: {  	s2 =	sld [smem:$0x3FFD];
	_ =	sdelay $0x3  }
0x96: {  	_ =	strace s2  }
0x97: {  	_ =	strace $0x8FFFFFFF  }
0x98: {  	s18 =	sld [smem:$0x3FDB];
	_ =	sdelay $0x1  }
0x99: {  	s19 =	simm.s32 $_scs_section_size  }
0x9a: {  	s4 =	simm.s32 $_size__tile_overlayer_lowered;
	s5 =	simm.s32 $_tile_overlayer_lowered  }
0x9b: {  	s22 =	simm.s32 $0x1BFF;
	s21 =	sshll.u32 s5, $0x1;
	s2 =	sadd.s32 s19, s18  }
0x9c: {  	s6 =	simm.s32 $0x0;
	s20 =	sshll.u32 s4, $0x1;
	s4 =	sadd.s32 s21, s2  }
0x9d: {  	[timem:s6], [sflag:s22] =	dma.local [hbm:s4], s20  }
0x9e: {  	_ =	swait.ge [sflag:s22], s20  }
0x9f: {  	s3 =	ssub.s32 $0x0, s20;
	[sflag:s22] =	ssyncset.done $0x0  }
0xa0: {  	[sflag:s22] =	ssyncadd.s32 s3;
	_ =	sdelay $0x1  }
0xa1: {  	s23 =	simm.s32 $0x1B8B  }
0xa2: {  	_ =	swait.ge [sflag:s23], $0x1  }
0xa3: {  	[sflag:s23] =	ssyncset.done $0x0  }
0xa4: {  	s25 =	simm.s32 $0x1B8E;
	s24 =	sld [smem:$0x3FFE];
	[sflag:s23] =	ssyncadd.s32 $0xFFFFFFFF  }
0xa5: {  	s26 =	simm.s32 $execute0_lowered;
	[smem:$0x3FD2] =	sst s25  }
0xa6: {  	s4 =	sshll.u32 s26, $0x1;
	_ =	strace $0x8000004C;
	[dreg:$0x1] =	wrdreg $0xFFFFFFFF  }
0xa7: {  	s28 =	simm.s32 $_size_execute0_lowered;
	s2 =	sadd.s32 s2, s4;
	[dreg:$0x0] =	wrdreg $0x0  }
0xa8: {  	s4 =	sshll.u32 s28, $0x1;
	[dreg:$0x2] =	wrdreg s2  }
0xa9: {  	[dreg:$0x3] =	wrdreg s4  }
0xaa: {  	[dreg:$0x4] =	wrdreg $0xC0  }
0xab: {  	_ =	task [dreg:s6], $0x5FFFF  }
0xac: {  	[dreg:$0x1] =	wrdreg $0xFFFFFFFF  }
0xad: {  	[dreg:$0x0] =	wrdreg $0x60  }
0xae: {  	[dreg:$0x2] =	wrdreg s24  }
0xaf: {  	[dreg:$0x3] =	wrdreg $0xA8000  }
0xb0: {  	[dreg:$0x4] =	wrdreg $0x9  }
0xb1: {  	_ =	task.clear_ibuf [dreg:s6], $0x5FFFF;
	_ =	strace $0x9000004C  }
0xb2: {  	s29 =	simm.s32 $0x9;
	_ =	strace $0x8000004E  }
0xb3: {  	_ =	swait.ge [sflag:s29], $0x1  }
0xb4: {  	[sflag:s29] =	ssyncadd.s32 $0xFFFFFFFF  }
0xb5: {  	_ =	strace $0x9000004E  }
0xb6: {  	_ =	sfence  }
0xb7: {  	s30 =	sld [smem:$0x0];
	_ =	sdelay $0x2  }
0xb8: {  	s31 =	sshll.u32 s1, $0xD;
	s1 =	sshrl.u32 s1, $0x2  }
0xb9: {  	s3 =	sand.u32 $0x4000, s31;
	s1 =	sadd.s32 s1, s30  }
0xba: {  	s0 =	sor.u32 s3, s0;
	s1 =	sshll.u32 s1, $0x11  }
0xbb: {  	s0 =	sor.u32 s1, s0  }
0xbc: {  	s0 =	sadd.s32 $0x8F2B, s0  }
0xbd: {  	[sflag:s0] =	ssyncadd.remote.s32 $0x1  }
0xbe: {  	_ =	sfence.sel $0xFFFF  }
0xbf: {  	[dreg:$0x0] =	wrdreg $0xFFFFFFFF;
	(pc) =	sbr.abs _section_cstart, $3  }
0xc0: {  	[dreg:$0x1] =	wrdreg $0xFFFFFFFF  }
0xc1: {  	_ =	task.clear_ibuf [dreg:s6], $0x2FFFF;
	_ =	strace $0x9FFFFFFF  }
0xc2: {  	(tm) =	ssettm $0x7FFFFFFF  }
0xc3: {  	_ =	shalt  }
tec
execute0_lowered:
.L_overlay_start_1:
0x0: {  	(tag) =	ssettag $0x1  }
0x1: {  	s0 =	rddreg [dreg:$0x0]  }
0x2: {  	s2 =	rddreg [dreg:$0x1];
	s3 =	simm.s32 $0x0  }
0x3: {  	s12 =	stileid.u32;
	s6 =	srdreg.scid;
	s18 =	simm.s32 $0x2800  }
0x4: {  	s19 =	simm.s32 $0x3;
	s28 =	simm.s32 $0x80;
	s29 =	simm.s32 $0x2  }
0x5: {  	s30 =	simm.s32 $0x1380;
	s31 =	simm.s32 $0x13C0;
	[smem:$0x7FF] =	sst s3  }
0x6: {  	s1 =	smul.u32 $0x280, s12;
	s4 =	sadd.s32 $0x6F800, s0;
	s5 =	sadd.s32 $0x5B800, s0  }
0x7: {  	s8 =	sand.u32 $0x1, s6;
	s6 =	sadd.s32 $0x63000, s0;
	s9 =	smul.u32 $0x50000, s12  }
0x8: {  	s21 =	smul.u32 $0x14000, s12;
	p1 =	seq.s32 s12, $0xF;
	_ =	strace $0x8000004D  }
0x9: {  	s7 =	ssub.s32 $0x2, s8;
	s11 =	smul.u32 $0x138800, s8;
	p0 =	seq.s32 s8, $0x1  }
0xa: {  	s1 =	sadd.s32 s1, s0;
	s10 =	sshrl.u32 s7, $0x1;
	s20 =	sshrl.u32 s9, $0x2  }
0xb: {  	s0 =	sadd.s32 $0x96A00, s0;
	s13 =	ssub.s32 s7, s10;
	s7 =	sadd.s32 s20, s2  }
0xc: {  	s22 =	sadd.s32 $0x6D000, s1;
	s1 =	sadd.s32 $0x6A800, s1;
	s23 =	sadd.s32 s21, s11  }
0xd: {  	s24 =	sshrl.u32 s11, $0x3;
	s10 =	smul.u32 $0x3C00, s12;
	[dreg:$0x3] =	wrdreg s22  }
0xe: {  	s20 =	simm.s32 $0x1400;
	s21 =	simm.s32 $0x40;
	[dreg:$0x4] =	wrdreg s1  }
0xf: {  	s1 =	sshrl.u32 s23, $0x3;
	s8 =	sadd.s32 s0, s24;
	s26 =	smax.u32 s13, $0x1  }
0x10: {  	s14 =	sadd.s32 $0x4000, s7;
	s15 =	sadd.s32 $0x8000, s7;
	s16 =	sadd.s32 $0xC000, s7  }
.Ltmp0:
0x11: {  	s17 =	sadd.s32 $0x10000, s7;
	s22 =	simm.s32 $0x4800;
	(pc) =	sbr.rel .LBB2_1-.Ltmp0, $4  }
0x12: {  	s23 =	simm.s32 $0x1;
	s24 =	simm.s32 $0x6800;
	s0 =	sadd.s32 s0, s1  }
0x13: {  	s25 =	sadd.s32 $0x25800, s8;
	[dreg:$0x7] =	wrdreg s26;
	s26 =	simm.s32 $0x8800  }
0x14: {  	s8 =	simm.s32 $0x2780;
	[dreg:$0x5] =	wrdreg s0;
	s0 =	sadd.s32 $0x12C000, s2  }
0x15: {  	v0 =	vimm.f32 $0.0e+00;
	[dreg:$0x6] =	wrdreg s25;
	s25 =	sshrl.u32 @p1 s0, $0x3;
	s0 =	simm.s32 $0x2700  }
.LBB2_10:
0x16: {  	[bflag:$0x0] =	sbarrier.arrive $0xFFFF  }
0x17: {  	s1 =	simm.s32 @p1 $0x1FC3;
	s9 =	rddreg [dreg:$0x6]  }
0x18: {  	[hbm:s9], [sflag:s1] =	dma.local @p1 [spmem:s25], $0x1900  }
0x19: {  	s1 =	simm.s32 @p1 $0x3  }
0x1a: {  	s9 =	stileid.u32;
	_ =	swait.ge @p1 [sflag:s1], $0x1900  }
0x1b: {  	s9 =	sshll.u32 @!p1 s9, $0x6;
	[sflag:s1] =	ssyncset.done @p1 $0x0;
	s11 =	rddreg [dreg:$0x5]  }
0x1c: {  	[sflag:s1] =	ssyncadd.s32 @p1 $0xFFFFE700;
	s1 =	sor.u32 @!p1 $0x1C03, s9;
	s9 =	sshrl.u32 @!p1 s7, $0x3  }
0x1d: {  	[hbm:s11], [sflag:s1] =	dma.local @!p1 [spmem:s9], $0x2800  }
0x1e: {  	s1 =	simm.s32 @!p1 $0x3  }
0x1f: {  	_ =	swait.ge @!p1 [sflag:s1], $0x2800  }
0x20: {  	s3 =	sadd.s32 $0x1, s3;
	s13 =	rddreg [dreg:$0x7]  }
0x21: {  	p2 =	sne.s32 s3, s13  }
.Ltmp1:
0x22: {  	_ = 	snop;
	(pc) =	sbr.rel @!p2 .LBB2_11-.Ltmp1, $3  }
0x23: {  	_ =	sdelay $0x1  }
0x24: {  	[sflag:s1] =	ssyncset.done @!p1 $0x0  }
0x25: {  	[sflag:s1] =	ssyncadd.s32 @!p1 $0xFFFFD800  }
.LBB2_1:
0x26: {  	s1 =	simm.s32 $0x0;
	s9 =	simm.s32 $0x200  }
.LBB2_2:
0x27: {  	p2 =	sne.s32 s9, $0xFE00;
	[tilespmem:s1+$0x2870] =	vst v0  }
0x28: {  	[tilespmem:s1+$0x2800] =	vst v0  }
0x29: {  	[tilespmem:s1+$0x2810] =	vst v0  }
.Ltmp2:
0x2a: {  	[tilespmem:s1+$0x2820] =	vst v0;
	(pc) =	sbr.rel @p2 .LBB2_2-.Ltmp2, $4  }
0x2b: {  	[tilespmem:s1+$0x2830] =	vst v0  }
0x2c: {  	[tilespmem:s1+$0x2840] =	vst v0  }
0x2d: {  	[tilespmem:s1+$0x2850] =	vst v0  }
0x2e: {  	[tilespmem:s1+$0x2860] =	vst v0;
	s1 =	sshra.s32 s9, $0x2;
	s9 =	sadd.s32 $0x200, s9  }
0x2f: {  	[tilespmem:s1+$0x2870] =	vst v0  }
0x30: {  	[tilespmem:s1+$0x2800] =	vst v0  }
0x31: {  	[tilespmem:s1+$0x2810] =	vst v0  }
0x32: {  	[tilespmem:s1+$0x2820] =	vst v0  }
0x33: {  	[tilespmem:s1+$0x2830] =	vst v0  }
0x34: {  	[tilespmem:s1+$0x2840] =	vst v0  }
0x35: {  	[tilespmem:s1+$0x2850] =	vst v0  }
0x36: {  	[tilespmem:s1+$0x2860] =	vst v0  }
0x37: {  	[spmem:s7] =	stream.linear.scatter [tilespmem:s18], [sflag:$0x3], $0x4000, $0x38;
	[tilespmem:$0x1E800] =	vst v63  }
0x38: {  	_ =	swait.ge [sflag:s19], $0x4000  }
0x39: {  	[sflag:s19] =	ssyncset.done $0x0  }
0x3a: {  	[sflag:s19] =	ssyncadd.s32 $0xFFFFC000  }
0x3b: {  	[spmem:s14] =	stream.linear.scatter [tilespmem:s18], [sflag:$0x3], $0x4000, $0x38;
	[tilespmem:$0x1E800] =	vst v63  }
0x3c: {  	_ =	swait.ge [sflag:s19], $0x4000  }
0x3d: {  	[sflag:s19] =	ssyncset.done $0x0  }
0x3e: {  	[sflag:s19] =	ssyncadd.s32 $0xFFFFC000  }
0x3f: {  	[spmem:s15] =	stream.linear.scatter [tilespmem:s18], [sflag:$0x3], $0x4000, $0x38;
	[tilespmem:$0x1E800] =	vst v63  }
0x40: {  	_ =	swait.ge [sflag:s19], $0x4000  }
0x41: {  	[sflag:s19] =	ssyncset.done $0x0  }
0x42: {  	[sflag:s19] =	ssyncadd.s32 $0xFFFFC000  }
0x43: {  	[spmem:s16] =	stream.linear.scatter [tilespmem:s18], [sflag:$0x3], $0x4000, $0x38;
	[tilespmem:$0x1E800] =	vst v63  }
0x44: {  	_ =	swait.ge [sflag:s19], $0x4000  }
0x45: {  	[sflag:s19] =	ssyncset.done $0x0  }
0x46: {  	[sflag:s19] =	ssyncadd.s32 $0xFFFFC000  }
0x47: {  	[spmem:s17] =	stream.linear.scatter [tilespmem:s18], [sflag:$0x3], $0x4000, $0x38;
	[tilespmem:$0x1E800] =	vst v63  }
.Ltmp3:
0x48: {  	_ =	swait.ge [sflag:s19], $0x4000;
	(pc) =	sbr.rel @!p0 .LBB2_4-.Ltmp3, $4  }
0x49: {  	[sflag:s19] =	ssyncset.done $0x0  }
0x4a: {  	[sflag:s19] =	ssyncadd.s32 $0xFFFFC000  }
0x4b: {  	[bflag:$0x0] =	sbarrier.arrive $0xFFFF  }
0x4c: {  	s9 =	simm.s32 $0x0;
	s1 =	simm.s32 $0x0  }
.LBB2_7:
0x4d: {  	s11 =	smul.u32 $0x1400, s1;
	_ =	sdelay $0x1  }
0x4e: {  	s11 =	sadd.s32 s10, s11  }
0x4f: {  	s11 =	sshrl.u32 s11, $0x3  }
0x50: {  	s12 =	sadd.s32 s5, s11  }
0x51: {  	[tilespmem:s9], [sflag:$0x3] =	stream.linear.gather [hbm4b:s12+s9], $0x1400, $0x38;
	[tilespmem:$0x1E800] =	vst v63  }
0x52: {  	_ =	swait.ge [sflag:s19], $0x1400  }
0x53: {  	[sflag:s19] =	ssyncset.done $0x0  }
0x54: {  	s11 =	sadd.s32 s6, s11;
	[sflag:s19] =	ssyncadd.s32 $0xFFFFEC00  }
0x55: {  	[tilespmem:s20], [sflag:$0x3] =	stream.linear.gather [hbm4b:s11+s9], $0x1400, $0x38;
	[tilespmem:$0x1E800] =	vst v63  }
0x56: {  	_ =	swait.ge [sflag:s19], $0x1400  }
0x57: {  	[sflag:s19] =	ssyncset.done $0x0  }
0x58: {  	[sflag:s19] =	ssyncadd.s32 $0xFFFFEC00  }
0x59: {  	[tilespmem:s18], [sflag:$0x1] =	stream.indirect.gather [hbm4b:s4+s21], $0x80, s9, s21, $0xb8;
	[tilespmem:$0x1E800] =	vst v63  }
0x5a: {  	_ = 	snop  }
0x5b: {  	[tilespmem:s22], [sflag:$0x1] =	stream.indirect.gather [hbm4b:s4+s21], $0x80, s21, s21, $0xb8;
	[tilespmem:$0x1E800] =	vst v63  }
0x5c: {  	_ =	swait.ge [sflag:s23], $0x2000  }
0x5d: {  	[sflag:s23] =	ssyncset.done $0x0  }
0x5e: {  	[sflag:s23] =	ssyncadd.s32 $0xFFFFE000  }
0x5f: {  	_ =	swait.ge [sflag:s23], $0x2000  }
0x60: {  	[sflag:s23] =	ssyncset.done $0x0  }
0x61: {  	s12 =	simm.s32 $0x80;
	[sflag:s23] =	ssyncadd.s32 $0xFFFFE000  }
0x62: {  	[tilespmem:s24], [sflag:$0x2] =	stream.indirect.gather [hbm4b:s4+s21], $0x80, s12, s21, $0xb8;
	[tilespmem:$0x1E800] =	vst v63  }
0x63: {  	s13 =	simm.s32 $0xC0  }
0x64: {  	[tilespmem:s26], [sflag:$0x2] =	stream.indirect.gather [hbm4b:s4+s21], $0x80, s13, s21, $0xb8;
	[tilespmem:$0x1E800] =	vst v63  }
0x65: {  	s12 =	simm.s32 $0x1400  }
0x66: {  	[spmem:s2] =	stream.indirect.scatter.add.f32 [tilespmem:s18], [sflag:$0x3], $0x80, s12, s28, $0xb8;
	[tilespmem:$0x1E800] =	vst v63  }
0x67: {  	_ =	swait.ge [sflag:s19], $0x4000  }
0x68: {  	[sflag:s19] =	ssyncset.done $0x0  }
0x69: {  	[sflag:s19] =	ssyncadd.s32 $0xFFFFC000  }
0x6a: {  	_ =	swait.ge [sflag:s29], $0x2000  }
0x6b: {  	[sflag:s29] =	ssyncset.done $0x0  }
0x6c: {  	[sflag:s29] =	ssyncadd.s32 $0xFFFFE000  }
0x6d: {  	_ =	swait.ge [sflag:s29], $0x2000  }
0x6e: {  	[sflag:s29] =	ssyncset.done $0x0  }
0x6f: {  	s13 =	simm.s32 $0x100;
	[sflag:s29] =	ssyncadd.s32 $0xFFFFE000  }
0x70: {  	[tilespmem:s18], [sflag:$0x1] =	stream.indirect.gather [hbm4b:s4+s21], $0x80, s13, s21, $0xb8;
	[tilespmem:$0x1E800] =	vst v63  }
0x71: {  	s12 =	simm.s32 $0x140  }
0x72: {  	[tilespmem:s22], [sflag:$0x1] =	stream.indirect.gather [hbm4b:s4+s21], $0x80, s12, s21, $0xb8;
	[tilespmem:$0x1E800] =	vst v63  }
0x73: {  	s13 =	simm.s32 $0x1480  }
0x74: {  	[spmem:s2] =	stream.indirect.scatter.add.f32 [tilespmem:s24], [sflag:$0x3], $0x80, s13, s28, $0xb8;
	[tilespmem:$0x1E800] =	vst v63  }
0x75: {  	_ =	swait.ge [sflag:s19], $0x4000  }
0x76: {  	s11 =	simm.s32 $0x400;
	[sflag:s19] =	ssyncset.done $0x0  }
.LBB2_8:
0x77: {  	p2 =	sne.s32 s11, $0x4800  }
0x78: {  	[sflag:s19] =	ssyncadd.s32 $0xFFFFC000;
	s12 =	smov.u32 s11;
	s11 =	sadd.s32 $0x400, s11  }
0x79: {  	_ = 	snop  }
0x7a: {  	_ =	swait.ge [sflag:s23], $0x2000  }
0x7b: {  	[sflag:s23] =	ssyncset.done $0x0  }
0x7c: {  	[sflag:s23] =	ssyncadd.s32 $0xFFFFE000  }
0x7d: {  	_ =	swait.ge [sflag:s23], $0x2000  }
0x7e: {  	s12 =	sshra.s32 s12, $0x2;
	[sflag:s23] =	ssyncset.done $0x0  }
0x7f: {  	s13 =	sadd.s32 $0x80, s12;
	[sflag:s23] =	ssyncadd.s32 $0xFFFFE000  }
0x80: {  	[tilespmem:s24], [sflag:$0x2] =	stream.indirect.gather [hbm4b:s4+s21], $0x80, s13, s21, $0xb8;
	[tilespmem:$0x1E800] =	vst v63  }
0x81: {  	s13 =	sadd.s32 $0xC0, s12  }
0x82: {  	[tilespmem:s26], [sflag:$0x2] =	stream.indirect.gather [hbm4b:s4+s21], $0x80, s13, s21, $0xb8;
	[tilespmem:$0x1E800] =	vst v63  }
0x83: {  	s13 =	sadd.s32 $0x1400, s12  }
0x84: {  	[spmem:s2] =	stream.indirect.scatter.add.f32 [tilespmem:s18], [sflag:$0x3], $0x80, s13, s28, $0xb8;
	[tilespmem:$0x1E800] =	vst v63  }
0x85: {  	_ =	swait.ge [sflag:s19], $0x4000  }
0x86: {  	[sflag:s19] =	ssyncset.done $0x0  }
0x87: {  	[sflag:s19] =	ssyncadd.s32 $0xFFFFC000  }
0x88: {  	_ =	swait.ge [sflag:s29], $0x2000  }
0x89: {  	[sflag:s29] =	ssyncset.done $0x0  }
0x8a: {  	[sflag:s29] =	ssyncadd.s32 $0xFFFFE000  }
0x8b: {  	_ =	swait.ge [sflag:s29], $0x2000  }
0x8c: {  	[sflag:s29] =	ssyncset.done $0x0  }
0x8d: {  	s13 =	sadd.s32 $0x100, s12;
	[sflag:s29] =	ssyncadd.s32 $0xFFFFE000  }
0x8e: {  	[tilespmem:s18], [sflag:$0x1] =	stream.indirect.gather [hbm4b:s4+s21], $0x80, s13, s21, $0xb8;
	[tilespmem:$0x1E800] =	vst v63  }
0x8f: {  	s13 =	sadd.s32 $0x140, s12  }
0x90: {  	[tilespmem:s22], [sflag:$0x1] =	stream.indirect.gather [hbm4b:s4+s21], $0x80, s13, s21, $0xb8;
	[tilespmem:$0x1E800] =	vst v63  }
.Ltmp4:
0x91: {  	_ = 	snop;
	(pc) =	sbr.rel @p2 .LBB2_8-.Ltmp4, $4  }
0x92: {  	s12 =	sadd.s32 $0x1480, s12  }
0x93: {  	[spmem:s2] =	stream.indirect.scatter.add.f32 [tilespmem:s24], [sflag:$0x3], $0x80, s12, s28, $0xb8;
	[tilespmem:$0x1E800] =	vst v63  }
0x94: {  	_ =	swait.ge [sflag:s19], $0x4000  }
0x95: {  	[sflag:s19] =	ssyncset.done $0x0  }
0x96: {  	[sflag:s19] =	ssyncadd.s32 $0xFFFFC000  }
0x97: {  	_ =	swait.ge [sflag:s23], $0x2000  }
0x98: {  	[sflag:s23] =	ssyncset.done $0x0  }
0x99: {  	[sflag:s23] =	ssyncadd.s32 $0xFFFFE000  }
0x9a: {  	_ =	swait.ge [sflag:s23], $0x2000  }
0x9b: {  	[sflag:s23] =	ssyncset.done $0x0  }
0x9c: {  	[sflag:s23] =	ssyncadd.s32 $0xFFFFE000  }
0x9d: {  	[tilespmem:s24], [sflag:$0x2] =	stream.indirect.gather [hbm4b:s4+s21], $0x80, s30, s21, $0xb8;
	[tilespmem:$0x1E800] =	vst v63  }
0x9e: {  	_ = 	snop  }
0x9f: {  	[tilespmem:s26], [sflag:$0x2] =	stream.indirect.gather [hbm4b:s4+s21], $0x80, s31, s21, $0xb8;
	[tilespmem:$0x1E800] =	vst v63  }
0xa0: {  	_ = 	snop  }
0xa1: {  	[spmem:s2] =	stream.indirect.scatter.add.f32 [tilespmem:s18], [sflag:$0x3], $0x80, s0, s28, $0xb8;
	[tilespmem:$0x1E800] =	vst v63  }
0xa2: {  	_ =	swait.ge [sflag:s19], $0x4000  }
0xa3: {  	[sflag:s19] =	ssyncset.done $0x0  }
0xa4: {  	[sflag:s19] =	ssyncadd.s32 $0xFFFFC000  }
0xa5: {  	_ =	swait.ge [sflag:s29], $0x2000  }
0xa6: {  	[sflag:s29] =	ssyncset.done $0x0  }
0xa7: {  	[sflag:s29] =	ssyncadd.s32 $0xFFFFE000  }
0xa8: {  	_ =	swait.ge [sflag:s29], $0x2000  }
0xa9: {  	s1 =	sadd.s32 $0x1, s1;
	[sflag:s29] =	ssyncset.done $0x0  }
0xaa: {  	p2 =	seq.s32 s1, $0x3;
	[sflag:s29] =	ssyncadd.s32 $0xFFFFE000  }
0xab: {  	[spmem:s2] =	stream.indirect.scatter.add.f32 [tilespmem:s24], [sflag:$0x3], $0x80, s8, s28, $0xb8;
	[tilespmem:$0x1E800] =	vst v63  }
.Ltmp5:
0xac: {  	_ = 	snop;
	(pc) =	sbr.rel @!p2 .LBB2_7-.Ltmp5, $4  }
.Ltmp6:
0xad: {  	_ = 	snop;
	(pc) =	sbr.rel @p2 .LBB2_10-.Ltmp6, $4  }
0xae: {  	_ =	swait.ge [sflag:s19], $0x4000  }
0xaf: {  	[sflag:s19] =	ssyncset.done $0x0  }
0xb0: {  	[sflag:s19] =	ssyncadd.s32 $0xFFFFC000  }
0xb1: {  	_ = 	snop  }
.LBB2_4:
0xb2: {  	s1 =	simm.s32 $0x0;
	s9 =	rddreg [dreg:$0x3]  }
0xb3: {  	[tilespmem:s1], [sflag:$0x3] =	stream.linear.gather [hbm4b:s9+s1], $0x1400, $0x38;
	[tilespmem:$0x1E800] =	vst v63  }
0xb4: {  	_ =	swait.ge [sflag:s19], $0x1400  }
0xb5: {  	[sflag:s19] =	ssyncset.done $0x0  }
0xb6: {  	s11 =	rddreg [dreg:$0x4];
	[sflag:s19] =	ssyncadd.s32 $0xFFFFEC00  }
0xb7: {  	[tilespmem:s20], [sflag:$0x3] =	stream.linear.gather [hbm4b:s11+s1], $0x1400, $0x38;
	[tilespmem:$0x1E800] =	vst v63  }
0xb8: {  	_ =	swait.ge [sflag:s19], $0x1400  }
0xb9: {  	[sflag:s19] =	ssyncset.done $0x0  }
0xba: {  	[sflag:s19] =	ssyncadd.s32 $0xFFFFEC00  }
0xbb: {  	[tilespmem:s18], [sflag:$0x1] =	stream.indirect.gather [hbm4b:s4+s21], $0x80, s1, s21, $0xb8;
	[tilespmem:$0x1E800] =	vst v63  }
0xbc: {  	_ = 	snop  }
0xbd: {  	[tilespmem:s22], [sflag:$0x1] =	stream.indirect.gather [hbm4b:s4+s21], $0x80, s21, s21, $0xb8;
	[tilespmem:$0x1E800] =	vst v63  }
0xbe: {  	_ =	swait.ge [sflag:s23], $0x2000  }
0xbf: {  	[sflag:s23] =	ssyncset.done $0x0  }
0xc0: {  	[sflag:s23] =	ssyncadd.s32 $0xFFFFE000  }
0xc1: {  	_ =	swait.ge [sflag:s23], $0x2000  }
0xc2: {  	[sflag:s23] =	ssyncset.done $0x0  }
0xc3: {  	s12 =	simm.s32 $0x80;
	[sflag:s23] =	ssyncadd.s32 $0xFFFFE000  }
0xc4: {  	[tilespmem:s24], [sflag:$0x2] =	stream.indirect.gather [hbm4b:s4+s21], $0x80, s12, s21, $0xb8;
	[tilespmem:$0x1E800] =	vst v63  }
0xc5: {  	s13 =	simm.s32 $0xC0  }
0xc6: {  	[tilespmem:s26], [sflag:$0x2] =	stream.indirect.gather [hbm4b:s4+s21], $0x80, s13, s21, $0xb8;
	[tilespmem:$0x1E800] =	vst v63  }
0xc7: {  	s9 =	simm.s32 $0x1400  }
0xc8: {  	[spmem:s2] =	stream.indirect.scatter.add.f32 [tilespmem:s18], [sflag:$0x3], $0x80, s9, s28, $0xb8;
	[tilespmem:$0x1E800] =	vst v63  }
0xc9: {  	_ =	swait.ge [sflag:s19], $0x4000  }
0xca: {  	[sflag:s19] =	ssyncset.done $0x0  }
0xcb: {  	[sflag:s19] =	ssyncadd.s32 $0xFFFFC000  }
0xcc: {  	_ =	swait.ge [sflag:s29], $0x2000  }
0xcd: {  	[sflag:s29] =	ssyncset.done $0x0  }
0xce: {  	[sflag:s29] =	ssyncadd.s32 $0xFFFFE000  }
0xcf: {  	_ =	swait.ge [sflag:s29], $0x2000  }
0xd0: {  	[sflag:s29] =	ssyncset.done $0x0  }
0xd1: {  	s11 =	simm.s32 $0x100;
	[sflag:s29] =	ssyncadd.s32 $0xFFFFE000  }
0xd2: {  	[tilespmem:s18], [sflag:$0x1] =	stream.indirect.gather [hbm4b:s4+s21], $0x80, s11, s21, $0xb8;
	[tilespmem:$0x1E800] =	vst v63  }
0xd3: {  	s12 =	simm.s32 $0x140  }
0xd4: {  	[tilespmem:s22], [sflag:$0x1] =	stream.indirect.gather [hbm4b:s4+s21], $0x80, s12, s21, $0xb8;
	[tilespmem:$0x1E800] =	vst v63  }
0xd5: {  	s13 =	simm.s32 $0x1480  }
0xd6: {  	[spmem:s2] =	stream.indirect.scatter.add.f32 [tilespmem:s24], [sflag:$0x3], $0x80, s13, s28, $0xb8;
	[tilespmem:$0x1E800] =	vst v63  }
0xd7: {  	_ =	swait.ge [sflag:s19], $0x4000  }
0xd8: {  	s1 =	simm.s32 $0x400;
	[sflag:s19] =	ssyncset.done $0x0  }
.LBB2_5:
0xd9: {  	p2 =	seq.s32 s1, $0x4800  }
0xda: {  	[sflag:s19] =	ssyncadd.s32 $0xFFFFC000;
	s9 =	smov.u32 s1;
	s1 =	sadd.s32 $0x400, s1  }
0xdb: {  	_ = 	snop  }
0xdc: {  	_ =	swait.ge [sflag:s23], $0x2000  }
0xdd: {  	[sflag:s23] =	ssyncset.done $0x0  }
0xde: {  	[sflag:s23] =	ssyncadd.s32 $0xFFFFE000  }
0xdf: {  	_ =	swait.ge [sflag:s23], $0x2000  }
0xe0: {  	s9 =	sshra.s32 s9, $0x2;
	[sflag:s23] =	ssyncset.done $0x0  }
0xe1: {  	s11 =	sadd.s32 $0x80, s9;
	[sflag:s23] =	ssyncadd.s32 $0xFFFFE000  }
0xe2: {  	[tilespmem:s24], [sflag:$0x2] =	stream.indirect.gather [hbm4b:s4+s21], $0x80, s11, s21, $0xb8;
	[tilespmem:$0x1E800] =	vst v63  }
0xe3: {  	s11 =	sadd.s32 $0xC0, s9  }
0xe4: {  	[tilespmem:s26], [sflag:$0x2] =	stream.indirect.gather [hbm4b:s4+s21], $0x80, s11, s21, $0xb8;
	[tilespmem:$0x1E800] =	vst v63  }
0xe5: {  	s11 =	sadd.s32 $0x1400, s9  }
0xe6: {  	[spmem:s2] =	stream.indirect.scatter.add.f32 [tilespmem:s18], [sflag:$0x3], $0x80, s11, s28, $0xb8;
	[tilespmem:$0x1E800] =	vst v63  }
0xe7: {  	_ =	swait.ge [sflag:s19], $0x4000  }
0xe8: {  	[sflag:s19] =	ssyncset.done $0x0  }
0xe9: {  	[sflag:s19] =	ssyncadd.s32 $0xFFFFC000  }
0xea: {  	_ =	swait.ge [sflag:s29], $0x2000  }
0xeb: {  	[sflag:s29] =	ssyncset.done $0x0  }
0xec: {  	[sflag:s29] =	ssyncadd.s32 $0xFFFFE000  }
0xed: {  	_ =	swait.ge [sflag:s29], $0x2000  }
0xee: {  	[sflag:s29] =	ssyncset.done $0x0  }
0xef: {  	s11 =	sadd.s32 $0x100, s9;
	[sflag:s29] =	ssyncadd.s32 $0xFFFFE000  }
0xf0: {  	[tilespmem:s18], [sflag:$0x1] =	stream.indirect.gather [hbm4b:s4+s21], $0x80, s11, s21, $0xb8;
	[tilespmem:$0x1E800] =	vst v63  }
0xf1: {  	s11 =	sadd.s32 $0x140, s9  }
0xf2: {  	[tilespmem:s22], [sflag:$0x1] =	stream.indirect.gather [hbm4b:s4+s21], $0x80, s11, s21, $0xb8;
	[tilespmem:$0x1E800] =	vst v63  }
.Ltmp7:
0xf3: {  	_ = 	snop;
	(pc) =	sbr.rel @!p2 .LBB2_5-.Ltmp7, $4  }
0xf4: {  	s9 =	sadd.s32 $0x1480, s9  }
0xf5: {  	[spmem:s2] =	stream.indirect.scatter.add.f32 [tilespmem:s24], [sflag:$0x3], $0x80, s9, s28, $0xb8;
	[tilespmem:$0x1E800] =	vst v63  }
0xf6: {  	_ =	swait.ge [sflag:s19], $0x4000  }
0xf7: {  	[sflag:s19] =	ssyncset.done $0x0  }
0xf8: {  	[sflag:s19] =	ssyncadd.s32 $0xFFFFC000  }
0xf9: {  	_ =	swait.ge [sflag:s23], $0x2000  }
0xfa: {  	[sflag:s23] =	ssyncset.done $0x0  }
0xfb: {  	[sflag:s23] =	ssyncadd.s32 $0xFFFFE000  }
0xfc: {  	_ =	swait.ge [sflag:s23], $0x2000  }
0xfd: {  	[sflag:s23] =	ssyncset.done $0x0  }
0xfe: {  	[sflag:s23] =	ssyncadd.s32 $0xFFFFE000  }
0xff: {  	[tilespmem:s24], [sflag:$0x2] =	stream.indirect.gather [hbm4b:s4+s21], $0x80, s30, s21, $0xb8;
	[tilespmem:$0x1E800] =	vst v63  }
0x100: {  	_ = 	snop  }
0x101: {  	[tilespmem:s26], [sflag:$0x2] =	stream.indirect.gather [hbm4b:s4+s21], $0x80, s31, s21, $0xb8;
	[tilespmem:$0x1E800] =	vst v63  }
0x102: {  	_ = 	snop  }
0x103: {  	[spmem:s2] =	stream.indirect.scatter.add.f32 [tilespmem:s18], [sflag:$0x3], $0x80, s0, s28, $0xb8;
	[tilespmem:$0x1E800] =	vst v63  }
0x104: {  	_ =	swait.ge [sflag:s19], $0x4000  }
0x105: {  	[sflag:s19] =	ssyncset.done $0x0  }
0x106: {  	[sflag:s19] =	ssyncadd.s32 $0xFFFFC000  }
0x107: {  	_ =	swait.ge [sflag:s29], $0x2000  }
0x108: {  	[sflag:s29] =	ssyncset.done $0x0  }
0x109: {  	[sflag:s29] =	ssyncadd.s32 $0xFFFFE000  }
0x10a: {  	_ =	swait.ge [sflag:s29], $0x2000  }
0x10b: {  	[sflag:s29] =	ssyncset.done $0x0  }
.Ltmp8:
0x10c: {  	[sflag:s29] =	ssyncadd.s32 $0xFFFFE000;
	(pc) =	sbr.rel .LBB2_10-.Ltmp8, $4  }
0x10d: {  	[spmem:s2] =	stream.indirect.scatter.add.f32 [tilespmem:s24], [sflag:$0x3], $0x80, s8, s28, $0xb8;
	[tilespmem:$0x1E800] =	vst v63  }
0x10e: {  	_ =	swait.ge [sflag:s19], $0x4000  }
0x10f: {  	[sflag:s19] =	ssyncset.done $0x0  }
0x110: {  	[sflag:s19] =	ssyncadd.s32 $0xFFFFC000  }
.LBB2_11:
0x111: {  	_ =	sfence.sel $0x180000  }
0x112: {  	[bflag:$0x0] =	sbarrier.arrive $0xFFFF  }
0x113: {  	_ =	strace $0x9000004D  }
0x114: {  	s0 =	stileid.u32;
	[bflag:$0x2] =	sbarrier.arrive $0xFFFF  }
0x115: {  	p0 =	sne.s32 s0, $0x0;
	s0 =	rddreg [dreg:$0x2]  }
0x116: {  	s0 =	sadd.s32 @!p0 $0x100000, s0  }
0x117: {  	[sflag:s0] =	ssyncadd.tile.s32 @!p0 $0x1;
	_ =	shalt  }
.Lfunc_end2:
_tile_overlayer_lowered:
.L_overlay_start_2:
0x118: {  	(tag) =	ssettag $0x2  }
0x119: {  	s0 =	rddreg [dreg:$0x0];
	s2 =	stileid.u32  }
0x11a: {  	s1 =	rddreg [dreg:$0x1];
	p0 =	sne.s32 s2, $0x0  }
0x11b: {  	s3 =	rddreg [dreg:$0x2];
	[bflag:$0x3] =	sbarrier.arrive $0xFFFF;
	s2 =	simm.s32 @!p0 $0x1C03  }
0x11c: {  	[timem:s3], [sflag:s2] =	dma.local @!p0 [hbm:s0], s1  }
0x11d: {  	s0 =	simm.s32 @!p0 $0x3  }
0x11e: {  	_ =	swait.ge @!p0 [sflag:s0], s1  }
0x11f: {  	s1 =	ssub.s32 @!p0 $0x0, s1;
	[sflag:s0] =	ssyncset.done @!p0 $0x0  }
0x120: {  	[sflag:s0] =	ssyncadd.s32 @!p0 s1  }
0x121: {  	[bflag:$0x3] =	sbarrier.arrive $0xFFFF  }
0x122: {  	_ =	shalt  }

// kernel: kernel.9.cloned.1.call-start
scs
__scs_entry_jumppad:
0x0: {  	(pc) =	sbr.rel $0x88, $3  }
0x1: {  	(tag) =	ssettag $0x0;
	lr =	simm.s32 $0x1  }
0x2: {  	[smem:$0x3F98] =	sst lr;
	_ =	strace $0xD0000000  }
0x3: {  	_ = 	snop  }
0x4: {  	_ = 	snop  }
0x5: {  	_ = 	snop  }
0x6: {  	_ = 	snop  }
0x7: {  	_ = 	snop  }
__scs_overlays_trampoline_lowered:
0x8: {  	[smem:$0x3FA7] =	sst s0  }
0x9: {  	[smem:$0x3FA8] =	sst s1  }
0xa: {  	[smem:$0x3FA9] =	sst s2  }
0xb: {  	[smem:$0x3FAA] =	sst s3  }
0xc: {  	[smem:$0x3FAB] =	sst s4  }
0xd: {  	[smem:$0x3FAC] =	sst s5  }
0xe: {  	[smem:$0x3FAD] =	sst s6  }
0xf: {  	[smem:$0x3FAE] =	sst s7  }
0x10: {  	[smem:$0x3FAF] =	sst s8  }
0x11: {  	[smem:$0x3FB0] =	sst s9;
	s0 =	simm.s32 @!p0 $0x0  }
0x12: {  	s1 =	sld [smem:$0x3F96];
	s0 =	simm.s32 @p0 $0x1  }
0x13: {  	[smem:$0x3FB1] =	sst s0;
	s0 =	simm.s32 @!p1 $0x0  }
0x14: {  	s2 =	sld [smem:$0x3F95];
	s0 =	simm.s32 @p1 $0x1  }
0x15: {  	[smem:$0x3FB2] =	sst s0;
	s0 =	simm.s32 @!p2 $0x0  }
0x16: {  	s3 =	sld [smem:$0x3FDB];
	s0 =	simm.s32 @p2 $0x1  }
0x17: {  	s4 =	simm.s32 $0x1BF5;
	[smem:$0x3FB4] =	sst s0  }
0x18: {  	s0 =	sld [smem:$0x3F97];
	_ =	swait.ge [sflag:s4], $0x0  }
0x19: {  	s7 =	sld [smem:$0x3F98]  }
0x1a: {  	s8 =	sadd.s32 $0xFFFFE003, lr  }
0x1b: {  	s9 =	sadd.s32 $0xFFFFFEF7, lr;
	s5 =	simm.s32 $0xFFFFFFFF;
	p2 =	slt.u32 s8, $0xFFFFF086  }
0x1c: {  	p1 =	slt.u32 s9, $0xF7A;
	s5 =	simm.s32 @!p2 $0x0  }
0x1d: {  	s5 =	simm.s32 @p1 $0x1;
	p0 =	seq.s32 s7, s2  }
0x1e: {  	s7 =	smul.u32 @!p0 $0xF7A, s2;
	p2 =	seq.s32 @!p0 s5, $0x0  }
0x1f: {  	s9 =	smul.u32 $0xF7A, s1;
	s8 =	simm.s32 @!p0 $0x1BF5;
	p2 =	por !p2, p0  }
0x20: {  	[sflag:s8] =	ssyncset.s32 @!p0 $0xFFFFF086;
	s6 =	sadd.s32 @!p0 s3, s7;
	s7 =	simm.s32 @!p0 $0x108  }
0x21: {  	s3 =	sadd.s32 s3, s9;
	s6 =	sadd.s32 @!p0 $0x88, s6;
	s7 =	simm.s32 @p2 $0x1082  }
0x22: {  	[simem:s7], [sflag:s8] =	dma.local @!p0 [hbm:s6], $0xF7A  }
0x23: {  	s9 =	sor.u32 $0xD0000000, s2;
	s6 =	simm.s32 $0x108;
	_ =	swait.ge @!p0 [sflag:s8], $0x0  }
0x24: {  	s3 =	sadd.s32 $0x88, s3;
	s6 =	simm.s32 @!p1 $0x1082;
	[sflag:s4] =	ssyncset.s32 $0xFFFFF086  }
0x25: {  	[simem:s6], [sflag:s4] =	dma.local [hbm:s3], $0xF7A  }
0x26: {  	[smem:$0x3F98] =	sst s1;
	(tag) =	ssettag s2;
	_ =	strace s9  }
0x27: {  	s1 =	sld [smem:$0x3FA8]  }
0x28: {  	s2 =	sld [smem:$0x3FA9]  }
0x29: {  	s4 =	sld [smem:$0x3FAB]  }
0x2a: {  	p0 =	seq.s32 s5, $0x0;
	s5 =	sld [smem:$0x3FAC]  }
0x2b: {  	s6 =	sld [smem:$0x3FAD]  }
0x2c: {  	s7 =	sld [smem:$0x3FAE]  }
0x2d: {  	s3 =	simm.s32 $0x108;
	s8 =	sld [smem:$0x3FAF]  }
0x2e: {  	s3 =	simm.s32 @!p0 $0x1082;
	s9 =	sld [smem:$0x3FB0]  }
0x2f: {  	lr =	sadd.s32 s0, s3;
	s0 =	sld [smem:$0x3FA7]  }
0x30: {  	s3 =	sld [smem:$0x3FAA]  }
0x31: {  	[smem:$0x3FB3] =	sst s10  }
0x32: {  	s10 =	sld [smem:$0x3FB1];
	_ =	sdelay $0x3  }
0x33: {  	p0 =	seq.s32 s10, $0x1;
	s10 =	sld [smem:$0x3FB3];
	_ =	sdelay $0x3  }
0x34: {  	[smem:$0x3FB3] =	sst s10  }
0x35: {  	s10 =	sld [smem:$0x3FB2];
	_ =	sdelay $0x3  }
0x36: {  	p1 =	seq.s32 s10, $0x1;
	s10 =	sld [smem:$0x3FB3];
	_ =	sdelay $0x3  }
0x37: {  	[smem:$0x3FB3] =	sst s10  }
0x38: {  	s10 =	sld [smem:$0x3FB4]  }
0x39: {  	_ = 	snop;
	(pc) =	sbr.ind lr, $3  }
0x3a: {  	_ = 	snop  }
0x3b: {  	_ = 	snop  }
0x3c: {  	p2 =	seq.s32 s10, $0x1;
	s10 =	sld [smem:$0x3FB3]  }
0x3d: {  	_ =	shalt  }
0x3e: {  	_ =	shalt  }
0x3f: {  	_ =	shalt  }
0x40: {  	_ =	shalt  }
0x41: {  	_ =	shalt  }
0x42: {  	_ =	shalt  }
0x43: {  	_ =	shalt  }
0x44: {  	_ =	shalt  }
0x45: {  	_ =	shalt  }
0x46: {  	_ =	shalt  }
0x47: {  	_ =	shalt  }
0x48: {  	_ =	shalt  }
0x49: {  	_ =	shalt  }
0x4a: {  	_ =	shalt  }
0x4b: {  	_ =	shalt  }
0x4c: {  	_ =	shalt  }
0x4d: {  	_ =	shalt  }
0x4e: {  	_ =	shalt  }
0x4f: {  	_ =	shalt  }
0x50: {  	_ =	shalt  }
0x51: {  	_ =	shalt  }
0x52: {  	_ =	shalt  }
0x53: {  	_ =	shalt  }
0x54: {  	_ =	shalt  }
0x55: {  	_ =	shalt  }
0x56: {  	_ =	shalt  }
0x57: {  	_ =	shalt  }
0x58: {  	_ =	shalt  }
0x59: {  	_ =	shalt  }
0x5a: {  	_ =	shalt  }
0x5b: {  	_ =	shalt  }
0x5c: {  	_ =	shalt  }
0x5d: {  	_ =	shalt  }
0x5e: {  	_ =	shalt  }
0x5f: {  	_ =	shalt  }
0x60: {  	_ =	shalt  }
0x61: {  	_ =	shalt  }
0x62: {  	_ =	shalt  }
0x63: {  	_ =	shalt  }
0x64: {  	_ =	shalt  }
0x65: {  	_ =	shalt  }
0x66: {  	_ =	shalt  }
0x67: {  	_ =	shalt  }
0x68: {  	_ =	shalt  }
0x69: {  	_ =	shalt  }
0x6a: {  	_ =	shalt  }
0x6b: {  	_ =	shalt  }
0x6c: {  	_ =	shalt  }
0x6d: {  	_ =	shalt  }
0x6e: {  	_ =	shalt  }
0x6f: {  	_ =	shalt  }
0x70: {  	_ =	shalt  }
0x71: {  	_ =	shalt  }
0x72: {  	_ =	shalt  }
0x73: {  	_ =	shalt  }
0x74: {  	_ =	shalt  }
0x75: {  	_ =	shalt  }
0x76: {  	_ =	shalt  }
0x77: {  	_ =	shalt  }
0x78: {  	_ =	shalt  }
0x79: {  	_ =	shalt  }
0x7a: {  	_ =	shalt  }
0x7b: {  	_ =	shalt  }
0x7c: {  	_ =	shalt  }
0x7d: {  	_ =	shalt  }
0x7e: {  	_ =	shalt  }
0x7f: {  	_ =	shalt  }
0x80: {  	_ =	shalt  }
0x81: {  	_ =	shalt  }
0x82: {  	_ =	shalt  }
0x83: {  	_ =	shalt  }
0x84: {  	_ =	shalt  }
0x85: {  	_ =	shalt  }
0x86: {  	_ =	shalt  }
0x87: {  	_ =	shalt  }
.Lfunc_end0:
.L_simem_size_0:
called_computation_lowered:
.L_overlay_start_0:
0x88: {  	s2 =	sld [smem:$0x3FD9]  }
0x89: {  	s3 =	sld [smem:$0x3FFE];
	_ =	sdelay $0x1  }
0x8a: {  	s1 =	srdreg.scid  }
0x8b: {  	s0 =	sand.u32 $0x1, s1  }
0x8c: {  	s16 =	sshll.u32 s0, $0xA;
	s2 =	sadd.s32 s3, s2  }
0x8d: {  	s2 =	sadd.s32 s2, s16  }
0x8e: {  	[smem:$0x3FBF] =	sst s2  }
0x8f: {  	_ = 	snop  }
0x90: {  	(tm) =	ssettm $0x1  }
0x91: {  	s17 =	sld [smem:$0x3FFB];
	_ =	sdelay $0x3  }
0x92: {  	_ =	strace s17  }
0x93: {  	s2 =	sld [smem:$0x3FFC];
	_ =	sdelay $0x3  }
0x94: {  	_ =	strace s2  }
0x95: {  	s2 =	sld [smem:$0x3FFD];
	_ =	sdelay $0x3  }
0x96: {  	_ =	strace s2  }
0x97: {  	_ =	strace $0x8FFFFFFF  }
0x98: {  	s18 =	sld [smem:$0x3FDB];
	_ =	sdelay $0x1  }
0x99: {  	s19 =	simm.s32 $_scs_section_size  }
0x9a: {  	s4 =	simm.s32 $_size__tile_overlayer_lowered;
	s5 =	simm.s32 $_tile_overlayer_lowered  }
0x9b: {  	s22 =	simm.s32 $0x1BFF;
	s21 =	sshll.u32 s5, $0x1;
	s2 =	sadd.s32 s19, s18  }
0x9c: {  	s6 =	simm.s32 $0x0;
	s20 =	sshll.u32 s4, $0x1;
	s4 =	sadd.s32 s21, s2  }
0x9d: {  	[timem:s6], [sflag:s22] =	dma.local [hbm:s4], s20  }
0x9e: {  	_ =	swait.ge [sflag:s22], s20  }
0x9f: {  	s3 =	ssub.s32 $0x0, s20;
	[sflag:s22] =	ssyncset.done $0x0  }
0xa0: {  	[sflag:s22] =	ssyncadd.s32 s3;
	_ =	sdelay $0x1  }
0xa1: {  	s23 =	simm.s32 $0x1B8B  }
0xa2: {  	_ =	swait.ge [sflag:s23], $0x1  }
0xa3: {  	[sflag:s23] =	ssyncset.done $0x0  }
0xa4: {  	s25 =	simm.s32 $0x1B8E;
	s24 =	sld [smem:$0x3FFE];
	[sflag:s23] =	ssyncadd.s32 $0xFFFFFFFF  }
0xa5: {  	s26 =	simm.s32 $execute0_lowered;
	[smem:$0x3FD2] =	sst s25  }
0xa6: {  	s4 =	sshll.u32 s26, $0x1;
	_ =	strace $0x80000046;
	[dreg:$0x1] =	wrdreg $0xFFFFFFFF  }
0xa7: {  	s28 =	simm.s32 $_size_execute0_lowered;
	s2 =	sadd.s32 s2, s4;
	[dreg:$0x0] =	wrdreg $0x0  }
0xa8: {  	s4 =	sshll.u32 s28, $0x1;
	[dreg:$0x2] =	wrdreg s2  }
0xa9: {  	[dreg:$0x3] =	wrdreg s4  }
0xaa: {  	[dreg:$0x4] =	wrdreg $0xC0  }
0xab: {  	_ =	task [dreg:s6], $0x5FFFF  }
0xac: {  	[dreg:$0x1] =	wrdreg $0xFFFFFFFF  }
0xad: {  	[dreg:$0x0] =	wrdreg $0x60  }
0xae: {  	[dreg:$0x2] =	wrdreg s24  }
0xaf: {  	[dreg:$0x3] =	wrdreg $0x68000  }
0xb0: {  	[dreg:$0x4] =	wrdreg $0x9  }
0xb1: {  	_ =	task.clear_ibuf [dreg:s6], $0x5FFFF;
	_ =	strace $0x90000046  }
0xb2: {  	s29 =	simm.s32 $0x9;
	_ =	strace $0x80000048  }
0xb3: {  	_ =	swait.ge [sflag:s29], $0x1  }
0xb4: {  	[sflag:s29] =	ssyncadd.s32 $0xFFFFFFFF  }
0xb5: {  	_ =	strace $0x90000048  }
0xb6: {  	_ =	sfence  }
0xb7: {  	s30 =	sld [smem:$0x0];
	_ =	sdelay $0x2  }
0xb8: {  	s31 =	sshll.u32 s1, $0xD;
	s1 =	sshrl.u32 s1, $0x2  }
0xb9: {  	s3 =	sand.u32 $0x4000, s31;
	s1 =	sadd.s32 s1, s30  }
0xba: {  	s0 =	sor.u32 s3, s0;
	s1 =	sshll.u32 s1, $0x11  }
0xbb: {  	s0 =	sor.u32 s1, s0  }
0xbc: {  	s0 =	sadd.s32 $0x8F2B, s0  }
0xbd: {  	[sflag:s0] =	ssyncadd.remote.s32 $0x1  }
0xbe: {  	_ =	sfence.sel $0xFFFF  }
0xbf: {  	[dreg:$0x0] =	wrdreg $0xFFFFFFFF;
	(pc) =	sbr.abs _section_cstart, $3  }
0xc0: {  	[dreg:$0x1] =	wrdreg $0xFFFFFFFF  }
0xc1: {  	_ =	task.clear_ibuf [dreg:s6], $0x2FFFF;
	_ =	strace $0x9FFFFFFF  }
0xc2: {  	(tm) =	ssettm $0x7FFFFFFF  }
0xc3: {  	_ =	shalt  }
tec
execute0_lowered:
.L_overlay_start_1:
0x0: {  	(tag) =	ssettag $0x1  }
0x1: {  	s5 =	rddreg [dreg:$0x0]  }
0x2: {  	s1 =	rddreg [dreg:$0x1];
	s2 =	srdreg.scid  }
0x3: {  	s0 =	rddreg [dreg:$0x2];
	s3 =	simm.s32 $0x0;
	s14 =	simm.s32 $0x1  }
0x4: {  	s15 =	simm.s32 $0x2800;
	s16 =	simm.s32 $0x80;
	s20 =	simm.s32 $0x0  }
0x5: {  	s6 =	sand.u32 $0x1, s2;
	s2 =	stileid.u32;
	[smem:$0x7FF] =	sst s3  }
0x6: {  	s4 =	sshll.u32 s6, $0x4;
	s8 =	ssub.s32 $0x2, s6;
	s6 =	smul.u32 $0x138800, s6  }
0x7: {  	s11 =	sadd.s32 $0xD600, s5;
	s17 =	sadd.s32 $0x12C000, s1;
	s10 =	smul.u32 $0x14000, s2  }
0x8: {  	_ =	strace $0x80000047;
	s29 =	smul.u32 $0x50000, s2;
	p0 =	seq.s32 s2, $0xF  }
0x9: {  	s4 =	sor.u32 s2, s4;
	s9 =	sshrl.u32 s8, $0x1;
	s17 =	sshrl.u32 @p0 s17, $0x3  }
0xa: {  	s18 =	sshll.u32 @!p0 s2, $0x6;
	s7 =	smul.u32 $0x500, s4;
	s4 =	sadd.s32 $0xCE00, s5  }
0xb: {  	s9 =	ssub.s32 s8, s9;
	s30 =	sadd.s32 s10, s6;
	s6 =	sshrl.u32 s6, $0x3  }
0xc: {  	s8 =	sshrl.u32 s29, $0x2;
	s18 =	sor.u32 @!p0 $0x1C01, s18;
	s31 =	sadd.s32 s11, s6  }
0xd: {  	s6 =	sadd.s32 s8, s1;
	s9 =	smax.u32 s9, $0x1;
	s7 =	sadd.s32 s7, s5  }
0xe: {  	s8 =	sadd.s32 $0x25800, s31;
	s10 =	sadd.s32 $0x4000, s6;
	s12 =	sadd.s32 $0xC000, s6  }
0xf: {  	s13 =	sadd.s32 $0x10000, s6;
	s5 =	sadd.s32 $0x2E00, s7;
	s7 =	sshrl.u32 s30, $0x3  }
0x10: {  	v0 =	vimm.f32 $0.0e+00;
	s19 =	sshrl.u32 @!p0 s6, $0x3;
	s7 =	sadd.s32 s11, s7;
	s11 =	sadd.s32 $0x8000, s6  }
.LBB2_1:
0x11: {  	[tilespmem:s3], [sflag:$0x1] =	stream.linear.gather [hbm4b:s5+s3], $0x2800, $0x38;
	[tilespmem:$0x1A800] =	vst v63  }
0x12: {  	_ =	swait.ge [sflag:s14], $0x2800  }
0x13: {  	[sflag:s14] =	ssyncset.done $0x0  }
0x14: {  	s21 =	simm.s32 $0x0;
	s22 =	simm.s32 $0x200;
	[sflag:s14] =	ssyncadd.s32 $0xFFFFD800  }
.LBB2_2:
0x15: {  	p1 =	sne.s32 s22, $0xFE00;
	[tilespmem:s21+$0x2870] =	vst v0  }
0x16: {  	[tilespmem:s21+$0x2800] =	vst v0  }
0x17: {  	[tilespmem:s21+$0x2810] =	vst v0  }
.Ltmp0:
0x18: {  	[tilespmem:s21+$0x2820] =	vst v0;
	(pc) =	sbr.rel @p1 .LBB2_2-.Ltmp0, $4  }
0x19: {  	[tilespmem:s21+$0x2830] =	vst v0  }
0x1a: {  	[tilespmem:s21+$0x2840] =	vst v0  }
0x1b: {  	[tilespmem:s21+$0x2850] =	vst v0  }
0x1c: {  	[tilespmem:s21+$0x2860] =	vst v0;
	s21 =	sshra.s32 s22, $0x2;
	s22 =	sadd.s32 $0x200, s22  }
0x1d: {  	[tilespmem:s21+$0x2870] =	vst v0  }
0x1e: {  	[tilespmem:s21+$0x2800] =	vst v0  }
0x1f: {  	[tilespmem:s21+$0x2810] =	vst v0  }
0x20: {  	[tilespmem:s21+$0x2820] =	vst v0  }
0x21: {  	[tilespmem:s21+$0x2830] =	vst v0  }
0x22: {  	[tilespmem:s21+$0x2840] =	vst v0  }
0x23: {  	[tilespmem:s21+$0x2850] =	vst v0  }
0x24: {  	[tilespmem:s21+$0x2860] =	vst v0  }
0x25: {  	[spmem:s6] =	stream.linear.scatter [tilespmem:s15], [sflag:$0x1], $0x4000, $0x38;
	[tilespmem:$0x1A800] =	vst v63  }
0x26: {  	_ =	swait.ge [sflag:s14], $0x4000  }
0x27: {  	[sflag:s14] =	ssyncset.done $0x0  }
0x28: {  	[sflag:s14] =	ssyncadd.s32 $0xFFFFC000  }
0x29: {  	[spmem:s10] =	stream.linear.scatter [tilespmem:s15], [sflag:$0x1], $0x4000, $0x38;
	[tilespmem:$0x1A800] =	vst v63  }
0x2a: {  	_ =	swait.ge [sflag:s14], $0x4000  }
0x2b: {  	[sflag:s14] =	ssyncset.done $0x0  }
0x2c: {  	[sflag:s14] =	ssyncadd.s32 $0xFFFFC000  }
0x2d: {  	[spmem:s11] =	stream.linear.scatter [tilespmem:s15], [sflag:$0x1], $0x4000, $0x38;
	[tilespmem:$0x1A800] =	vst v63  }
0x2e: {  	_ =	swait.ge [sflag:s14], $0x4000  }
0x2f: {  	[sflag:s14] =	ssyncset.done $0x0  }
0x30: {  	[sflag:s14] =	ssyncadd.s32 $0xFFFFC000  }
0x31: {  	[spmem:s12] =	stream.linear.scatter [tilespmem:s15], [sflag:$0x1], $0x4000, $0x38;
	[tilespmem:$0x1A800] =	vst v63  }
0x32: {  	_ =	swait.ge [sflag:s14], $0x4000  }
0x33: {  	[sflag:s14] =	ssyncset.done $0x0  }
0x34: {  	[sflag:s14] =	ssyncadd.s32 $0xFFFFC000  }
0x35: {  	[spmem:s13] =	stream.linear.scatter [tilespmem:s15], [sflag:$0x1], $0x4000, $0x38;
	[tilespmem:$0x1A800] =	vst v63  }
0x36: {  	_ =	swait.ge [sflag:s14], $0x4000  }
0x37: {  	[sflag:s14] =	ssyncset.done $0x0  }
0x38: {  	s30 =	simm.s32 $0x0;
	[sflag:s14] =	ssyncadd.s32 $0xFFFFC000  }
0x39: {  	[tilespmem:s15], [sflag:$0x1] =	stream.linear.gather [hbm4b:s4+s30], $0x4000, $0x38;
	[tilespmem:$0x1A800] =	vst v63  }
0x3a: {  	_ =	swait.ge [sflag:s14], $0x4000  }
0x3b: {  	[sflag:s14] =	ssyncset.done $0x0  }
0x3c: {  	[sflag:s14] =	ssyncadd.s32 $0xFFFFC000  }
0x3d: {  	s31 =	simm.s32 $0x0;
	[bflag:$0x0] =	sbarrier.arrive $0xFFFF  }
0x3e: {  	[spmem:s1] =	stream.indirect.scatter.add.f32 [tilespmem:s15], [sflag:$0x1], $0x80, s31, s16, $0xb8;
	[tilespmem:$0x1A800] =	vst v63  }
0x3f: {  	_ =	swait.ge [sflag:s14], $0x4000  }
0x40: {  	s21 =	simm.s32 $0x200;
	[sflag:s14] =	ssyncset.done $0x0  }
.LBB2_4:
0x41: {  	s22 =	sshra.s32 s21, $0x2;
	[sflag:s14] =	ssyncadd.s32 $0xFFFFC000;
	p1 =	sne.s32 s21, $0x9E00  }
0x42: {  	[spmem:s1] =	stream.indirect.scatter.add.f32 [tilespmem:s15], [sflag:$0x1], $0x80, s22, s16, $0xb8;
	[tilespmem:$0x1A800] =	vst v63  }
.Ltmp1:
0x43: {  	_ = 	snop;
	(pc) =	sbr.rel @p1 .LBB2_4-.Ltmp1, $4  }
0x44: {  	_ = 	snop  }
0x45: {  	s21 =	sadd.s32 $0x200, s21  }
0x46: {  	_ =	swait.ge [sflag:s14], $0x4000  }
0x47: {  	[sflag:s14] =	ssyncset.done $0x0  }
0x48: {  	[sflag:s14] =	ssyncadd.s32 $0xFFFFC000  }
0x49: {  	s21 =	simm.s32 @p0 $0x1FC1;
	[bflag:$0x0] =	sbarrier.arrive $0xFFFF  }
0x4a: {  	[hbm:s8], [sflag:s21] =	dma.local @p0 [spmem:s17], $0x1900  }
0x4b: {  	s21 =	simm.s32 @p0 $0x1  }
0x4c: {  	s20 =	sadd.s32 $0x1, s20;
	_ =	swait.ge @p0 [sflag:s21], $0x1900  }
0x4d: {  	p1 =	sne.s32 s20, s9;
	[sflag:s21] =	ssyncset.done @p0 $0x0  }
.Ltmp2:
0x4e: {  	[sflag:s21] =	ssyncadd.s32 @p0 $0xFFFFE700;
	s21 =	simm.s32 @!p0 $0x1;
	(pc) =	sbr.rel @p1 .LBB2_1-.Ltmp2, $4  }
0x4f: {  	[hbm:s7], [sflag:s18] =	dma.local @!p0 [spmem:s19], $0x2800  }
0x50: {  	_ =	swait.ge @!p0 [sflag:s21], $0x2800  }
0x51: {  	[sflag:s21] =	ssyncset.done @!p0 $0x0  }
0x52: {  	[sflag:s21] =	ssyncadd.s32 @!p0 $0xFFFFD800  }
0x53: {  	_ =	sfence.sel $0x180000  }
0x54: {  	[bflag:$0x0] =	sbarrier.arrive $0xFFFF  }
0x55: {  	p0 =	sne.s32 s2, $0x0;
	_ =	strace $0x90000047  }
0x56: {  	s0 =	sadd.s32 @!p0 $0x100000, s0;
	[bflag:$0x2] =	sbarrier.arrive $0xFFFF  }
0x57: {  	[sflag:s0] =	ssyncadd.tile.s32 @!p0 $0x1;
	_ =	shalt  }
.Lfunc_end2:
_tile_overlayer_lowered:
.L_overlay_start_2:
0x58: {  	(tag) =	ssettag $0x2  }
0x59: {  	s0 =	rddreg [dreg:$0x0];
	s2 =	stileid.u32  }
0x5a: {  	s1 =	rddreg [dreg:$0x1];
	p0 =	sne.s32 s2, $0x0  }
0x5b: {  	s3 =	rddreg [dreg:$0x2];
	[bflag:$0x3] =	sbarrier.arrive $0xFFFF;
	s2 =	simm.s32 @!p0 $0x1C01  }
0x5c: {  	[timem:s3], [sflag:s2] =	dma.local @!p0 [hbm:s0], s1  }
0x5d: {  	s0 =	simm.s32 @!p0 $0x1  }
0x5e: {  	_ =	swait.ge @!p0 [sflag:s0], s1  }
0x5f: {  	s1 =	ssub.s32 @!p0 $0x0, s1;
	[sflag:s0] =	ssyncset.done @!p0 $0x0  }
0x60: {  	[sflag:s0] =	ssyncadd.s32 @!p0 s1  }
0x61: {  	[bflag:$0x3] =	sbarrier.arrive $0xFFFF  }
0x62: {  	_ =	shalt  }

</sc_bundles>
